<compile_context>
chip_gen: v7x
topology: tpu7x:2x2x1
jax: 0.10.2.dev20260603
libtpu: 0.0.44.dev20260713+nightly
codegen_flags: <defaults>
</compile_context>

<pallas_src>
import functools

import jax
import jax.numpy as jnp
from jax import lax
from jax.experimental import pallas as pl
from jax.experimental.pallas import tpu as pltpu
from jax.experimental.pallas import tpu_sc as plsc

NC = 2
NS = 16
LANES = 16
CHUNK = 256
SUB = CHUNK // 128


def _make_deg(n_chunks, n_out, n_pad):
  mesh = plsc.VectorSubcoreMesh(core_axis_name="c", subcore_axis_name="s")

  del n_out
  @functools.partial(
      pl.kernel,
      out_type=jax.ShapeDtypeStruct((NC, n_pad, 128), jnp.float32),
      mesh=mesh,
      scratch_types=[
          pltpu.VMEM((SUB, 128), jnp.int32),
          pltpu.VMEM((128, 128), jnp.float32),
          pltpu.VMEM_SHARED((n_pad, 128), jnp.float32),
      ],
  )
  def deg_kernel(dst_hbm, out_hbm, dst_v, ones_v, acc_sh):
    c = lax.axis_index("c")
    s = lax.axis_index("s")
    zero16 = jnp.zeros((LANES,), jnp.float32)
    one16 = jnp.ones((LANES,), jnp.float32)

    def fill(val):
      def frow(i, carry):
        for j in range(128 // LANES):
          ones_v[i, pl.ds(j * LANES, LANES)] = val
        return carry
      lax.fori_loop(0, 128, frow, 0)

    fill(zero16)

    rows_per_tile = n_pad // NS
    base = s * rows_per_tile
    done = 0
    while done < rows_per_tile:
      step = min(128, rows_per_tile - done)
      pltpu.sync_copy(ones_v.at[pl.ds(0, step)],
                      acc_sh.at[pl.ds(base + done, step)])
      done += step

    fill(one16)
    plsc.subcore_barrier()

    def body(i, carry):
      pltpu.sync_copy(dst_hbm.at[c].at[s].at[i], dst_v)
      for j in range(SUB):
        pltpu.sync_copy(ones_v, acc_sh.at[dst_v.at[j]], add=True)
      return carry

    lax.fori_loop(0, n_chunks, body, 0)
    plsc.subcore_barrier()

    out_rows = n_pad // NS
    pltpu.sync_copy(acc_sh.at[pl.ds(s * out_rows, out_rows)],
                    out_hbm.at[c].at[pl.ds(s * out_rows, out_rows)])

  return deg_kernel


def _make_segsum(n_chunks, n_out, n_pad):
  mesh = plsc.VectorSubcoreMesh(core_axis_name="c", subcore_axis_name="s")

  del n_out
  @functools.partial(
      pl.kernel,
      out_type=jax.ShapeDtypeStruct((NC, n_pad, 128), jnp.float32),
      mesh=mesh,
      scratch_types=[
          pltpu.VMEM((SUB, 128), jnp.int32),
          pltpu.VMEM((SUB, 128), jnp.int32),
          pltpu.VMEM((CHUNK, 128), jnp.float32),
          pltpu.VMEM_SHARED((n_pad, 128), jnp.float32),
          pltpu.SemaphoreType.DMA,
      ],
  )
  def segsum_kernel(table_hbm, src_hbm, dst_hbm, out_hbm,
                    src_v, dst_v, rows_v, acc_sh, sem):
    c = lax.axis_index("c")
    s = lax.axis_index("s")
    zero16 = jnp.zeros((LANES,), jnp.float32)

    def zrow(i, carry):
      for j in range(128 // LANES):
        rows_v[i, pl.ds(j * LANES, LANES)] = zero16
      return carry

    lax.fori_loop(0, CHUNK, zrow, 0)

    rows_per_tile = n_pad // NS
    base = s * rows_per_tile
    done = 0
    while done < rows_per_tile:
      step = min(CHUNK, rows_per_tile - done)
      pltpu.sync_copy(rows_v.at[pl.ds(0, step)],
                      acc_sh.at[pl.ds(base + done, step)])
      done += step
    plsc.subcore_barrier()

    def body(i, carry):
      pltpu.sync_copy(src_hbm.at[c].at[s].at[i], src_v)
      pltpu.sync_copy(dst_hbm.at[c].at[s].at[i], dst_v)
      cps = [
          pltpu.async_copy(table_hbm.at[src_v.at[j]],
                           rows_v.at[pl.ds(j * 128, 128)], sem)
          for j in range(SUB)
      ]
      for cp in cps:
        cp.wait()
      for j in range(SUB):
        pltpu.sync_copy(rows_v.at[pl.ds(j * 128, 128)],
                        acc_sh.at[dst_v.at[j]], add=True)
      return carry

    lax.fori_loop(0, n_chunks, body, 0)
    plsc.subcore_barrier()

    out_rows = n_pad // NS
    pltpu.sync_copy(acc_sh.at[pl.ds(s * out_rows, out_rows)],
                    out_hbm.at[c].at[pl.ds(s * out_rows, out_rows)])

  return segsum_kernel


def _stage_a(x, W1, deg_parts, block):
  n, d_in = x.shape
  d_hid = W1.shape[1]
  grid = n // block

  def body(x_ref, w_ref, dp_ref, h1s_ref, dinv_ref):
    d = dp_ref[0] + dp_ref[1] + 1.0
    dinv = lax.rsqrt(d)[:, 0:1]
    h = jnp.dot(x_ref[...], w_ref[...],
                preferred_element_type=jnp.float32,
                precision=lax.Precision.HIGHEST)
    h1s_ref[...] = h * dinv
    dinv_ref[...] = dinv

  return pl.pallas_call(
      body,
      grid=(grid,),
      in_specs=[
          pl.BlockSpec((block, d_in), lambda i: (i, 0)),
          pl.BlockSpec((d_in, d_hid), lambda i: (0, 0)),
          pl.BlockSpec((NC, block, 128), lambda i: (0, i, 0)),
      ],
      out_specs=[
          pl.BlockSpec((block, d_hid), lambda i: (i, 0)),
          pl.BlockSpec((block, 1), lambda i: (i, 0)),
      ],
      out_shape=[
          jax.ShapeDtypeStruct((n, d_hid), jnp.float32),
          jax.ShapeDtypeStruct((n, 1), jnp.float32),
      ],
  )(x, W1, deg_parts)


def _stage_b(acc1, h1s, dinv, b1, W2, block):
  n, d_hid = h1s.shape
  d_out = W2.shape[1]
  grid = n // block

  def body(acc_ref, h1s_ref, dinv_ref, b1_ref, w2_ref, h2s_ref):
    dv = dinv_ref[...]
    w2 = w2_ref[...]
    h2 = None
    for ci in range(NC):
      t = acc_ref[ci] + h1s_ref[:, ci * 128:(ci + 1) * 128]
      t = jnp.maximum(dv * t + b1_ref[:, ci * 128:(ci + 1) * 128], 0.0)
      p = jnp.dot(t, w2[ci * 128:(ci + 1) * 128, :],
                  preferred_element_type=jnp.float32,
                  precision=lax.Precision.HIGHEST)
      h2 = p if h2 is None else h2 + p
    h2s_ref[...] = h2 * dv

  return pl.pallas_call(
      body,
      grid=(grid,),
      in_specs=[
          pl.BlockSpec((NC, block, 128), lambda i: (0, i, 0)),
          pl.BlockSpec((block, d_hid), lambda i: (i, 0)),
          pl.BlockSpec((block, 1), lambda i: (i, 0)),
          pl.BlockSpec((1, d_hid), lambda i: (0, 0)),
          pl.BlockSpec((d_hid, d_out), lambda i: (0, 0)),
      ],
      out_specs=pl.BlockSpec((block, d_out), lambda i: (i, 0)),
      out_shape=jax.ShapeDtypeStruct((n, d_out), jnp.float32),
  )(acc1, h1s, dinv, b1, W2)


def _stage_c(acc2, h2s, dinv, b2, block):
  n, d_out = h2s.shape
  grid = n // block

  def body(acc_ref, h2s_ref, dinv_ref, b2_ref, out_ref):
    acc = acc_ref[0] + acc_ref[1]
    out_ref[...] = dinv_ref[...] * (acc + h2s_ref[...]) + b2_ref[...]

  return pl.pallas_call(
      body,
      grid=(grid,),
      in_specs=[
          pl.BlockSpec((NC, block, 128), lambda i: (0, i, 0)),
          pl.BlockSpec((block, d_out), lambda i: (i, 0)),
          pl.BlockSpec((block, 1), lambda i: (i, 0)),
          pl.BlockSpec((1, d_out), lambda i: (0, 0)),
      ],
      out_specs=pl.BlockSpec((block, d_out), lambda i: (i, 0)),
      out_shape=jax.ShapeDtypeStruct((n, d_out), jnp.float32),
  )(acc2, h2s, dinv, b2)


def kernel(x, edge_index, W1, b1, W2, b2):
  n = x.shape[0]
  e = edge_index.shape[1]
  per = NC * NS * CHUNK
  e_pad = -(-e // per) * per
  n_pad = -(-(n + 1) // (NS * 8)) * (NS * 8)
  pad = e_pad - e
  block = 1000

  src = edge_index[0]
  dst = edge_index[1]
  spare = n_pad - n
  pad1 = pad // NS
  pad2 = pad // (NC * NS)
  pad_src1 = (jnp.arange(pad, dtype=jnp.int32) * 7919) % n
  pad_dst1 = n + jnp.arange(pad, dtype=jnp.int32) % spare
  src_t1 = jnp.concatenate(
      [src.reshape(NS, -1), pad_src1.reshape(NS, pad1)], axis=1)
  dst_t1 = jnp.concatenate(
      [dst.reshape(NS, -1), pad_dst1.reshape(NS, pad1)], axis=1)
  src_t2 = jnp.concatenate(
      [src.reshape(NC, NS, -1), pad_src1.reshape(NC, NS, pad2)], axis=2)
  dst_t2 = jnp.concatenate(
      [dst.reshape(NC, NS, -1), pad_dst1.reshape(NC, NS, pad2)], axis=2)

  deg_chunks = e_pad // per
  dst_deg = dst_t2.reshape(NC, NS, deg_chunks, SUB, 128)
  deg_parts = _make_deg(deg_chunks, n, n_pad)(dst_deg)

  h1s, dinv = _stage_a(x, W1, deg_parts, block)

  l1_chunks = e_pad // (NS * CHUNK)
  src1 = jnp.stack([2 * src_t1, 2 * src_t1 + 1]).reshape(NC, NS, l1_chunks,
                                                         SUB, 128)
  dst1 = jnp.stack([dst_t1, dst_t1]).reshape(NC, NS, l1_chunks, SUB, 128)
  acc1 = _make_segsum(l1_chunks, n, n_pad)(h1s.reshape(2 * n, 128),
                                           src1, dst1)

  h2s = _stage_b(acc1, h1s, dinv, b1.reshape(1, -1), W2, block)

  l2_chunks = e_pad // per
  src2 = src_t2.reshape(NC, NS, l2_chunks, SUB, 128)
  dst2 = dst_t2.reshape(NC, NS, l2_chunks, SUB, 128)
  acc2 = _make_segsum(l2_chunks, n, n_pad)(h2s, src2, dst2)

  return _stage_c(acc2, h2s, dinv, b2.reshape(1, -1), block)

# --- scband reference (transcript-rebuilt; emitter-appended) ---
"""Pipeline reference for scband-gcnencoder-5892695130195 (READ-ONLY COPY).

The authoritative reference and input builder live on the scoring server;
editing this copy changes nothing except your own understanding.
"""

import jax, jax.numpy as jnp
import numpy as np

N = 10000
E = 320000
D_IN = 128
D_HID = 256
D_OUT = 128


def gcn_conv(x, edge_index, W, b):
    # Faithful PyG-style GCNConv: add self-loops, symmetric normalization,
    # linear transform, scatter-add aggregation at target nodes, plus bias.
    n = x.shape[0]
    loops = jnp.arange(n, dtype=edge_index.dtype)
    src = jnp.concatenate([edge_index[0], loops])
    dst = jnp.concatenate([edge_index[1], loops])
    ones = jnp.ones(src.shape[0], dtype=x.dtype)
    deg = jax.ops.segment_sum(ones, dst, num_segments=n)
    dinv = jnp.where(deg > 0, deg ** -0.5, 0.0)
    norm = dinv[src] * dinv[dst]
    h = x @ W
    msg = h[src] * norm[:, None]
    out = jax.ops.segment_sum(msg, dst, num_segments=n)
    return out + b


def setup_inputs(seed: int = 0) -> dict:
    key = jax.random.key(seed)
    k1, k2, k3, k4, k5, k6 = jax.random.split(key, 6)
    x = jax.random.normal(k1, (N, D_IN), dtype=jnp.float32)
    edge_index = jax.random.randint(k2, (2, E), 0, N, dtype=jnp.int32)
    # Glorot-style init for the two GCNConv layers
    s1 = (6.0 / (D_IN + D_HID)) ** 0.5
    s2 = (6.0 / (D_HID + D_OUT)) ** 0.5
    W1 = jax.random.uniform(k3, (D_IN, D_HID), jnp.float32, -s1, s1)
    b1 = jnp.zeros((D_HID,), jnp.float32)
    W2 = jax.random.uniform(k4, (D_HID, D_OUT), jnp.float32, -s2, s2)
    b2 = jnp.zeros((D_OUT,), jnp.float32)
    return {"x": x, "edge_index": edge_index, "W1": W1, "b1": b1, "W2": W2, "b2": b2}


def reference(x, edge_index, W1, b1, W2, b2):
    h = jax.nn.relu(gcn_conv(x, edge_index, W1, b1))
    return gcn_conv(h, edge_index, W2, b2)

if __name__ == "__main__":
    import jax
    _d = setup_inputs()
    print(jax.jit(kernel)(*tuple(_d.values())))

</pallas_src>

<mosaic_0001>
#map = affine_map<(d0, d1) -> (0, 0, 0, 0, 0)>
#map1 = affine_map<(d0, d1) -> (0, 0, 0)>
module attributes {stable_mosaic.version = 14 : i64} {
  func.func @deg_kernel(%arg0: i32, %arg1: i32, %arg2: memref<2x16x40x2x128xi32, #tpu.memory_space<hbm>>, %arg3: memref<2x10112x128xf32, #tpu.memory_space<hbm>>, %arg4: memref<2x128xi32, #tpu.memory_space<vmem>>, %arg5: memref<128x128xf32, #tpu.memory_space<vmem>>, %arg6: memref<10112x128xf32, #tpu.memory_space<vmem_shared>>) attributes {dimension_semantics = [#tpu.dimension_semantics<core_parallel>, #tpu.dimension_semantics<subcore_parallel>], iteration_bounds = array<i64: 2, 16>, scalar_prefetch = 0 : i64, scratch_operands = 3 : i64, tpu.core_type = #tpu.core_type<sc_vector_subcore>, window_params = [{transform_indices = #map}, {transform_indices = #map1}]} {
    %broadcast_in_dim3A = arith.constant 0.000000e+00 : f32
    %broadcast_in_dim3A_0 = vector.broadcast %broadcast_in_dim3A : f32 to vector<16xf32>
    %broadcast_in_dim3A_1 = arith.constant 1.000000e+00 : f32
    %broadcast_in_dim3A_2 = vector.broadcast %broadcast_in_dim3A_1 : f32 to vector<16xf32>
    %scan3A = arith.constant 0 : i32
    %scan3A_3 = arith.constant 0 : i32
    %scan3A_4 = arith.constant 128 : i32
    %scan3A_5 = arith.addi %scan3A_3, %scan3A_4 : i32
    %scan3A_6 = arith.constant 1 : i32
    scf.for %scan3A_35 = %scan3A_3 to %scan3A_5 step %scan3A_6  : i32 {
      %swap3A = arith.index_cast %scan3A_35 : i32 to index
      %swap3A_36 = arith.constant 0 : index
      %swap3A_37 = tpu.vector_load %arg5[%swap3A, %swap3A_36] {strides = array<i32>} : memref<128x128xf32, #tpu.memory_space<vmem>>, vector<1x16xf32>,
      %swap3A_38 = vector.shape_cast %swap3A_37 : vector<1x16xf32> to vector<16xf32>
      %swap3A_39 = vector.shape_cast %broadcast_in_dim3A_0 : vector<16xf32> to vector<1x16xf32>
      tpu.vector_store %arg5[%swap3A, %swap3A_36], %swap3A_39 {strides = array<i32>} : memref<128x128xf32, #tpu.memory_space<vmem>>, vector<1x16xf32>,
      %swap3A_40 = arith.index_cast %scan3A_35 : i32 to index
      %swap3A_41 = arith.constant 16 : index
      %swap3A_42 = tpu.vector_load %arg5[%swap3A_40, %swap3A_41] {strides = array<i32>} : memref<128x128xf32, #tpu.memory_space<vmem>>, vector<1x16xf32>,
      %swap3A_43 = vector.shape_cast %swap3A_42 : vector<1x16xf32> to vector<16xf32>
      %swap3A_44 = vector.shape_cast %broadcast_in_dim3A_0 : vector<16xf32> to vector<1x16xf32>
      tpu.vector_store %arg5[%swap3A_40, %swap3A_41], %swap3A_44 {strides = array<i32>} : memref<128x128xf32, #tpu.memory_space<vmem>>, vector<1x16xf32>,
      %swap3A_45 = arith.index_cast %scan3A_35 : i32 to index
      %swap3A_46 = arith.constant 32 : index
      %swap3A_47 = tpu.vector_load %arg5[%swap3A_45, %swap3A_46] {strides = array<i32>} : memref<128x128xf32, #tpu.memory_space<vmem>>, vector<1x16xf32>,
      %swap3A_48 = vector.shape_cast %swap3A_47 : vector<1x16xf32> to vector<16xf32>
      %swap3A_49 = vector.shape_cast %broadcast_in_dim3A_0 : vector<16xf32> to vector<1x16xf32>
      tpu.vector_store %arg5[%swap3A_45, %swap3A_46], %swap3A_49 {strides = array<i32>} : memref<128x128xf32, #tpu.memory_space<vmem>>, vector<1x16xf32>,
      %swap3A_50 = arith.index_cast %scan3A_35 : i32 to index
      %swap3A_51 = arith.constant 48 : index
      %swap3A_52 = tpu.vector_load %arg5[%swap3A_50, %swap3A_51] {strides = array<i32>} : memref<128x128xf32, #tpu.memory_space<vmem>>, vector<1x16xf32>,
      %swap3A_53 = vector.shape_cast %swap3A_52 : vector<1x16xf32> to vector<16xf32>
      %swap3A_54 = vector.shape_cast %broadcast_in_dim3A_0 : vector<16xf32> to vector<1x16xf32>
      tpu.vector_store %arg5[%swap3A_50, %swap3A_51], %swap3A_54 {strides = array<i32>} : memref<128x128xf32, #tpu.memory_space<vmem>>, vector<1x16xf32>,
      %swap3A_55 = arith.index_cast %scan3A_35 : i32 to index
      %swap3A_56 = arith.constant 64 : index
      %swap3A_57 = tpu.vector_load %arg5[%swap3A_55, %swap3A_56] {strides = array<i32>} : memref<128x128xf32, #tpu.memory_space<vmem>>, vector<1x16xf32>,
      %swap3A_58 = vector.shape_cast %swap3A_57 : vector<1x16xf32> to vector<16xf32>
      %swap3A_59 = vector.shape_cast %broadcast_in_dim3A_0 : vector<16xf32> to vector<1x16xf32>
      tpu.vector_store %arg5[%swap3A_55, %swap3A_56], %swap3A_59 {strides = array<i32>} : memref<128x128xf32, #tpu.memory_space<vmem>>, vector<1x16xf32>,
      %swap3A_60 = arith.index_cast %scan3A_35 : i32 to index
      %swap3A_61 = arith.constant 80 : index
      %swap3A_62 = tpu.vector_load %arg5[%swap3A_60, %swap3A_61] {strides = array<i32>} : memref<128x128xf32, #tpu.memory_space<vmem>>, vector<1x16xf32>,
      %swap3A_63 = vector.shape_cast %swap3A_62 : vector<1x16xf32> to vector<16xf32>
      %swap3A_64 = vector.shape_cast %broadcast_in_dim3A_0 : vector<16xf32> to vector<1x16xf32>
      tpu.vector_store %arg5[%swap3A_60, %swap3A_61], %swap3A_64 {strides = array<i32>} : memref<128x128xf32, #tpu.memory_space<vmem>>, vector<1x16xf32>,
      %swap3A_65 = arith.index_cast %scan3A_35 : i32 to index
      %swap3A_66 = arith.constant 96 : index
      %swap3A_67 = tpu.vector_load %arg5[%swap3A_65, %swap3A_66] {strides = array<i32>} : memref<128x128xf32, #tpu.memory_space<vmem>>, vector<1x16xf32>,
      %swap3A_68 = vector.shape_cast %swap3A_67 : vector<1x16xf32> to vector<16xf32>
      %swap3A_69 = vector.shape_cast %broadcast_in_dim3A_0 : vector<16xf32> to vector<1x16xf32>
      tpu.vector_store %arg5[%swap3A_65, %swap3A_66], %swap3A_69 {strides = array<i32>} : memref<128x128xf32, #tpu.memory_space<vmem>>, vector<1x16xf32>,
      %swap3A_70 = arith.index_cast %scan3A_35 : i32 to index
      %swap3A_71 = arith.constant 112 : index
      %swap3A_72 = tpu.vector_load %arg5[%swap3A_70, %swap3A_71] {strides = array<i32>} : memref<128x128xf32, #tpu.memory_space<vmem>>, vector<1x16xf32>,
      %swap3A_73 = vector.shape_cast %swap3A_72 : vector<1x16xf32> to vector<16xf32>
      %swap3A_74 = vector.shape_cast %broadcast_in_dim3A_0 : vector<16xf32> to vector<1x16xf32>
      tpu.vector_store %arg5[%swap3A_70, %swap3A_71], %swap3A_74 {strides = array<i32>} : memref<128x128xf32, #tpu.memory_space<vmem>>, vector<1x16xf32>,
    }
    %scan3A_7 = arith.constant 128 : i32
    %mul3A = arith.constant 632 : i32
    %mul3A_8 = arith.muli %arg1, %mul3A : i32
    %add3A = arith.constant 0 : i32
    %add3A_9 = arith.addi %mul3A_8, %add3A : i32
    "tpu.region"() ({
      %run_scoped3A = tpu.sem_alloc : memref<!tpu.dma_semaphore, #tpu.memory_space<semaphore_mem>>
      %dma_start3A = arith.constant 0 : i32
      %dma_start3A_35 = arith.constant 0 : i32
      %dma_start3A_36 = tpu.memref_slice %arg5[%dma_start3A, %dma_start3A_35] : memref<128x128xf32, #tpu.memory_space<vmem>> -> memref<128x128xf32, #tpu.memory_space<vmem>>
      %dma_start3A_37 = arith.constant 0 : i32
      %dma_start3A_38 = tpu.memref_slice %arg6[%add3A_9, %dma_start3A_37] : memref<10112x128xf32, #tpu.memory_space<vmem_shared>> -> memref<128x128xf32, #tpu.memory_space<vmem_shared>>
      %dma_start3A_39 = arith.constant 0 : i32
      %dma_start3A_40 = tpu.memref_slice %arg6[%add3A_9, %dma_start3A_39] : memref<10112x128xf32, #tpu.memory_space<vmem_shared>> -> memref<128x128xf32, #tpu.memory_space<vmem_shared>>
      %dma_start3A_41 = arith.constant 0 : i32
      %dma_start3A_42 = arith.constant 0 : i32
      %dma_start3A_43 = tpu.memref_slice %arg5[%dma_start3A_41, %dma_start3A_42] : memref<128x128xf32, #tpu.memory_space<vmem>> -> memref<128x128xf32, #tpu.memory_space<vmem>>
      tpu.enqueue_dma source(%dma_start3A_43 : memref<128x128xf32, #tpu.memory_space<vmem>>) target(%dma_start3A_40 : memref<128x128xf32, #tpu.memory_space<vmem_shared>>) target_semaphore(%run_scoped3A : memref<!tpu.dma_semaphore, #tpu.memory_space<semaphore_mem>>)
      %dma_wait3A = arith.constant 0 : i32
      %dma_wait3A_44 = arith.constant 0 : i32
      %dma_wait3A_45 = tpu.memref_slice %arg5[%dma_wait3A, %dma_wait3A_44] : memref<128x128xf32, #tpu.memory_space<vmem>> -> memref<128x128xf32, #tpu.memory_space<vmem>>
      %dma_wait3A_46 = arith.constant 0 : i32
      %dma_wait3A_47 = tpu.memref_slice %arg6[%add3A_9, %dma_wait3A_46] : memref<10112x128xf32, #tpu.memory_space<vmem_shared>> -> memref<128x128xf32, #tpu.memory_space<vmem_shared>>
      %dma_wait3A_48 = arith.constant 0 : i32
      %dma_wait3A_49 = tpu.memref_slice %arg6[%add3A_9, %dma_wait3A_48] : memref<10112x128xf32, #tpu.memory_space<vmem_shared>> -> memref<128x128xf32, #tpu.memory_space<vmem_shared>>
      %dma_wait3A_50 = arith.constant 0 : i32
      %dma_wait3A_51 = arith.constant 0 : i32
      %dma_wait3A_52 = tpu.memref_slice %arg5[%dma_wait3A_50, %dma_wait3A_51] : memref<128x128xf32, #tpu.memory_space<vmem>> -> memref<128x128xf32, #tpu.memory_space<vmem>>
      tpu.wait_dma2 semaphore(%run_scoped3A : memref<!tpu.dma_semaphore, #tpu.memory_space<semaphore_mem>>) src(%dma_wait3A_52 : memref<128x128xf32, #tpu.memory_space<vmem>>) dst(%dma_wait3A_49 : memref<128x128xf32, #tpu.memory_space<vmem_shared>>)
      tpu.yield
    }) : () -> ()
    %add3A_10 = arith.constant 128 : i32
    %add3A_11 = arith.addi %mul3A_8, %add3A_10 : i32
    "tpu.region"() ({
      %run_scoped3A = tpu.sem_alloc : memref<!tpu.dma_semaphore, #tpu.memory_space<semaphore_mem>>
      %dma_start3A = arith.constant 0 : i32
      %dma_start3A_35 = arith.constant 0 : i32
      %dma_start3A_36 = tpu.memref_slice %arg5[%dma_start3A, %dma_start3A_35] : memref<128x128xf32, #tpu.memory_space<vmem>> -> memref<128x128xf32, #tpu.memory_space<vmem>>
      %dma_start3A_37 = arith.constant 0 : i32
      %dma_start3A_38 = tpu.memref_slice %arg6[%add3A_11, %dma_start3A_37] : memref<10112x128xf32, #tpu.memory_space<vmem_shared>> -> memref<128x128xf32, #tpu.memory_space<vmem_shared>>
      %dma_start3A_39 = arith.constant 0 : i32
      %dma_start3A_40 = tpu.memref_slice %arg6[%add3A_11, %dma_start3A_39] : memref<10112x128xf32, #tpu.memory_space<vmem_shared>> -> memref<128x128xf32, #tpu.memory_space<vmem_shared>>
      %dma_start3A_41 = arith.constant 0 : i32
      %dma_start3A_42 = arith.constant 0 : i32
      %dma_start3A_43 = tpu.memref_slice %arg5[%dma_start3A_41, %dma_start3A_42] : memref<128x128xf32, #tpu.memory_space<vmem>> -> memref<128x128xf32, #tpu.memory_space<vmem>>
      tpu.enqueue_dma source(%dma_start3A_43 : memref<128x128xf32, #tpu.memory_space<vmem>>) target(%dma_start3A_40 : memref<128x128xf32, #tpu.memory_space<vmem_shared>>) target_semaphore(%run_scoped3A : memref<!tpu.dma_semaphore, #tpu.memory_space<semaphore_mem>>)
      %dma_wait3A = arith.constant 0 : i32
      %dma_wait3A_44 = arith.constant 0 : i32
      %dma_wait3A_45 = tpu.memref_slice %arg5[%dma_wait3A, %dma_wait3A_44] : memref<128x128xf32, #tpu.memory_space<vmem>> -> memref<128x128xf32, #tpu.memory_space<vmem>>
      %dma_wait3A_46 = arith.constant 0 : i32
      %dma_wait3A_47 = tpu.memref_slice %arg6[%add3A_11, %dma_wait3A_46] : memref<10112x128xf32, #tpu.memory_space<vmem_shared>> -> memref<128x128xf32, #tpu.memory_space<vmem_shared>>
      %dma_wait3A_48 = arith.constant 0 : i32
      %dma_wait3A_49 = tpu.memref_slice %arg6[%add3A_11, %dma_wait3A_48] : memref<10112x128xf32, #tpu.memory_space<vmem_shared>> -> memref<128x128xf32, #tpu.memory_space<vmem_shared>>
      %dma_wait3A_50 = arith.constant 0 : i32
      %dma_wait3A_51 = arith.constant 0 : i32
      %dma_wait3A_52 = tpu.memref_slice %arg5[%dma_wait3A_50, %dma_wait3A_51] : memref<128x128xf32, #tpu.memory_space<vmem>> -> memref<128x128xf32, #tpu.memory_space<vmem>>
      tpu.wait_dma2 semaphore(%run_scoped3A : memref<!tpu.dma_semaphore, #tpu.memory_space<semaphore_mem>>) src(%dma_wait3A_52 : memref<128x128xf32, #tpu.memory_space<vmem>>) dst(%dma_wait3A_49 : memref<128x128xf32, #tpu.memory_space<vmem_shared>>)
      tpu.yield
    }) : () -> ()
    %add3A_12 = arith.constant 256 : i32
    %add3A_13 = arith.addi %mul3A_8, %add3A_12 : i32
    "tpu.region"() ({
      %run_scoped3A = tpu.sem_alloc : memref<!tpu.dma_semaphore, #tpu.memory_space<semaphore_mem>>
      %dma_start3A = arith.constant 0 : i32
      %dma_start3A_35 = arith.constant 0 : i32
      %dma_start3A_36 = tpu.memref_slice %arg5[%dma_start3A, %dma_start3A_35] : memref<128x128xf32, #tpu.memory_space<vmem>> -> memref<128x128xf32, #tpu.memory_space<vmem>>
      %dma_start3A_37 = arith.constant 0 : i32
      %dma_start3A_38 = tpu.memref_slice %arg6[%add3A_13, %dma_start3A_37] : memref<10112x128xf32, #tpu.memory_space<vmem_shared>> -> memref<128x128xf32, #tpu.memory_space<vmem_shared>>
      %dma_start3A_39 = arith.constant 0 : i32
      %dma_start3A_40 = tpu.memref_slice %arg6[%add3A_13, %dma_start3A_39] : memref<10112x128xf32, #tpu.memory_space<vmem_shared>> -> memref<128x128xf32, #tpu.memory_space<vmem_shared>>
      %dma_start3A_41 = arith.constant 0 : i32
      %dma_start3A_42 = arith.constant 0 : i32
      %dma_start3A_43 = tpu.memref_slice %arg5[%dma_start3A_41, %dma_start3A_42] : memref<128x128xf32, #tpu.memory_space<vmem>> -> memref<128x128xf32, #tpu.memory_space<vmem>>
      tpu.enqueue_dma source(%dma_start3A_43 : memref<128x128xf32, #tpu.memory_space<vmem>>) target(%dma_start3A_40 : memref<128x128xf32, #tpu.memory_space<vmem_shared>>) target_semaphore(%run_scoped3A : memref<!tpu.dma_semaphore, #tpu.memory_space<semaphore_mem>>)
      %dma_wait3A = arith.constant 0 : i32
      %dma_wait3A_44 = arith.constant 0 : i32
      %dma_wait3A_45 = tpu.memref_slice %arg5[%dma_wait3A, %dma_wait3A_44] : memref<128x128xf32, #tpu.memory_space<vmem>> -> memref<128x128xf32, #tpu.memory_space<vmem>>
      %dma_wait3A_46 = arith.constant 0 : i32
      %dma_wait3A_47 = tpu.memref_slice %arg6[%add3A_13, %dma_wait3A_46] : memref<10112x128xf32, #tpu.memory_space<vmem_shared>> -> memref<128x128xf32, #tpu.memory_space<vmem_shared>>
      %dma_wait3A_48 = arith.constant 0 : i32
      %dma_wait3A_49 = tpu.memref_slice %arg6[%add3A_13, %dma_wait3A_48] : memref<10112x128xf32, #tpu.memory_space<vmem_shared>> -> memref<128x128xf32, #tpu.memory_space<vmem_shared>>
      %dma_wait3A_50 = arith.constant 0 : i32
      %dma_wait3A_51 = arith.constant 0 : i32
      %dma_wait3A_52 = tpu.memref_slice %arg5[%dma_wait3A_50, %dma_wait3A_51] : memref<128x128xf32, #tpu.memory_space<vmem>> -> memref<128x128xf32, #tpu.memory_space<vmem>>
      tpu.wait_dma2 semaphore(%run_scoped3A : memref<!tpu.dma_semaphore, #tpu.memory_space<semaphore_mem>>) src(%dma_wait3A_52 : memref<128x128xf32, #tpu.memory_space<vmem>>) dst(%dma_wait3A_49 : memref<128x128xf32, #tpu.memory_space<vmem_shared>>)
      tpu.yield
    }) : () -> ()
    %add3A_14 = arith.constant 384 : i32
    %add3A_15 = arith.addi %mul3A_8, %add3A_14 : i32
    "tpu.region"() ({
      %run_scoped3A = tpu.sem_alloc : memref<!tpu.dma_semaphore, #tpu.memory_space<semaphore_mem>>
      %dma_start3A = arith.constant 0 : i32
      %dma_start3A_35 = arith.constant 0 : i32
      %dma_start3A_36 = tpu.memref_slice %arg5[%dma_start3A, %dma_start3A_35] : memref<128x128xf32, #tpu.memory_space<vmem>> -> memref<128x128xf32, #tpu.memory_space<vmem>>
      %dma_start3A_37 = arith.constant 0 : i32
      %dma_start3A_38 = tpu.memref_slice %arg6[%add3A_15, %dma_start3A_37] : memref<10112x128xf32, #tpu.memory_space<vmem_shared>> -> memref<128x128xf32, #tpu.memory_space<vmem_shared>>
      %dma_start3A_39 = arith.constant 0 : i32
      %dma_start3A_40 = tpu.memref_slice %arg6[%add3A_15, %dma_start3A_39] : memref<10112x128xf32, #tpu.memory_space<vmem_shared>> -> memref<128x128xf32, #tpu.memory_space<vmem_shared>>
      %dma_start3A_41 = arith.constant 0 : i32
      %dma_start3A_42 = arith.constant 0 : i32
      %dma_start3A_43 = tpu.memref_slice %arg5[%dma_start3A_41, %dma_start3A_42] : memref<128x128xf32, #tpu.memory_space<vmem>> -> memref<128x128xf32, #tpu.memory_space<vmem>>
      tpu.enqueue_dma source(%dma_start3A_43 : memref<128x128xf32, #tpu.memory_space<vmem>>) target(%dma_start3A_40 : memref<128x128xf32, #tpu.memory_space<vmem_shared>>) target_semaphore(%run_scoped3A : memref<!tpu.dma_semaphore, #tpu.memory_space<semaphore_mem>>)
      %dma_wait3A = arith.constant 0 : i32
      %dma_wait3A_44 = arith.constant 0 : i32
      %dma_wait3A_45 = tpu.memref_slice %arg5[%dma_wait3A, %dma_wait3A_44] : memref<128x128xf32, #tpu.memory_space<vmem>> -> memref<128x128xf32, #tpu.memory_space<vmem>>
      %dma_wait3A_46 = arith.constant 0 : i32
      %dma_wait3A_47 = tpu.memref_slice %arg6[%add3A_15, %dma_wait3A_46] : memref<10112x128xf32, #tpu.memory_space<vmem_shared>> -> memref<128x128xf32, #tpu.memory_space<vmem_shared>>
      %dma_wait3A_48 = arith.constant 0 : i32
      %dma_wait3A_49 = tpu.memref_slice %arg6[%add3A_15, %dma_wait3A_48] : memref<10112x128xf32, #tpu.memory_space<vmem_shared>> -> memref<128x128xf32, #tpu.memory_space<vmem_shared>>
      %dma_wait3A_50 = arith.constant 0 : i32
      %dma_wait3A_51 = arith.constant 0 : i32
      %dma_wait3A_52 = tpu.memref_slice %arg5[%dma_wait3A_50, %dma_wait3A_51] : memref<128x128xf32, #tpu.memory_space<vmem>> -> memref<128x128xf32, #tpu.memory_space<vmem>>
      tpu.wait_dma2 semaphore(%run_scoped3A : memref<!tpu.dma_semaphore, #tpu.memory_space<semaphore_mem>>) src(%dma_wait3A_52 : memref<128x128xf32, #tpu.memory_space<vmem>>) dst(%dma_wait3A_49 : memref<128x128xf32, #tpu.memory_space<vmem_shared>>)
      tpu.yield
    }) : () -> ()
    %add3A_16 = arith.constant 512 : i32
    %add3A_17 = arith.addi %mul3A_8, %add3A_16 : i32
    "tpu.region"() ({
      %run_scoped3A = tpu.sem_alloc : memref<!tpu.dma_semaphore, #tpu.memory_space<semaphore_mem>>
      %dma_start3A = arith.constant 0 : i32
      %dma_start3A_35 = arith.constant 0 : i32
      %dma_start3A_36 = tpu.memref_slice %arg5[%dma_start3A, %dma_start3A_35] : memref<128x128xf32, #tpu.memory_space<vmem>> -> memref<120x128xf32, #tpu.memory_space<vmem>>
      %dma_start3A_37 = arith.constant 0 : i32
      %dma_start3A_38 = tpu.memref_slice %arg6[%add3A_17, %dma_start3A_37] : memref<10112x128xf32, #tpu.memory_space<vmem_shared>> -> memref<120x128xf32, #tpu.memory_space<vmem_shared>>
      %dma_start3A_39 = arith.constant 0 : i32
      %dma_start3A_40 = tpu.memref_slice %arg6[%add3A_17, %dma_start3A_39] : memref<10112x128xf32, #tpu.memory_space<vmem_shared>> -> memref<120x128xf32, #tpu.memory_space<vmem_shared>>
      %dma_start3A_41 = arith.constant 0 : i32
      %dma_start3A_42 = arith.constant 0 : i32
      %dma_start3A_43 = tpu.memref_slice %arg5[%dma_start3A_41, %dma_start3A_42] : memref<128x128xf32, #tpu.memory_space<vmem>> -> memref<120x128xf32, #tpu.memory_space<vmem>>
      tpu.enqueue_dma source(%dma_start3A_43 : memref<120x128xf32, #tpu.memory_space<vmem>>) target(%dma_start3A_40 : memref<120x128xf32, #tpu.memory_space<vmem_shared>>) target_semaphore(%run_scoped3A : memref<!tpu.dma_semaphore, #tpu.memory_space<semaphore_mem>>)
      %dma_wait3A = arith.constant 0 : i32
      %dma_wait3A_44 = arith.constant 0 : i32
      %dma_wait3A_45 = tpu.memref_slice %arg5[%dma_wait3A, %dma_wait3A_44] : memref<128x128xf32, #tpu.memory_space<vmem>> -> memref<120x128xf32, #tpu.memory_space<vmem>>
      %dma_wait3A_46 = arith.constant 0 : i32
      %dma_wait3A_47 = tpu.memref_slice %arg6[%add3A_17, %dma_wait3A_46] : memref<10112x128xf32, #tpu.memory_space<vmem_shared>> -> memref<120x128xf32, #tpu.memory_space<vmem_shared>>
      %dma_wait3A_48 = arith.constant 0 : i32
      %dma_wait3A_49 = tpu.memref_slice %arg6[%add3A_17, %dma_wait3A_48] : memref<10112x128xf32, #tpu.memory_space<vmem_shared>> -> memref<120x128xf32, #tpu.memory_space<vmem_shared>>
      %dma_wait3A_50 = arith.constant 0 : i32
      %dma_wait3A_51 = arith.constant 0 : i32
      %dma_wait3A_52 = tpu.memref_slice %arg5[%dma_wait3A_50, %dma_wait3A_51] : memref<128x128xf32, #tpu.memory_space<vmem>> -> memref<120x128xf32, #tpu.memory_space<vmem>>
      tpu.wait_dma2 semaphore(%run_scoped3A : memref<!tpu.dma_semaphore, #tpu.memory_space<semaphore_mem>>) src(%dma_wait3A_52 : memref<120x128xf32, #tpu.memory_space<vmem>>) dst(%dma_wait3A_49 : memref<120x128xf32, #tpu.memory_space<vmem_shared>>)
      tpu.yield
    }) : () -> ()
    %scan3A_18 = arith.constant 0 : i32
    %scan3A_19 = arith.constant 0 : i32
    %scan3A_20 = arith.constant 128 : i32
    %scan3A_21 = arith.addi %scan3A_19, %scan3A_20 : i32
    %scan3A_22 = arith.constant 1 : i32
    scf.for %scan3A_35 = %scan3A_19 to %scan3A_21 step %scan3A_22  : i32 {
      %swap3A = arith.index_cast %scan3A_35 : i32 to index
      %swap3A_36 = arith.constant 0 : index
      %swap3A_37 = tpu.vector_load %arg5[%swap3A, %swap3A_36] {strides = array<i32>} : memref<128x128xf32, #tpu.memory_space<vmem>>, vector<1x16xf32>,
      %swap3A_38 = vector.shape_cast %swap3A_37 : vector<1x16xf32> to vector<16xf32>
      %swap3A_39 = vector.shape_cast %broadcast_in_dim3A_2 : vector<16xf32> to vector<1x16xf32>
      tpu.vector_store %arg5[%swap3A, %swap3A_36], %swap3A_39 {strides = array<i32>} : memref<128x128xf32, #tpu.memory_space<vmem>>, vector<1x16xf32>,
      %swap3A_40 = arith.index_cast %scan3A_35 : i32 to index
      %swap3A_41 = arith.constant 16 : index
      %swap3A_42 = tpu.vector_load %arg5[%swap3A_40, %swap3A_41] {strides = array<i32>} : memref<128x128xf32, #tpu.memory_space<vmem>>, vector<1x16xf32>,
      %swap3A_43 = vector.shape_cast %swap3A_42 : vector<1x16xf32> to vector<16xf32>
      %swap3A_44 = vector.shape_cast %broadcast_in_dim3A_2 : vector<16xf32> to vector<1x16xf32>
      tpu.vector_store %arg5[%swap3A_40, %swap3A_41], %swap3A_44 {strides = array<i32>} : memref<128x128xf32, #tpu.memory_space<vmem>>, vector<1x16xf32>,
      %swap3A_45 = arith.index_cast %scan3A_35 : i32 to index
      %swap3A_46 = arith.constant 32 : index
      %swap3A_47 = tpu.vector_load %arg5[%swap3A_45, %swap3A_46] {strides = array<i32>} : memref<128x128xf32, #tpu.memory_space<vmem>>, vector<1x16xf32>,
      %swap3A_48 = vector.shape_cast %swap3A_47 : vector<1x16xf32> to vector<16xf32>
      %swap3A_49 = vector.shape_cast %broadcast_in_dim3A_2 : vector<16xf32> to vector<1x16xf32>
      tpu.vector_store %arg5[%swap3A_45, %swap3A_46], %swap3A_49 {strides = array<i32>} : memref<128x128xf32, #tpu.memory_space<vmem>>, vector<1x16xf32>,
      %swap3A_50 = arith.index_cast %scan3A_35 : i32 to index
      %swap3A_51 = arith.constant 48 : index
      %swap3A_52 = tpu.vector_load %arg5[%swap3A_50, %swap3A_51] {strides = array<i32>} : memref<128x128xf32, #tpu.memory_space<vmem>>, vector<1x16xf32>,
      %swap3A_53 = vector.shape_cast %swap3A_52 : vector<1x16xf32> to vector<16xf32>
      %swap3A_54 = vector.shape_cast %broadcast_in_dim3A_2 : vector<16xf32> to vector<1x16xf32>
      tpu.vector_store %arg5[%swap3A_50, %swap3A_51], %swap3A_54 {strides = array<i32>} : memref<128x128xf32, #tpu.memory_space<vmem>>, vector<1x16xf32>,
      %swap3A_55 = arith.index_cast %scan3A_35 : i32 to index
      %swap3A_56 = arith.constant 64 : index
      %swap3A_57 = tpu.vector_load %arg5[%swap3A_55, %swap3A_56] {strides = array<i32>} : memref<128x128xf32, #tpu.memory_space<vmem>>, vector<1x16xf32>,
      %swap3A_58 = vector.shape_cast %swap3A_57 : vector<1x16xf32> to vector<16xf32>
      %swap3A_59 = vector.shape_cast %broadcast_in_dim3A_2 : vector<16xf32> to vector<1x16xf32>
      tpu.vector_store %arg5[%swap3A_55, %swap3A_56], %swap3A_59 {strides = array<i32>} : memref<128x128xf32, #tpu.memory_space<vmem>>, vector<1x16xf32>,
      %swap3A_60 = arith.index_cast %scan3A_35 : i32 to index
      %swap3A_61 = arith.constant 80 : index
      %swap3A_62 = tpu.vector_load %arg5[%swap3A_60, %swap3A_61] {strides = array<i32>} : memref<128x128xf32, #tpu.memory_space<vmem>>, vector<1x16xf32>,
      %swap3A_63 = vector.shape_cast %swap3A_62 : vector<1x16xf32> to vector<16xf32>
      %swap3A_64 = vector.shape_cast %broadcast_in_dim3A_2 : vector<16xf32> to vector<1x16xf32>
      tpu.vector_store %arg5[%swap3A_60, %swap3A_61], %swap3A_64 {strides = array<i32>} : memref<128x128xf32, #tpu.memory_space<vmem>>, vector<1x16xf32>,
      %swap3A_65 = arith.index_cast %scan3A_35 : i32 to index
      %swap3A_66 = arith.constant 96 : index
      %swap3A_67 = tpu.vector_load %arg5[%swap3A_65, %swap3A_66] {strides = array<i32>} : memref<128x128xf32, #tpu.memory_space<vmem>>, vector<1x16xf32>,
      %swap3A_68 = vector.shape_cast %swap3A_67 : vector<1x16xf32> to vector<16xf32>
      %swap3A_69 = vector.shape_cast %broadcast_in_dim3A_2 : vector<16xf32> to vector<1x16xf32>
      tpu.vector_store %arg5[%swap3A_65, %swap3A_66], %swap3A_69 {strides = array<i32>} : memref<128x128xf32, #tpu.memory_space<vmem>>, vector<1x16xf32>,
      %swap3A_70 = arith.index_cast %scan3A_35 : i32 to index
      %swap3A_71 = arith.constant 112 : index
      %swap3A_72 = tpu.vector_load %arg5[%swap3A_70, %swap3A_71] {strides = array<i32>} : memref<128x128xf32, #tpu.memory_space<vmem>>, vector<1x16xf32>,
      %swap3A_73 = vector.shape_cast %swap3A_72 : vector<1x16xf32> to vector<16xf32>
      %swap3A_74 = vector.shape_cast %broadcast_in_dim3A_2 : vector<16xf32> to vector<1x16xf32>
      tpu.vector_store %arg5[%swap3A_70, %swap3A_71], %swap3A_74 {strides = array<i32>} : memref<128x128xf32, #tpu.memory_space<vmem>>, vector<1x16xf32>,
    }
    %scan3A_23 = arith.constant 128 : i32
    %barrier3A = arith.constant 0 : index
    tpu.barrier barrier_id(%barrier3A)
    %scan3A_24 = arith.constant 0 : i32
    %scan3A_25 = arith.constant 0 : i32
    %scan3A_26 = arith.constant 40 : i32
    %scan3A_27 = arith.addi %scan3A_25, %scan3A_26 : i32
    %scan3A_28 = arith.constant 1 : i32
    scf.for %scan3A_35 = %scan3A_25 to %scan3A_27 step %scan3A_28  : i32 {
      "tpu.region"() ({
        %run_scoped3A_37 = tpu.sem_alloc : memref<!tpu.dma_semaphore, #tpu.memory_space<semaphore_mem>>
        %dma_start3A = arith.constant 0 : i32
        %dma_start3A_38 = arith.constant 0 : i32
        %dma_start3A_39 = arith.constant 0 : i32
        %dma_start3A_40 = arith.constant 0 : i32
        %dma_start3A_41 = tpu.memref_slice %arg2[%arg0, %dma_start3A, %dma_start3A_38, %dma_start3A_39, %dma_start3A_40] : memref<2x16x40x2x128xi32, #tpu.memory_space<hbm>> -> memref<1x16x40x2x128xi32, #tpu.memory_space<hbm>>
        %dma_start3A_42 = tpu.memref_squeeze %dma_start3A_41 : memref<1x16x40x2x128xi32, #tpu.memory_space<hbm>> -> memref<16x40x2x128xi32, #tpu.memory_space<hbm>>
        %dma_start3A_43 = arith.constant 0 : i32
        %dma_start3A_44 = arith.constant 0 : i32
        %dma_start3A_45 = arith.constant 0 : i32
        %dma_start3A_46 = tpu.memref_slice %dma_start3A_42[%arg1, %dma_start3A_43, %dma_start3A_44, %dma_start3A_45] : memref<16x40x2x128xi32, #tpu.memory_space<hbm>> -> memref<1x40x2x128xi32, #tpu.memory_space<hbm>>
        %dma_start3A_47 = tpu.memref_squeeze %dma_start3A_46 : memref<1x40x2x128xi32, #tpu.memory_space<hbm>> -> memref<40x2x128xi32, #tpu.memory_space<hbm>>
        %dma_start3A_48 = arith.constant 0 : i32
        %dma_start3A_49 = arith.constant 0 : i32
        %dma_start3A_50 = tpu.memref_slice %dma_start3A_47[%scan3A_35, %dma_start3A_48, %dma_start3A_49] : memref<40x2x128xi32, #tpu.memory_space<hbm>> -> memref<1x2x128xi32, #tpu.memory_space<hbm>>
        %dma_start3A_51 = tpu.memref_squeeze %dma_start3A_50 : memref<1x2x128xi32, #tpu.memory_space<hbm>> -> memref<2x128xi32, #tpu.memory_space<hbm>>
        %dma_start3A_52 = arith.constant 0 : i32
        %dma_start3A_53 = arith.constant 0 : i32
        %dma_start3A_54 = arith.constant 0 : i32
        %dma_start3A_55 = arith.constant 0 : i32
        %dma_start3A_56 = tpu.memref_slice %arg2[%arg0, %dma_start3A_52, %dma_start3A_53, %dma_start3A_54, %dma_start3A_55] : memref<2x16x40x2x128xi32, #tpu.memory_space<hbm>> -> memref<1x16x40x2x128xi32, #tpu.memory_space<hbm>>
        %dma_start3A_57 = tpu.memref_squeeze %dma_start3A_56 : memref<1x16x40x2x128xi32, #tpu.memory_space<hbm>> -> memref<16x40x2x128xi32, #tpu.memory_space<hbm>>
        %dma_start3A_58 = arith.constant 0 : i32
        %dma_start3A_59 = arith.constant 0 : i32
        %dma_start3A_60 = arith.constant 0 : i32
        %dma_start3A_61 = tpu.memref_slice %dma_start3A_57[%arg1, %dma_start3A_58, %dma_start3A_59, %dma_start3A_60] : memref<16x40x2x128xi32, #tpu.memory_space<hbm>> -> memref<1x40x2x128xi32, #tpu.memory_space<hbm>>
        %dma_start3A_62 = tpu.memref_squeeze %dma_start3A_61 : memref<1x40x2x128xi32, #tpu.memory_space<hbm>> -> memref<40x2x128xi32, #tpu.memory_space<hbm>>
        %dma_start3A_63 = arith.constant 0 : i32
        %dma_start3A_64 = arith.constant 0 : i32
        %dma_start3A_65 = tpu.memref_slice %dma_start3A_62[%scan3A_35, %dma_start3A_63, %dma_start3A_64] : memref<40x2x128xi32, #tpu.memory_space<hbm>> -> memref<1x2x128xi32, #tpu.memory_space<hbm>>
        %dma_start3A_66 = tpu.memref_squeeze %dma_start3A_65 : memref<1x2x128xi32, #tpu.memory_space<hbm>> -> memref<2x128xi32, #tpu.memory_space<hbm>>
        tpu.enqueue_dma source(%dma_start3A_66 : memref<2x128xi32, #tpu.memory_space<hbm>>) target(%arg4 : memref<2x128xi32, #tpu.memory_space<vmem>>) target_semaphore(%run_scoped3A_37 : memref<!tpu.dma_semaphore, #tpu.memory_space<semaphore_mem>>)
        %dma_wait3A = arith.constant 0 : i32
        %dma_wait3A_67 = arith.constant 0 : i32
        %dma_wait3A_68 = arith.constant 0 : i32
        %dma_wait3A_69 = arith.constant 0 : i32
        %dma_wait3A_70 = tpu.memref_slice %arg2[%arg0, %dma_wait3A, %dma_wait3A_67, %dma_wait3A_68, %dma_wait3A_69] : memref<2x16x40x2x128xi32, #tpu.memory_space<hbm>> -> memref<1x16x40x2x128xi32, #tpu.memory_space<hbm>>
        %dma_wait3A_71 = tpu.memref_squeeze %dma_wait3A_70 : memref<1x16x40x2x128xi32, #tpu.memory_space<hbm>> -> memref<16x40x2x128xi32, #tpu.memory_space<hbm>>
        %dma_wait3A_72 = arith.constant 0 : i32
        %dma_wait3A_73 = arith.constant 0 : i32
        %dma_wait3A_74 = arith.constant 0 : i32
        %dma_wait3A_75 = tpu.memref_slice %dma_wait3A_71[%arg1, %dma_wait3A_72, %dma_wait3A_73, %dma_wait3A_74] : memref<16x40x2x128xi32, #tpu.memory_space<hbm>> -> memref<1x40x2x128xi32, #tpu.memory_space<hbm>>
        %dma_wait3A_76 = tpu.memref_squeeze %dma_wait3A_75 : memref<1x40x2x128xi32, #tpu.memory_space<hbm>> -> memref<40x2x128xi32, #tpu.memory_space<hbm>>
        %dma_wait3A_77 = arith.constant 0 : i32
        %dma_wait3A_78 = arith.constant 0 : i32
        %dma_wait3A_79 = tpu.memref_slice %dma_wait3A_76[%scan3A_35, %dma_wait3A_77, %dma_wait3A_78] : memref<40x2x128xi32, #tpu.memory_space<hbm>> -> memref<1x2x128xi32, #tpu.memory_space<hbm>>
        %dma_wait3A_80 = tpu.memref_squeeze %dma_wait3A_79 : memref<1x2x128xi32, #tpu.memory_space<hbm>> -> memref<2x128xi32, #tpu.memory_space<hbm>>
        %dma_wait3A_81 = arith.constant 0 : i32
        %dma_wait3A_82 = arith.constant 0 : i32
        %dma_wait3A_83 = arith.constant 0 : i32
        %dma_wait3A_84 = arith.constant 0 : i32
        %dma_wait3A_85 = tpu.memref_slice %arg2[%arg0, %dma_wait3A_81, %dma_wait3A_82, %dma_wait3A_83, %dma_wait3A_84] : memref<2x16x40x2x128xi32, #tpu.memory_space<hbm>> -> memref<1x16x40x2x128xi32, #tpu.memory_space<hbm>>
        %dma_wait3A_86 = tpu.memref_squeeze %dma_wait3A_85 : memref<1x16x40x2x128xi32, #tpu.memory_space<hbm>> -> memref<16x40x2x128xi32, #tpu.memory_space<hbm>>
        %dma_wait3A_87 = arith.constant 0 : i32
        %dma_wait3A_88 = arith.constant 0 : i32
        %dma_wait3A_89 = arith.constant 0 : i32
        %dma_wait3A_90 = tpu.memref_slice %dma_wait3A_86[%arg1, %dma_wait3A_87, %dma_wait3A_88, %dma_wait3A_89] : memref<16x40x2x128xi32, #tpu.memory_space<hbm>> -> memref<1x40x2x128xi32, #tpu.memory_space<hbm>>
        %dma_wait3A_91 = tpu.memref_squeeze %dma_wait3A_90 : memref<1x40x2x128xi32, #tpu.memory_space<hbm>> -> memref<40x2x128xi32, #tpu.memory_space<hbm>>
        %dma_wait3A_92 = arith.constant 0 : i32
        %dma_wait3A_93 = arith.constant 0 : i32
        %dma_wait3A_94 = tpu.memref_slice %dma_wait3A_91[%scan3A_35, %dma_wait3A_92, %dma_wait3A_93] : memref<40x2x128xi32, #tpu.memory_space<hbm>> -> memref<1x2x128xi32, #tpu.memory_space<hbm>>
        %dma_wait3A_95 = tpu.memref_squeeze %dma_wait3A_94 : memref<1x2x128xi32, #tpu.memory_space<hbm>> -> memref<2x128xi32, #tpu.memory_space<hbm>>
        tpu.wait_dma2 semaphore(%run_scoped3A_37 : memref<!tpu.dma_semaphore, #tpu.memory_space<semaphore_mem>>) src(%dma_wait3A_95 : memref<2x128xi32, #tpu.memory_space<hbm>>) dst(%arg4 : memref<2x128xi32, #tpu.memory_space<vmem>>)
        tpu.yield
      }) : () -> ()
      %run_scoped3A = arith.constant 0 : i32
      "tpu.region"() ({
        %run_scoped3A_37 = tpu.sem_alloc : memref<!tpu.dma_semaphore, #tpu.memory_space<semaphore_mem>>
        %dma_start3A = arith.constant 0 : i32
        %dma_start3A_38 = tpu.memref_slice %arg4[%run_scoped3A, %dma_start3A] : memref<2x128xi32, #tpu.memory_space<vmem>> -> memref<1x128xi32, #tpu.memory_space<vmem>>
        %dma_start3A_39 = tpu.memref_squeeze %dma_start3A_38 : memref<1x128xi32, #tpu.memory_space<vmem>> -> memref<128xi32, #tpu.memory_space<vmem>>
        %dma_start3A_40 = arith.constant 0 : i32
        %dma_start3A_41 = arith.constant 0 : i32
        %dma_start3A_42 = tpu.memref_slice %arg6[%dma_start3A_40, %dma_start3A_41] : memref<10112x128xf32, #tpu.memory_space<vmem_shared>> -> memref<10112x128xf32, #tpu.memory_space<vmem_shared>>
        tpu.enqueue_indirect_dma source(%arg5 : memref<128x128xf32, #tpu.memory_space<vmem>>) target(%dma_start3A_42 : memref<10112x128xf32, #tpu.memory_space<vmem_shared>>) offsets(%dma_start3A_39 : memref<128xi32, #tpu.memory_space<vmem>>) semaphore(%run_scoped3A_37 : memref<!tpu.dma_semaphore, #tpu.memory_space<semaphore_mem>>) {add = true}
        %dma_wait3A = arith.constant 0 : i32
        %dma_wait3A_43 = tpu.memref_slice %arg4[%run_scoped3A, %dma_wait3A] : memref<2x128xi32, #tpu.memory_space<vmem>> -> memref<1x128xi32, #tpu.memory_space<vmem>>
        %dma_wait3A_44 = tpu.memref_squeeze %dma_wait3A_43 : memref<1x128xi32, #tpu.memory_space<vmem>> -> memref<128xi32, #tpu.memory_space<vmem>>
        %dma_wait3A_45 = arith.constant 0 : i32
        %dma_wait3A_46 = arith.constant 0 : i32
        %dma_wait3A_47 = tpu.memref_slice %arg6[%dma_wait3A_45, %dma_wait3A_46] : memref<10112x128xf32, #tpu.memory_space<vmem_shared>> -> memref<10112x128xf32, #tpu.memory_space<vmem_shared>>
        tpu.wait_indirect_dma semaphore(%run_scoped3A_37 : memref<!tpu.dma_semaphore, #tpu.memory_space<semaphore_mem>>) src(%arg5 : memref<128x128xf32, #tpu.memory_space<vmem>>) dst(%dma_wait3A_47 : memref<10112x128xf32, #tpu.memory_space<vmem_shared>>)
        tpu.yield
      }) : () -> ()
      %run_scoped3A_36 = arith.constant 1 : i32
      "tpu.region"() ({
        %run_scoped3A_37 = tpu.sem_alloc : memref<!tpu.dma_semaphore, #tpu.memory_space<semaphore_mem>>
        %dma_start3A = arith.constant 0 : i32
        %dma_start3A_38 = tpu.memref_slice %arg4[%run_scoped3A_36, %dma_start3A] : memref<2x128xi32, #tpu.memory_space<vmem>> -> memref<1x128xi32, #tpu.memory_space<vmem>>
        %dma_start3A_39 = tpu.memref_squeeze %dma_start3A_38 : memref<1x128xi32, #tpu.memory_space<vmem>> -> memref<128xi32, #tpu.memory_space<vmem>>
        %dma_start3A_40 = arith.constant 0 : i32
        %dma_start3A_41 = arith.constant 0 : i32
        %dma_start3A_42 = tpu.memref_slice %arg6[%dma_start3A_40, %dma_start3A_41] : memref<10112x128xf32, #tpu.memory_space<vmem_shared>> -> memref<10112x128xf32, #tpu.memory_space<vmem_shared>>
        tpu.enqueue_indirect_dma source(%arg5 : memref<128x128xf32, #tpu.memory_space<vmem>>) target(%dma_start3A_42 : memref<10112x128xf32, #tpu.memory_space<vmem_shared>>) offsets(%dma_start3A_39 : memref<128xi32, #tpu.memory_space<vmem>>) semaphore(%run_scoped3A_37 : memref<!tpu.dma_semaphore, #tpu.memory_space<semaphore_mem>>) {add = true}
        %dma_wait3A = arith.constant 0 : i32
        %dma_wait3A_43 = tpu.memref_slice %arg4[%run_scoped3A_36, %dma_wait3A] : memref<2x128xi32, #tpu.memory_space<vmem>> -> memref<1x128xi32, #tpu.memory_space<vmem>>
        %dma_wait3A_44 = tpu.memref_squeeze %dma_wait3A_43 : memref<1x128xi32, #tpu.memory_space<vmem>> -> memref<128xi32, #tpu.memory_space<vmem>>
        %dma_wait3A_45 = arith.constant 0 : i32
        %dma_wait3A_46 = arith.constant 0 : i32
        %dma_wait3A_47 = tpu.memref_slice %arg6[%dma_wait3A_45, %dma_wait3A_46] : memref<10112x128xf32, #tpu.memory_space<vmem_shared>> -> memref<10112x128xf32, #tpu.memory_space<vmem_shared>>
        tpu.wait_indirect_dma semaphore(%run_scoped3A_37 : memref<!tpu.dma_semaphore, #tpu.memory_space<semaphore_mem>>) src(%arg5 : memref<128x128xf32, #tpu.memory_space<vmem>>) dst(%dma_wait3A_47 : memref<10112x128xf32, #tpu.memory_space<vmem_shared>>)
        tpu.yield
      }) : () -> ()
    }
    %scan3A_29 = arith.constant 40 : i32
    %barrier3A_30 = arith.constant 0 : index
    tpu.barrier barrier_id(%barrier3A_30)
    %mul3A_31 = arith.constant 632 : i32
    %mul3A_32 = arith.muli %arg1, %mul3A_31 : i32
    %mul3A_33 = arith.constant 632 : i32
    %mul3A_34 = arith.muli %arg1, %mul3A_33 : i32
    "tpu.region"() ({
      %run_scoped3A = tpu.sem_alloc : memref<!tpu.dma_semaphore, #tpu.memory_space<semaphore_mem>>
      %dma_start3A = arith.constant 0 : i32
      %dma_start3A_35 = arith.constant 0 : i32
      %dma_start3A_36 = tpu.memref_slice %arg3[%arg0, %dma_start3A, %dma_start3A_35] : memref<2x10112x128xf32, #tpu.memory_space<hbm>> -> memref<1x10112x128xf32, #tpu.memory_space<hbm>>
      %dma_start3A_37 = tpu.memref_squeeze %dma_start3A_36 : memref<1x10112x128xf32, #tpu.memory_space<hbm>> -> memref<10112x128xf32, #tpu.memory_space<hbm>>
      %dma_start3A_38 = arith.constant 0 : i32
      %dma_start3A_39 = tpu.memref_slice %dma_start3A_37[%mul3A_34, %dma_start3A_38] : memref<10112x128xf32, #tpu.memory_space<hbm>> -> memref<632x128xf32, #tpu.memory_space<hbm>>
      %dma_start3A_40 = arith.constant 0 : i32
      %dma_start3A_41 = tpu.memref_slice %arg6[%mul3A_32, %dma_start3A_40] : memref<10112x128xf32, #tpu.memory_space<vmem_shared>> -> memref<632x128xf32, #tpu.memory_space<vmem_shared>>
      tpu.enqueue_dma source(%dma_start3A_41 : memref<632x128xf32, #tpu.memory_space<vmem_shared>>) target(%dma_start3A_39 : memref<632x128xf32, #tpu.memory_space<hbm>>) target_semaphore(%run_scoped3A : memref<!tpu.dma_semaphore, #tpu.memory_space<semaphore_mem>>)
      %dma_wait3A = arith.constant 0 : i32
      %dma_wait3A_42 = arith.constant 0 : i32
      %dma_wait3A_43 = tpu.memref_slice %arg3[%arg0, %dma_wait3A, %dma_wait3A_42] : memref<2x10112x128xf32, #tpu.memory_space<hbm>> -> memref<1x10112x128xf32, #tpu.memory_space<hbm>>
      %dma_wait3A_44 = tpu.memref_squeeze %dma_wait3A_43 : memref<1x10112x128xf32, #tpu.memory_space<hbm>> -> memref<10112x128xf32, #tpu.memory_space<hbm>>
      %dma_wait3A_45 = arith.constant 0 : i32
      %dma_wait3A_46 = tpu.memref_slice %dma_wait3A_44[%mul3A_34, %dma_wait3A_45] : memref<10112x128xf32, #tpu.memory_space<hbm>> -> memref<632x128xf32, #tpu.memory_space<hbm>>
      %dma_wait3A_47 = arith.constant 0 : i32
      %dma_wait3A_48 = tpu.memref_slice %arg6[%mul3A_32, %dma_wait3A_47] : memref<10112x128xf32, #tpu.memory_space<vmem_shared>> -> memref<632x128xf32, #tpu.memory_space<vmem_shared>>
      tpu.wait_dma2 semaphore(%run_scoped3A : memref<!tpu.dma_semaphore, #tpu.memory_space<semaphore_mem>>) src(%dma_wait3A_48 : memref<632x128xf32, #tpu.memory_space<vmem_shared>>) dst(%dma_wait3A_46 : memref<632x128xf32, #tpu.memory_space<hbm>>)
      tpu.yield
    }) : () -> ()
    return
  }
}

#map = affine_map<(d0, d1) -> (0, 0)>
#map1 = affine_map<(d0, d1) -> (0, 0, 0, 0, 0)>
#map2 = affine_map<(d0, d1) -> (0, 0, 0)>
module attributes {stable_mosaic.version = 14 : i64} {
  func.func @segsum_kernel(%arg0: i32, %arg1: i32, %arg2: memref<10000x128xf32, #tpu.memory_space<hbm>>, %arg3: memref<2x16x40x2x128xi32, #tpu.memory_space<hbm>>, %arg4: memref<2x16x40x2x128xi32, #tpu.memory_space<hbm>>, %arg5: memref<2x10112x128xf32, #tpu.memory_space<hbm>>, %arg6: memref<2x128xi32, #tpu.memory_space<vmem>>, %arg7: memref<2x128xi32, #tpu.memory_space<vmem>>, %arg8: memref<256x128xf32, #tpu.memory_space<vmem>>, %arg9: memref<10112x128xf32, #tpu.memory_space<vmem_shared>>, %arg10: memref<!tpu.dma_semaphore, #tpu.memory_space<semaphore_mem>>) attributes {dimension_semantics = [#tpu.dimension_semantics<core_parallel>, #tpu.dimension_semantics<subcore_parallel>], iteration_bounds = array<i64: 2, 16>, scalar_prefetch = 0 : i64, scratch_operands = 5 : i64, tpu.core_type = #tpu.core_type<sc_vector_subcore>, window_params = [{transform_indices = #map}, {transform_indices = #map1}, {transform_indices = #map1}, {transform_indices = #map2}]} {
    %broadcast_in_dim3A = arith.constant 0.000000e+00 : f32
    %broadcast_in_dim3A_0 = vector.broadcast %broadcast_in_dim3A : f32 to vector<16xf32>
    %scan3A = arith.constant 0 : i32
    %scan3A_1 = arith.constant 0 : i32
    %scan3A_2 = arith.constant 256 : i32
    %scan3A_3 = arith.addi %scan3A_1, %scan3A_2 : i32
    %scan3A_4 = arith.constant 1 : i32
    scf.for %scan3A_23 = %scan3A_1 to %scan3A_3 step %scan3A_4  : i32 {
      %swap3A = arith.index_cast %scan3A_23 : i32 to index
      %swap3A_24 = arith.constant 0 : index
      %swap3A_25 = tpu.vector_load %arg8[%swap3A, %swap3A_24] {strides = array<i32>} : memref<256x128xf32, #tpu.memory_space<vmem>>, vector<1x16xf32>,
      %swap3A_26 = vector.shape_cast %swap3A_25 : vector<1x16xf32> to vector<16xf32>
      %swap3A_27 = vector.shape_cast %broadcast_in_dim3A_0 : vector<16xf32> to vector<1x16xf32>
      tpu.vector_store %arg8[%swap3A, %swap3A_24], %swap3A_27 {strides = array<i32>} : memref<256x128xf32, #tpu.memory_space<vmem>>, vector<1x16xf32>,
      %swap3A_28 = arith.index_cast %scan3A_23 : i32 to index
      %swap3A_29 = arith.constant 16 : index
      %swap3A_30 = tpu.vector_load %arg8[%swap3A_28, %swap3A_29] {strides = array<i32>} : memref<256x128xf32, #tpu.memory_space<vmem>>, vector<1x16xf32>,
      %swap3A_31 = vector.shape_cast %swap3A_30 : vector<1x16xf32> to vector<16xf32>
      %swap3A_32 = vector.shape_cast %broadcast_in_dim3A_0 : vector<16xf32> to vector<1x16xf32>
      tpu.vector_store %arg8[%swap3A_28, %swap3A_29], %swap3A_32 {strides = array<i32>} : memref<256x128xf32, #tpu.memory_space<vmem>>, vector<1x16xf32>,
      %swap3A_33 = arith.index_cast %scan3A_23 : i32 to index
      %swap3A_34 = arith.constant 32 : index
      %swap3A_35 = tpu.vector_load %arg8[%swap3A_33, %swap3A_34] {strides = array<i32>} : memref<256x128xf32, #tpu.memory_space<vmem>>, vector<1x16xf32>,
      %swap3A_36 = vector.shape_cast %swap3A_35 : vector<1x16xf32> to vector<16xf32>
      %swap3A_37 = vector.shape_cast %broadcast_in_dim3A_0 : vector<16xf32> to vector<1x16xf32>
      tpu.vector_store %arg8[%swap3A_33, %swap3A_34], %swap3A_37 {strides = array<i32>} : memref<256x128xf32, #tpu.memory_space<vmem>>, vector<1x16xf32>,
      %swap3A_38 = arith.index_cast %scan3A_23 : i32 to index
      %swap3A_39 = arith.constant 48 : index
      %swap3A_40 = tpu.vector_load %arg8[%swap3A_38, %swap3A_39] {strides = array<i32>} : memref<256x128xf32, #tpu.memory_space<vmem>>, vector<1x16xf32>,
      %swap3A_41 = vector.shape_cast %swap3A_40 : vector<1x16xf32> to vector<16xf32>
      %swap3A_42 = vector.shape_cast %broadcast_in_dim3A_0 : vector<16xf32> to vector<1x16xf32>
      tpu.vector_store %arg8[%swap3A_38, %swap3A_39], %swap3A_42 {strides = array<i32>} : memref<256x128xf32, #tpu.memory_space<vmem>>, vector<1x16xf32>,
      %swap3A_43 = arith.index_cast %scan3A_23 : i32 to index
      %swap3A_44 = arith.constant 64 : index
      %swap3A_45 = tpu.vector_load %arg8[%swap3A_43, %swap3A_44] {strides = array<i32>} : memref<256x128xf32, #tpu.memory_space<vmem>>, vector<1x16xf32>,
      %swap3A_46 = vector.shape_cast %swap3A_45 : vector<1x16xf32> to vector<16xf32>
      %swap3A_47 = vector.shape_cast %broadcast_in_dim3A_0 : vector<16xf32> to vector<1x16xf32>
      tpu.vector_store %arg8[%swap3A_43, %swap3A_44], %swap3A_47 {strides = array<i32>} : memref<256x128xf32, #tpu.memory_space<vmem>>, vector<1x16xf32>,
      %swap3A_48 = arith.index_cast %scan3A_23 : i32 to index
      %swap3A_49 = arith.constant 80 : index
      %swap3A_50 = tpu.vector_load %arg8[%swap3A_48, %swap3A_49] {strides = array<i32>} : memref<256x128xf32, #tpu.memory_space<vmem>>, vector<1x16xf32>,
      %swap3A_51 = vector.shape_cast %swap3A_50 : vector<1x16xf32> to vector<16xf32>
      %swap3A_52 = vector.shape_cast %broadcast_in_dim3A_0 : vector<16xf32> to vector<1x16xf32>
      tpu.vector_store %arg8[%swap3A_48, %swap3A_49], %swap3A_52 {strides = array<i32>} : memref<256x128xf32, #tpu.memory_space<vmem>>, vector<1x16xf32>,
      %swap3A_53 = arith.index_cast %scan3A_23 : i32 to index
      %swap3A_54 = arith.constant 96 : index
      %swap3A_55 = tpu.vector_load %arg8[%swap3A_53, %swap3A_54] {strides = array<i32>} : memref<256x128xf32, #tpu.memory_space<vmem>>, vector<1x16xf32>,
      %swap3A_56 = vector.shape_cast %swap3A_55 : vector<1x16xf32> to vector<16xf32>
      %swap3A_57 = vector.shape_cast %broadcast_in_dim3A_0 : vector<16xf32> to vector<1x16xf32>
      tpu.vector_store %arg8[%swap3A_53, %swap3A_54], %swap3A_57 {strides = array<i32>} : memref<256x128xf32, #tpu.memory_space<vmem>>, vector<1x16xf32>,
      %swap3A_58 = arith.index_cast %scan3A_23 : i32 to index
      %swap3A_59 = arith.constant 112 : index
      %swap3A_60 = tpu.vector_load %arg8[%swap3A_58, %swap3A_59] {strides = array<i32>} : memref<256x128xf32, #tpu.memory_space<vmem>>, vector<1x16xf32>,
      %swap3A_61 = vector.shape_cast %swap3A_60 : vector<1x16xf32> to vector<16xf32>
      %swap3A_62 = vector.shape_cast %broadcast_in_dim3A_0 : vector<16xf32> to vector<1x16xf32>
      tpu.vector_store %arg8[%swap3A_58, %swap3A_59], %swap3A_62 {strides = array<i32>} : memref<256x128xf32, #tpu.memory_space<vmem>>, vector<1x16xf32>,
    }
    %scan3A_5 = arith.constant 256 : i32
    %mul3A = arith.constant 632 : i32
    %mul3A_6 = arith.muli %arg1, %mul3A : i32
    %add3A = arith.constant 0 : i32
    %add3A_7 = arith.addi %mul3A_6, %add3A : i32
    "tpu.region"() ({
      %run_scoped3A = tpu.sem_alloc : memref<!tpu.dma_semaphore, #tpu.memory_space<semaphore_mem>>
      %dma_start3A = arith.constant 0 : i32
      %dma_start3A_23 = arith.constant 0 : i32
      %dma_start3A_24 = tpu.memref_slice %arg8[%dma_start3A, %dma_start3A_23] : memref<256x128xf32, #tpu.memory_space<vmem>> -> memref<256x128xf32, #tpu.memory_space<vmem>>
      %dma_start3A_25 = arith.constant 0 : i32
      %dma_start3A_26 = tpu.memref_slice %arg9[%add3A_7, %dma_start3A_25] : memref<10112x128xf32, #tpu.memory_space<vmem_shared>> -> memref<256x128xf32, #tpu.memory_space<vmem_shared>>
      %dma_start3A_27 = arith.constant 0 : i32
      %dma_start3A_28 = tpu.memref_slice %arg9[%add3A_7, %dma_start3A_27] : memref<10112x128xf32, #tpu.memory_space<vmem_shared>> -> memref<256x128xf32, #tpu.memory_space<vmem_shared>>
      %dma_start3A_29 = arith.constant 0 : i32
      %dma_start3A_30 = arith.constant 0 : i32
      %dma_start3A_31 = tpu.memref_slice %arg8[%dma_start3A_29, %dma_start3A_30] : memref<256x128xf32, #tpu.memory_space<vmem>> -> memref<256x128xf32, #tpu.memory_space<vmem>>
      tpu.enqueue_dma source(%dma_start3A_31 : memref<256x128xf32, #tpu.memory_space<vmem>>) target(%dma_start3A_28 : memref<256x128xf32, #tpu.memory_space<vmem_shared>>) target_semaphore(%run_scoped3A : memref<!tpu.dma_semaphore, #tpu.memory_space<semaphore_mem>>)
      %dma_wait3A = arith.constant 0 : i32
      %dma_wait3A_32 = arith.constant 0 : i32
      %dma_wait3A_33 = tpu.memref_slice %arg8[%dma_wait3A, %dma_wait3A_32] : memref<256x128xf32, #tpu.memory_space<vmem>> -> memref<256x128xf32, #tpu.memory_space<vmem>>
      %dma_wait3A_34 = arith.constant 0 : i32
      %dma_wait3A_35 = tpu.memref_slice %arg9[%add3A_7, %dma_wait3A_34] : memref<10112x128xf32, #tpu.memory_space<vmem_shared>> -> memref<256x128xf32, #tpu.memory_space<vmem_shared>>
      %dma_wait3A_36 = arith.constant 0 : i32
      %dma_wait3A_37 = tpu.memref_slice %arg9[%add3A_7, %dma_wait3A_36] : memref<10112x128xf32, #tpu.memory_space<vmem_shared>> -> memref<256x128xf32, #tpu.memory_space<vmem_shared>>
      %dma_wait3A_38 = arith.constant 0 : i32
      %dma_wait3A_39 = arith.constant 0 : i32
      %dma_wait3A_40 = tpu.memref_slice %arg8[%dma_wait3A_38, %dma_wait3A_39] : memref<256x128xf32, #tpu.memory_space<vmem>> -> memref<256x128xf32, #tpu.memory_space<vmem>>
      tpu.wait_dma2 semaphore(%run_scoped3A : memref<!tpu.dma_semaphore, #tpu.memory_space<semaphore_mem>>) src(%dma_wait3A_40 : memref<256x128xf32, #tpu.memory_space<vmem>>) dst(%dma_wait3A_37 : memref<256x128xf32, #tpu.memory_space<vmem_shared>>)
      tpu.yield
    }) : () -> ()
    %add3A_8 = arith.constant 256 : i32
    %add3A_9 = arith.addi %mul3A_6, %add3A_8 : i32
    "tpu.region"() ({
      %run_scoped3A = tpu.sem_alloc : memref<!tpu.dma_semaphore, #tpu.memory_space<semaphore_mem>>
      %dma_start3A = arith.constant 0 : i32
      %dma_start3A_23 = arith.constant 0 : i32
      %dma_start3A_24 = tpu.memref_slice %arg8[%dma_start3A, %dma_start3A_23] : memref<256x128xf32, #tpu.memory_space<vmem>> -> memref<256x128xf32, #tpu.memory_space<vmem>>
      %dma_start3A_25 = arith.constant 0 : i32
      %dma_start3A_26 = tpu.memref_slice %arg9[%add3A_9, %dma_start3A_25] : memref<10112x128xf32, #tpu.memory_space<vmem_shared>> -> memref<256x128xf32, #tpu.memory_space<vmem_shared>>
      %dma_start3A_27 = arith.constant 0 : i32
      %dma_start3A_28 = tpu.memref_slice %arg9[%add3A_9, %dma_start3A_27] : memref<10112x128xf32, #tpu.memory_space<vmem_shared>> -> memref<256x128xf32, #tpu.memory_space<vmem_shared>>
      %dma_start3A_29 = arith.constant 0 : i32
      %dma_start3A_30 = arith.constant 0 : i32
      %dma_start3A_31 = tpu.memref_slice %arg8[%dma_start3A_29, %dma_start3A_30] : memref<256x128xf32, #tpu.memory_space<vmem>> -> memref<256x128xf32, #tpu.memory_space<vmem>>
      tpu.enqueue_dma source(%dma_start3A_31 : memref<256x128xf32, #tpu.memory_space<vmem>>) target(%dma_start3A_28 : memref<256x128xf32, #tpu.memory_space<vmem_shared>>) target_semaphore(%run_scoped3A : memref<!tpu.dma_semaphore, #tpu.memory_space<semaphore_mem>>)
      %dma_wait3A = arith.constant 0 : i32
      %dma_wait3A_32 = arith.constant 0 : i32
      %dma_wait3A_33 = tpu.memref_slice %arg8[%dma_wait3A, %dma_wait3A_32] : memref<256x128xf32, #tpu.memory_space<vmem>> -> memref<256x128xf32, #tpu.memory_space<vmem>>
      %dma_wait3A_34 = arith.constant 0 : i32
      %dma_wait3A_35 = tpu.memref_slice %arg9[%add3A_9, %dma_wait3A_34] : memref<10112x128xf32, #tpu.memory_space<vmem_shared>> -> memref<256x128xf32, #tpu.memory_space<vmem_shared>>
      %dma_wait3A_36 = arith.constant 0 : i32
      %dma_wait3A_37 = tpu.memref_slice %arg9[%add3A_9, %dma_wait3A_36] : memref<10112x128xf32, #tpu.memory_space<vmem_shared>> -> memref<256x128xf32, #tpu.memory_space<vmem_shared>>
      %dma_wait3A_38 = arith.constant 0 : i32
      %dma_wait3A_39 = arith.constant 0 : i32
      %dma_wait3A_40 = tpu.memref_slice %arg8[%dma_wait3A_38, %dma_wait3A_39] : memref<256x128xf32, #tpu.memory_space<vmem>> -> memref<256x128xf32, #tpu.memory_space<vmem>>
      tpu.wait_dma2 semaphore(%run_scoped3A : memref<!tpu.dma_semaphore, #tpu.memory_space<semaphore_mem>>) src(%dma_wait3A_40 : memref<256x128xf32, #tpu.memory_space<vmem>>) dst(%dma_wait3A_37 : memref<256x128xf32, #tpu.memory_space<vmem_shared>>)
      tpu.yield
    }) : () -> ()
    %add3A_10 = arith.constant 512 : i32
    %add3A_11 = arith.addi %mul3A_6, %add3A_10 : i32
    "tpu.region"() ({
      %run_scoped3A = tpu.sem_alloc : memref<!tpu.dma_semaphore, #tpu.memory_space<semaphore_mem>>
      %dma_start3A = arith.constant 0 : i32
      %dma_start3A_23 = arith.constant 0 : i32
      %dma_start3A_24 = tpu.memref_slice %arg8[%dma_start3A, %dma_start3A_23] : memref<256x128xf32, #tpu.memory_space<vmem>> -> memref<120x128xf32, #tpu.memory_space<vmem>>
      %dma_start3A_25 = arith.constant 0 : i32
      %dma_start3A_26 = tpu.memref_slice %arg9[%add3A_11, %dma_start3A_25] : memref<10112x128xf32, #tpu.memory_space<vmem_shared>> -> memref<120x128xf32, #tpu.memory_space<vmem_shared>>
      %dma_start3A_27 = arith.constant 0 : i32
      %dma_start3A_28 = tpu.memref_slice %arg9[%add3A_11, %dma_start3A_27] : memref<10112x128xf32, #tpu.memory_space<vmem_shared>> -> memref<120x128xf32, #tpu.memory_space<vmem_shared>>
      %dma_start3A_29 = arith.constant 0 : i32
      %dma_start3A_30 = arith.constant 0 : i32
      %dma_start3A_31 = tpu.memref_slice %arg8[%dma_start3A_29, %dma_start3A_30] : memref<256x128xf32, #tpu.memory_space<vmem>> -> memref<120x128xf32, #tpu.memory_space<vmem>>
      tpu.enqueue_dma source(%dma_start3A_31 : memref<120x128xf32, #tpu.memory_space<vmem>>) target(%dma_start3A_28 : memref<120x128xf32, #tpu.memory_space<vmem_shared>>) target_semaphore(%run_scoped3A : memref<!tpu.dma_semaphore, #tpu.memory_space<semaphore_mem>>)
      %dma_wait3A = arith.constant 0 : i32
      %dma_wait3A_32 = arith.constant 0 : i32
      %dma_wait3A_33 = tpu.memref_slice %arg8[%dma_wait3A, %dma_wait3A_32] : memref<256x128xf32, #tpu.memory_space<vmem>> -> memref<120x128xf32, #tpu.memory_space<vmem>>
      %dma_wait3A_34 = arith.constant 0 : i32
      %dma_wait3A_35 = tpu.memref_slice %arg9[%add3A_11, %dma_wait3A_34] : memref<10112x128xf32, #tpu.memory_space<vmem_shared>> -> memref<120x128xf32, #tpu.memory_space<vmem_shared>>
      %dma_wait3A_36 = arith.constant 0 : i32
      %dma_wait3A_37 = tpu.memref_slice %arg9[%add3A_11, %dma_wait3A_36] : memref<10112x128xf32, #tpu.memory_space<vmem_shared>> -> memref<120x128xf32, #tpu.memory_space<vmem_shared>>
      %dma_wait3A_38 = arith.constant 0 : i32
      %dma_wait3A_39 = arith.constant 0 : i32
      %dma_wait3A_40 = tpu.memref_slice %arg8[%dma_wait3A_38, %dma_wait3A_39] : memref<256x128xf32, #tpu.memory_space<vmem>> -> memref<120x128xf32, #tpu.memory_space<vmem>>
      tpu.wait_dma2 semaphore(%run_scoped3A : memref<!tpu.dma_semaphore, #tpu.memory_space<semaphore_mem>>) src(%dma_wait3A_40 : memref<120x128xf32, #tpu.memory_space<vmem>>) dst(%dma_wait3A_37 : memref<120x128xf32, #tpu.memory_space<vmem_shared>>)
      tpu.yield
    }) : () -> ()
    %barrier3A = arith.constant 0 : index
    tpu.barrier barrier_id(%barrier3A)
    %scan3A_12 = arith.constant 0 : i32
    %scan3A_13 = arith.constant 0 : i32
    %scan3A_14 = arith.constant 40 : i32
    %scan3A_15 = arith.addi %scan3A_13, %scan3A_14 : i32
    %scan3A_16 = arith.constant 1 : i32
    scf.for %scan3A_23 = %scan3A_13 to %scan3A_15 step %scan3A_16  : i32 {
      "tpu.region"() ({
        %run_scoped3A_63 = tpu.sem_alloc : memref<!tpu.dma_semaphore, #tpu.memory_space<semaphore_mem>>
        %dma_start3A_64 = arith.constant 0 : i32
        %dma_start3A_65 = arith.constant 0 : i32
        %dma_start3A_66 = arith.constant 0 : i32
        %dma_start3A_67 = arith.constant 0 : i32
        %dma_start3A_68 = tpu.memref_slice %arg3[%arg0, %dma_start3A_64, %dma_start3A_65, %dma_start3A_66, %dma_start3A_67] : memref<2x16x40x2x128xi32, #tpu.memory_space<hbm>> -> memref<1x16x40x2x128xi32, #tpu.memory_space<hbm>>
        %dma_start3A_69 = tpu.memref_squeeze %dma_start3A_68 : memref<1x16x40x2x128xi32, #tpu.memory_space<hbm>> -> memref<16x40x2x128xi32, #tpu.memory_space<hbm>>
        %dma_start3A_70 = arith.constant 0 : i32
        %dma_start3A_71 = arith.constant 0 : i32
        %dma_start3A_72 = arith.constant 0 : i32
        %dma_start3A_73 = tpu.memref_slice %dma_start3A_69[%arg1, %dma_start3A_70, %dma_start3A_71, %dma_start3A_72] : memref<16x40x2x128xi32, #tpu.memory_space<hbm>> -> memref<1x40x2x128xi32, #tpu.memory_space<hbm>>
        %dma_start3A_74 = tpu.memref_squeeze %dma_start3A_73 : memref<1x40x2x128xi32, #tpu.memory_space<hbm>> -> memref<40x2x128xi32, #tpu.memory_space<hbm>>
        %dma_start3A_75 = arith.constant 0 : i32
        %dma_start3A_76 = arith.constant 0 : i32
        %dma_start3A_77 = tpu.memref_slice %dma_start3A_74[%scan3A_23, %dma_start3A_75, %dma_start3A_76] : memref<40x2x128xi32, #tpu.memory_space<hbm>> -> memref<1x2x128xi32, #tpu.memory_space<hbm>>
        %dma_start3A_78 = tpu.memref_squeeze %dma_start3A_77 : memref<1x2x128xi32, #tpu.memory_space<hbm>> -> memref<2x128xi32, #tpu.memory_space<hbm>>
        %dma_start3A_79 = arith.constant 0 : i32
        %dma_start3A_80 = arith.constant 0 : i32
        %dma_start3A_81 = arith.constant 0 : i32
        %dma_start3A_82 = arith.constant 0 : i32
        %dma_start3A_83 = tpu.memref_slice %arg3[%arg0, %dma_start3A_79, %dma_start3A_80, %dma_start3A_81, %dma_start3A_82] : memref<2x16x40x2x128xi32, #tpu.memory_space<hbm>> -> memref<1x16x40x2x128xi32, #tpu.memory_space<hbm>>
        %dma_start3A_84 = tpu.memref_squeeze %dma_start3A_83 : memref<1x16x40x2x128xi32, #tpu.memory_space<hbm>> -> memref<16x40x2x128xi32, #tpu.memory_space<hbm>>
        %dma_start3A_85 = arith.constant 0 : i32
        %dma_start3A_86 = arith.constant 0 : i32
        %dma_start3A_87 = arith.constant 0 : i32
        %dma_start3A_88 = tpu.memref_slice %dma_start3A_84[%arg1, %dma_start3A_85, %dma_start3A_86, %dma_start3A_87] : memref<16x40x2x128xi32, #tpu.memory_space<hbm>> -> memref<1x40x2x128xi32, #tpu.memory_space<hbm>>
        %dma_start3A_89 = tpu.memref_squeeze %dma_start3A_88 : memref<1x40x2x128xi32, #tpu.memory_space<hbm>> -> memref<40x2x128xi32, #tpu.memory_space<hbm>>
        %dma_start3A_90 = arith.constant 0 : i32
        %dma_start3A_91 = arith.constant 0 : i32
        %dma_start3A_92 = tpu.memref_slice %dma_start3A_89[%scan3A_23, %dma_start3A_90, %dma_start3A_91] : memref<40x2x128xi32, #tpu.memory_space<hbm>> -> memref<1x2x128xi32, #tpu.memory_space<hbm>>
        %dma_start3A_93 = tpu.memref_squeeze %dma_start3A_92 : memref<1x2x128xi32, #tpu.memory_space<hbm>> -> memref<2x128xi32, #tpu.memory_space<hbm>>
        tpu.enqueue_dma source(%dma_start3A_93 : memref<2x128xi32, #tpu.memory_space<hbm>>) target(%arg6 : memref<2x128xi32, #tpu.memory_space<vmem>>) target_semaphore(%run_scoped3A_63 : memref<!tpu.dma_semaphore, #tpu.memory_space<semaphore_mem>>)
        %dma_wait3A_94 = arith.constant 0 : i32
        %dma_wait3A_95 = arith.constant 0 : i32
        %dma_wait3A_96 = arith.constant 0 : i32
        %dma_wait3A_97 = arith.constant 0 : i32
        %dma_wait3A_98 = tpu.memref_slice %arg3[%arg0, %dma_wait3A_94, %dma_wait3A_95, %dma_wait3A_96, %dma_wait3A_97] : memref<2x16x40x2x128xi32, #tpu.memory_space<hbm>> -> memref<1x16x40x2x128xi32, #tpu.memory_space<hbm>>
        %dma_wait3A_99 = tpu.memref_squeeze %dma_wait3A_98 : memref<1x16x40x2x128xi32, #tpu.memory_space<hbm>> -> memref<16x40x2x128xi32, #tpu.memory_space<hbm>>
        %dma_wait3A_100 = arith.constant 0 : i32
        %dma_wait3A_101 = arith.constant 0 : i32
        %dma_wait3A_102 = arith.constant 0 : i32
        %dma_wait3A_103 = tpu.memref_slice %dma_wait3A_99[%arg1, %dma_wait3A_100, %dma_wait3A_101, %dma_wait3A_102] : memref<16x40x2x128xi32, #tpu.memory_space<hbm>> -> memref<1x40x2x128xi32, #tpu.memory_space<hbm>>
        %dma_wait3A_104 = tpu.memref_squeeze %dma_wait3A_103 : memref<1x40x2x128xi32, #tpu.memory_space<hbm>> -> memref<40x2x128xi32, #tpu.memory_space<hbm>>
        %dma_wait3A_105 = arith.constant 0 : i32
        %dma_wait3A_106 = arith.constant 0 : i32
        %dma_wait3A_107 = tpu.memref_slice %dma_wait3A_104[%scan3A_23, %dma_wait3A_105, %dma_wait3A_106] : memref<40x2x128xi32, #tpu.memory_space<hbm>> -> memref<1x2x128xi32, #tpu.memory_space<hbm>>
        %dma_wait3A_108 = tpu.memref_squeeze %dma_wait3A_107 : memref<1x2x128xi32, #tpu.memory_space<hbm>> -> memref<2x128xi32, #tpu.memory_space<hbm>>
        %dma_wait3A_109 = arith.constant 0 : i32
        %dma_wait3A_110 = arith.constant 0 : i32
        %dma_wait3A_111 = arith.constant 0 : i32
        %dma_wait3A_112 = arith.constant 0 : i32
        %dma_wait3A_113 = tpu.memref_slice %arg3[%arg0, %dma_wait3A_109, %dma_wait3A_110, %dma_wait3A_111, %dma_wait3A_112] : memref<2x16x40x2x128xi32, #tpu.memory_space<hbm>> -> memref<1x16x40x2x128xi32, #tpu.memory_space<hbm>>
        %dma_wait3A_114 = tpu.memref_squeeze %dma_wait3A_113 : memref<1x16x40x2x128xi32, #tpu.memory_space<hbm>> -> memref<16x40x2x128xi32, #tpu.memory_space<hbm>>
        %dma_wait3A_115 = arith.constant 0 : i32
        %dma_wait3A_116 = arith.constant 0 : i32
        %dma_wait3A_117 = arith.constant 0 : i32
        %dma_wait3A_118 = tpu.memref_slice %dma_wait3A_114[%arg1, %dma_wait3A_115, %dma_wait3A_116, %dma_wait3A_117] : memref<16x40x2x128xi32, #tpu.memory_space<hbm>> -> memref<1x40x2x128xi32, #tpu.memory_space<hbm>>
        %dma_wait3A_119 = tpu.memref_squeeze %dma_wait3A_118 : memref<1x40x2x128xi32, #tpu.memory_space<hbm>> -> memref<40x2x128xi32, #tpu.memory_space<hbm>>
        %dma_wait3A_120 = arith.constant 0 : i32
        %dma_wait3A_121 = arith.constant 0 : i32
        %dma_wait3A_122 = tpu.memref_slice %dma_wait3A_119[%scan3A_23, %dma_wait3A_120, %dma_wait3A_121] : memref<40x2x128xi32, #tpu.memory_space<hbm>> -> memref<1x2x128xi32, #tpu.memory_space<hbm>>
        %dma_wait3A_123 = tpu.memref_squeeze %dma_wait3A_122 : memref<1x2x128xi32, #tpu.memory_space<hbm>> -> memref<2x128xi32, #tpu.memory_space<hbm>>
        tpu.wait_dma2 semaphore(%run_scoped3A_63 : memref<!tpu.dma_semaphore, #tpu.memory_space<semaphore_mem>>) src(%dma_wait3A_123 : memref<2x128xi32, #tpu.memory_space<hbm>>) dst(%arg6 : memref<2x128xi32, #tpu.memory_space<vmem>>)
        tpu.yield
      }) : () -> ()
      "tpu.region"() ({
        %run_scoped3A_63 = tpu.sem_alloc : memref<!tpu.dma_semaphore, #tpu.memory_space<semaphore_mem>>
        %dma_start3A_64 = arith.constant 0 : i32
        %dma_start3A_65 = arith.constant 0 : i32
        %dma_start3A_66 = arith.constant 0 : i32
        %dma_start3A_67 = arith.constant 0 : i32
        %dma_start3A_68 = tpu.memref_slice %arg4[%arg0, %dma_start3A_64, %dma_start3A_65, %dma_start3A_66, %dma_start3A_67] : memref<2x16x40x2x128xi32, #tpu.memory_space<hbm>> -> memref<1x16x40x2x128xi32, #tpu.memory_space<hbm>>
        %dma_start3A_69 = tpu.memref_squeeze %dma_start3A_68 : memref<1x16x40x2x128xi32, #tpu.memory_space<hbm>> -> memref<16x40x2x128xi32, #tpu.memory_space<hbm>>
        %dma_start3A_70 = arith.constant 0 : i32
        %dma_start3A_71 = arith.constant 0 : i32
        %dma_start3A_72 = arith.constant 0 : i32
        %dma_start3A_73 = tpu.memref_slice %dma_start3A_69[%arg1, %dma_start3A_70, %dma_start3A_71, %dma_start3A_72] : memref<16x40x2x128xi32, #tpu.memory_space<hbm>> -> memref<1x40x2x128xi32, #tpu.memory_space<hbm>>
        %dma_start3A_74 = tpu.memref_squeeze %dma_start3A_73 : memref<1x40x2x128xi32, #tpu.memory_space<hbm>> -> memref<40x2x128xi32, #tpu.memory_space<hbm>>
        %dma_start3A_75 = arith.constant 0 : i32
        %dma_start3A_76 = arith.constant 0 : i32
        %dma_start3A_77 = tpu.memref_slice %dma_start3A_74[%scan3A_23, %dma_start3A_75, %dma_start3A_76] : memref<40x2x128xi32, #tpu.memory_space<hbm>> -> memref<1x2x128xi32, #tpu.memory_space<hbm>>
        %dma_start3A_78 = tpu.memref_squeeze %dma_start3A_77 : memref<1x2x128xi32, #tpu.memory_space<hbm>> -> memref<2x128xi32, #tpu.memory_space<hbm>>
        %dma_start3A_79 = arith.constant 0 : i32
        %dma_start3A_80 = arith.constant 0 : i32
        %dma_start3A_81 = arith.constant 0 : i32
        %dma_start3A_82 = arith.constant 0 : i32
        %dma_start3A_83 = tpu.memref_slice %arg4[%arg0, %dma_start3A_79, %dma_start3A_80, %dma_start3A_81, %dma_start3A_82] : memref<2x16x40x2x128xi32, #tpu.memory_space<hbm>> -> memref<1x16x40x2x128xi32, #tpu.memory_space<hbm>>
        %dma_start3A_84 = tpu.memref_squeeze %dma_start3A_83 : memref<1x16x40x2x128xi32, #tpu.memory_space<hbm>> -> memref<16x40x2x128xi32, #tpu.memory_space<hbm>>
        %dma_start3A_85 = arith.constant 0 : i32
        %dma_start3A_86 = arith.constant 0 : i32
        %dma_start3A_87 = arith.constant 0 : i32
        %dma_start3A_88 = tpu.memref_slice %dma_start3A_84[%arg1, %dma_start3A_85, %dma_start3A_86, %dma_start3A_87] : memref<16x40x2x128xi32, #tpu.memory_space<hbm>> -> memref<1x40x2x128xi32, #tpu.memory_space<hbm>>
        %dma_start3A_89 = tpu.memref_squeeze %dma_start3A_88 : memref<1x40x2x128xi32, #tpu.memory_space<hbm>> -> memref<40x2x128xi32, #tpu.memory_space<hbm>>
        %dma_start3A_90 = arith.constant 0 : i32
        %dma_start3A_91 = arith.constant 0 : i32
        %dma_start3A_92 = tpu.memref_slice %dma_start3A_89[%scan3A_23, %dma_start3A_90, %dma_start3A_91] : memref<40x2x128xi32, #tpu.memory_space<hbm>> -> memref<1x2x128xi32, #tpu.memory_space<hbm>>
        %dma_start3A_93 = tpu.memref_squeeze %dma_start3A_92 : memref<1x2x128xi32, #tpu.memory_space<hbm>> -> memref<2x128xi32, #tpu.memory_space<hbm>>
        tpu.enqueue_dma source(%dma_start3A_93 : memref<2x128xi32, #tpu.memory_space<hbm>>) target(%arg7 : memref<2x128xi32, #tpu.memory_space<vmem>>) target_semaphore(%run_scoped3A_63 : memref<!tpu.dma_semaphore, #tpu.memory_space<semaphore_mem>>)
        %dma_wait3A_94 = arith.constant 0 : i32
        %dma_wait3A_95 = arith.constant 0 : i32
        %dma_wait3A_96 = arith.constant 0 : i32
        %dma_wait3A_97 = arith.constant 0 : i32
        %dma_wait3A_98 = tpu.memref_slice %arg4[%arg0, %dma_wait3A_94, %dma_wait3A_95, %dma_wait3A_96, %dma_wait3A_97] : memref<2x16x40x2x128xi32, #tpu.memory_space<hbm>> -> memref<1x16x40x2x128xi32, #tpu.memory_space<hbm>>
        %dma_wait3A_99 = tpu.memref_squeeze %dma_wait3A_98 : memref<1x16x40x2x128xi32, #tpu.memory_space<hbm>> -> memref<16x40x2x128xi32, #tpu.memory_space<hbm>>
        %dma_wait3A_100 = arith.constant 0 : i32
        %dma_wait3A_101 = arith.constant 0 : i32
        %dma_wait3A_102 = arith.constant 0 : i32
        %dma_wait3A_103 = tpu.memref_slice %dma_wait3A_99[%arg1, %dma_wait3A_100, %dma_wait3A_101, %dma_wait3A_102] : memref<16x40x2x128xi32, #tpu.memory_space<hbm>> -> memref<1x40x2x128xi32, #tpu.memory_space<hbm>>
        %dma_wait3A_104 = tpu.memref_squeeze %dma_wait3A_103 : memref<1x40x2x128xi32, #tpu.memory_space<hbm>> -> memref<40x2x128xi32, #tpu.memory_space<hbm>>
        %dma_wait3A_105 = arith.constant 0 : i32
        %dma_wait3A_106 = arith.constant 0 : i32
        %dma_wait3A_107 = tpu.memref_slice %dma_wait3A_104[%scan3A_23, %dma_wait3A_105, %dma_wait3A_106] : memref<40x2x128xi32, #tpu.memory_space<hbm>> -> memref<1x2x128xi32, #tpu.memory_space<hbm>>
        %dma_wait3A_108 = tpu.memref_squeeze %dma_wait3A_107 : memref<1x2x128xi32, #tpu.memory_space<hbm>> -> memref<2x128xi32, #tpu.memory_space<hbm>>
        %dma_wait3A_109 = arith.constant 0 : i32
        %dma_wait3A_110 = arith.constant 0 : i32
        %dma_wait3A_111 = arith.constant 0 : i32
        %dma_wait3A_112 = arith.constant 0 : i32
        %dma_wait3A_113 = tpu.memref_slice %arg4[%arg0, %dma_wait3A_109, %dma_wait3A_110, %dma_wait3A_111, %dma_wait3A_112] : memref<2x16x40x2x128xi32, #tpu.memory_space<hbm>> -> memref<1x16x40x2x128xi32, #tpu.memory_space<hbm>>
        %dma_wait3A_114 = tpu.memref_squeeze %dma_wait3A_113 : memref<1x16x40x2x128xi32, #tpu.memory_space<hbm>> -> memref<16x40x2x128xi32, #tpu.memory_space<hbm>>
        %dma_wait3A_115 = arith.constant 0 : i32
        %dma_wait3A_116 = arith.constant 0 : i32
        %dma_wait3A_117 = arith.constant 0 : i32
        %dma_wait3A_118 = tpu.memref_slice %dma_wait3A_114[%arg1, %dma_wait3A_115, %dma_wait3A_116, %dma_wait3A_117] : memref<16x40x2x128xi32, #tpu.memory_space<hbm>> -> memref<1x40x2x128xi32, #tpu.memory_space<hbm>>
        %dma_wait3A_119 = tpu.memref_squeeze %dma_wait3A_118 : memref<1x40x2x128xi32, #tpu.memory_space<hbm>> -> memref<40x2x128xi32, #tpu.memory_space<hbm>>
        %dma_wait3A_120 = arith.constant 0 : i32
        %dma_wait3A_121 = arith.constant 0 : i32
        %dma_wait3A_122 = tpu.memref_slice %dma_wait3A_119[%scan3A_23, %dma_wait3A_120, %dma_wait3A_121] : memref<40x2x128xi32, #tpu.memory_space<hbm>> -> memref<1x2x128xi32, #tpu.memory_space<hbm>>
        %dma_wait3A_123 = tpu.memref_squeeze %dma_wait3A_122 : memref<1x2x128xi32, #tpu.memory_space<hbm>> -> memref<2x128xi32, #tpu.memory_space<hbm>>
        tpu.wait_dma2 semaphore(%run_scoped3A_63 : memref<!tpu.dma_semaphore, #tpu.memory_space<semaphore_mem>>) src(%dma_wait3A_123 : memref<2x128xi32, #tpu.memory_space<hbm>>) dst(%arg7 : memref<2x128xi32, #tpu.memory_space<vmem>>)
        tpu.yield
      }) : () -> ()
      %dma_start3A = arith.constant 0 : i32
      %dma_start3A_24 = arith.constant 0 : i32
      %dma_start3A_25 = arith.constant 0 : i32
      %dma_start3A_26 = tpu.memref_slice %arg8[%dma_start3A_24, %dma_start3A_25] : memref<256x128xf32, #tpu.memory_space<vmem>> -> memref<128x128xf32, #tpu.memory_space<vmem>>
      %dma_start3A_27 = arith.constant 0 : i32
      %dma_start3A_28 = tpu.memref_slice %arg6[%dma_start3A, %dma_start3A_27] : memref<2x128xi32, #tpu.memory_space<vmem>> -> memref<1x128xi32, #tpu.memory_space<vmem>>
      %dma_start3A_29 = tpu.memref_squeeze %dma_start3A_28 : memref<1x128xi32, #tpu.memory_space<vmem>> -> memref<128xi32, #tpu.memory_space<vmem>>
      %dma_start3A_30 = arith.constant 0 : i32
      %dma_start3A_31 = arith.constant 0 : i32
      %dma_start3A_32 = tpu.memref_slice %arg2[%dma_start3A_30, %dma_start3A_31] : memref<10000x128xf32, #tpu.memory_space<hbm>> -> memref<10000x128xf32, #tpu.memory_space<hbm>>
      tpu.enqueue_indirect_dma source(%dma_start3A_32 : memref<10000x128xf32, #tpu.memory_space<hbm>>) target(%dma_start3A_26 : memref<128x128xf32, #tpu.memory_space<vmem>>) offsets(%dma_start3A_29 : memref<128xi32, #tpu.memory_space<vmem>>) semaphore(%arg10 : memref<!tpu.dma_semaphore, #tpu.memory_space<semaphore_mem>>)
      %dma_start3A_33 = arith.constant 1 : i32
      %dma_start3A_34 = arith.constant 128 : i32
      %dma_start3A_35 = arith.constant 0 : i32
      %dma_start3A_36 = tpu.memref_slice %arg8[%dma_start3A_34, %dma_start3A_35] : memref<256x128xf32, #tpu.memory_space<vmem>> -> memref<128x128xf32, #tpu.memory_space<vmem>>
      %dma_start3A_37 = arith.constant 0 : i32
      %dma_start3A_38 = tpu.memref_slice %arg6[%dma_start3A_33, %dma_start3A_37] : memref<2x128xi32, #tpu.memory_space<vmem>> -> memref<1x128xi32, #tpu.memory_space<vmem>>
      %dma_start3A_39 = tpu.memref_squeeze %dma_start3A_38 : memref<1x128xi32, #tpu.memory_space<vmem>> -> memref<128xi32, #tpu.memory_space<vmem>>
      %dma_start3A_40 = arith.constant 0 : i32
      %dma_start3A_41 = arith.constant 0 : i32
      %dma_start3A_42 = tpu.memref_slice %arg2[%dma_start3A_40, %dma_start3A_41] : memref<10000x128xf32, #tpu.memory_space<hbm>> -> memref<10000x128xf32, #tpu.memory_space<hbm>>
      tpu.enqueue_indirect_dma source(%dma_start3A_42 : memref<10000x128xf32, #tpu.memory_space<hbm>>) target(%dma_start3A_36 : memref<128x128xf32, #tpu.memory_space<vmem>>) offsets(%dma_start3A_39 : memref<128xi32, #tpu.memory_space<vmem>>) semaphore(%arg10 : memref<!tpu.dma_semaphore, #tpu.memory_space<semaphore_mem>>)
      %dma_wait3A = arith.constant 0 : i32
      %dma_wait3A_43 = arith.constant 0 : i32
      %dma_wait3A_44 = arith.constant 0 : i32
      %dma_wait3A_45 = tpu.memref_slice %arg8[%dma_wait3A_43, %dma_wait3A_44] : memref<256x128xf32, #tpu.memory_space<vmem>> -> memref<128x128xf32, #tpu.memory_space<vmem>>
      %dma_wait3A_46 = arith.constant 0 : i32
      %dma_wait3A_47 = tpu.memref_slice %arg6[%dma_wait3A, %dma_wait3A_46] : memref<2x128xi32, #tpu.memory_space<vmem>> -> memref<1x128xi32, #tpu.memory_space<vmem>>
      %dma_wait3A_48 = tpu.memref_squeeze %dma_wait3A_47 : memref<1x128xi32, #tpu.memory_space<vmem>> -> memref<128xi32, #tpu.memory_space<vmem>>
      %dma_wait3A_49 = arith.constant 0 : i32
      %dma_wait3A_50 = arith.constant 0 : i32
      %dma_wait3A_51 = tpu.memref_slice %arg2[%dma_wait3A_49, %dma_wait3A_50] : memref<10000x128xf32, #tpu.memory_space<hbm>> -> memref<10000x128xf32, #tpu.memory_space<hbm>>
      tpu.wait_indirect_dma semaphore(%arg10 : memref<!tpu.dma_semaphore, #tpu.memory_space<semaphore_mem>>) src(%dma_wait3A_51 : memref<10000x128xf32, #tpu.memory_space<hbm>>) dst(%dma_wait3A_45 : memref<128x128xf32, #tpu.memory_space<vmem>>)
      %dma_wait3A_52 = arith.constant 1 : i32
      %dma_wait3A_53 = arith.constant 128 : i32
      %dma_wait3A_54 = arith.constant 0 : i32
      %dma_wait3A_55 = tpu.memref_slice %arg8[%dma_wait3A_53, %dma_wait3A_54] : memref<256x128xf32, #tpu.memory_space<vmem>> -> memref<128x128xf32, #tpu.memory_space<vmem>>
      %dma_wait3A_56 = arith.constant 0 : i32
      %dma_wait3A_57 = tpu.memref_slice %arg6[%dma_wait3A_52, %dma_wait3A_56] : memref<2x128xi32, #tpu.memory_space<vmem>> -> memref<1x128xi32, #tpu.memory_space<vmem>>
      %dma_wait3A_58 = tpu.memref_squeeze %dma_wait3A_57 : memref<1x128xi32, #tpu.memory_space<vmem>> -> memref<128xi32, #tpu.memory_space<vmem>>
      %dma_wait3A_59 = arith.constant 0 : i32
      %dma_wait3A_60 = arith.constant 0 : i32
      %dma_wait3A_61 = tpu.memref_slice %arg2[%dma_wait3A_59, %dma_wait3A_60] : memref<10000x128xf32, #tpu.memory_space<hbm>> -> memref<10000x128xf32, #tpu.memory_space<hbm>>
      tpu.wait_indirect_dma semaphore(%arg10 : memref<!tpu.dma_semaphore, #tpu.memory_space<semaphore_mem>>) src(%dma_wait3A_61 : memref<10000x128xf32, #tpu.memory_space<hbm>>) dst(%dma_wait3A_55 : memref<128x128xf32, #tpu.memory_space<vmem>>)
      %run_scoped3A = arith.constant 0 : i32
      "tpu.region"() ({
        %run_scoped3A_63 = tpu.sem_alloc : memref<!tpu.dma_semaphore, #tpu.memory_space<semaphore_mem>>
        %dma_start3A_64 = arith.constant 0 : i32
        %dma_start3A_65 = arith.constant 0 : i32
        %dma_start3A_66 = tpu.memref_slice %arg8[%dma_start3A_64, %dma_start3A_65] : memref<256x128xf32, #tpu.memory_space<vmem>> -> memref<128x128xf32, #tpu.memory_space<vmem>>
        %dma_start3A_67 = arith.constant 0 : i32
        %dma_start3A_68 = tpu.memref_slice %arg7[%run_scoped3A, %dma_start3A_67] : memref<2x128xi32, #tpu.memory_space<vmem>> -> memref<1x128xi32, #tpu.memory_space<vmem>>
        %dma_start3A_69 = tpu.memref_squeeze %dma_start3A_68 : memref<1x128xi32, #tpu.memory_space<vmem>> -> memref<128xi32, #tpu.memory_space<vmem>>
        %dma_start3A_70 = arith.constant 0 : i32
        %dma_start3A_71 = arith.constant 0 : i32
        %dma_start3A_72 = tpu.memref_slice %arg9[%dma_start3A_70, %dma_start3A_71] : memref<10112x128xf32, #tpu.memory_space<vmem_shared>> -> memref<10112x128xf32, #tpu.memory_space<vmem_shared>>
        tpu.enqueue_indirect_dma source(%dma_start3A_66 : memref<128x128xf32, #tpu.memory_space<vmem>>) target(%dma_start3A_72 : memref<10112x128xf32, #tpu.memory_space<vmem_shared>>) offsets(%dma_start3A_69 : memref<128xi32, #tpu.memory_space<vmem>>) semaphore(%run_scoped3A_63 : memref<!tpu.dma_semaphore, #tpu.memory_space<semaphore_mem>>) {add = true}
        %dma_wait3A_73 = arith.constant 0 : i32
        %dma_wait3A_74 = arith.constant 0 : i32
        %dma_wait3A_75 = tpu.memref_slice %arg8[%dma_wait3A_73, %dma_wait3A_74] : memref<256x128xf32, #tpu.memory_space<vmem>> -> memref<128x128xf32, #tpu.memory_space<vmem>>
        %dma_wait3A_76 = arith.constant 0 : i32
        %dma_wait3A_77 = tpu.memref_slice %arg7[%run_scoped3A, %dma_wait3A_76] : memref<2x128xi32, #tpu.memory_space<vmem>> -> memref<1x128xi32, #tpu.memory_space<vmem>>
        %dma_wait3A_78 = tpu.memref_squeeze %dma_wait3A_77 : memref<1x128xi32, #tpu.memory_space<vmem>> -> memref<128xi32, #tpu.memory_space<vmem>>
        %dma_wait3A_79 = arith.constant 0 : i32
        %dma_wait3A_80 = arith.constant 0 : i32
        %dma_wait3A_81 = tpu.memref_slice %arg9[%dma_wait3A_79, %dma_wait3A_80] : memref<10112x128xf32, #tpu.memory_space<vmem_shared>> -> memref<10112x128xf32, #tpu.memory_space<vmem_shared>>
        tpu.wait_indirect_dma semaphore(%run_scoped3A_63 : memref<!tpu.dma_semaphore, #tpu.memory_space<semaphore_mem>>) src(%dma_wait3A_75 : memref<128x128xf32, #tpu.memory_space<vmem>>) dst(%dma_wait3A_81 : memref<10112x128xf32, #tpu.memory_space<vmem_shared>>)
        tpu.yield
      }) : () -> ()
      %run_scoped3A_62 = arith.constant 1 : i32
      "tpu.region"() ({
        %run_scoped3A_63 = tpu.sem_alloc : memref<!tpu.dma_semaphore, #tpu.memory_space<semaphore_mem>>
        %dma_start3A_64 = arith.constant 128 : i32
        %dma_start3A_65 = arith.constant 0 : i32
        %dma_start3A_66 = tpu.memref_slice %arg8[%dma_start3A_64, %dma_start3A_65] : memref<256x128xf32, #tpu.memory_space<vmem>> -> memref<128x128xf32, #tpu.memory_space<vmem>>
        %dma_start3A_67 = arith.constant 0 : i32
        %dma_start3A_68 = tpu.memref_slice %arg7[%run_scoped3A_62, %dma_start3A_67] : memref<2x128xi32, #tpu.memory_space<vmem>> -> memref<1x128xi32, #tpu.memory_space<vmem>>
        %dma_start3A_69 = tpu.memref_squeeze %dma_start3A_68 : memref<1x128xi32, #tpu.memory_space<vmem>> -> memref<128xi32, #tpu.memory_space<vmem>>
        %dma_start3A_70 = arith.constant 0 : i32
        %dma_start3A_71 = arith.constant 0 : i32
        %dma_start3A_72 = tpu.memref_slice %arg9[%dma_start3A_70, %dma_start3A_71] : memref<10112x128xf32, #tpu.memory_space<vmem_shared>> -> memref<10112x128xf32, #tpu.memory_space<vmem_shared>>
        tpu.enqueue_indirect_dma source(%dma_start3A_66 : memref<128x128xf32, #tpu.memory_space<vmem>>) target(%dma_start3A_72 : memref<10112x128xf32, #tpu.memory_space<vmem_shared>>) offsets(%dma_start3A_69 : memref<128xi32, #tpu.memory_space<vmem>>) semaphore(%run_scoped3A_63 : memref<!tpu.dma_semaphore, #tpu.memory_space<semaphore_mem>>) {add = true}
        %dma_wait3A_73 = arith.constant 128 : i32
        %dma_wait3A_74 = arith.constant 0 : i32
        %dma_wait3A_75 = tpu.memref_slice %arg8[%dma_wait3A_73, %dma_wait3A_74] : memref<256x128xf32, #tpu.memory_space<vmem>> -> memref<128x128xf32, #tpu.memory_space<vmem>>
        %dma_wait3A_76 = arith.constant 0 : i32
        %dma_wait3A_77 = tpu.memref_slice %arg7[%run_scoped3A_62, %dma_wait3A_76] : memref<2x128xi32, #tpu.memory_space<vmem>> -> memref<1x128xi32, #tpu.memory_space<vmem>>
        %dma_wait3A_78 = tpu.memref_squeeze %dma_wait3A_77 : memref<1x128xi32, #tpu.memory_space<vmem>> -> memref<128xi32, #tpu.memory_space<vmem>>
        %dma_wait3A_79 = arith.constant 0 : i32
        %dma_wait3A_80 = arith.constant 0 : i32
        %dma_wait3A_81 = tpu.memref_slice %arg9[%dma_wait3A_79, %dma_wait3A_80] : memref<10112x128xf32, #tpu.memory_space<vmem_shared>> -> memref<10112x128xf32, #tpu.memory_space<vmem_shared>>
        tpu.wait_indirect_dma semaphore(%run_scoped3A_63 : memref<!tpu.dma_semaphore, #tpu.memory_space<semaphore_mem>>) src(%dma_wait3A_75 : memref<128x128xf32, #tpu.memory_space<vmem>>) dst(%dma_wait3A_81 : memref<10112x128xf32, #tpu.memory_space<vmem_shared>>)
        tpu.yield
      }) : () -> ()
    }
    %scan3A_17 = arith.constant 40 : i32
    %barrier3A_18 = arith.constant 0 : index
    tpu.barrier barrier_id(%barrier3A_18)
    %mul3A_19 = arith.constant 632 : i32
    %mul3A_20 = arith.muli %arg1, %mul3A_19 : i32
    %mul3A_21 = arith.constant 632 : i32
    %mul3A_22 = arith.muli %arg1, %mul3A_21 : i32
    "tpu.region"() ({
      %run_scoped3A = tpu.sem_alloc : memref<!tpu.dma_semaphore, #tpu.memory_space<semaphore_mem>>
      %dma_start3A = arith.constant 0 : i32
      %dma_start3A_23 = arith.constant 0 : i32
      %dma_start3A_24 = tpu.memref_slice %arg5[%arg0, %dma_start3A, %dma_start3A_23] : memref<2x10112x128xf32, #tpu.memory_space<hbm>> -> memref<1x10112x128xf32, #tpu.memory_space<hbm>>
      %dma_start3A_25 = tpu.memref_squeeze %dma_start3A_24 : memref<1x10112x128xf32, #tpu.memory_space<hbm>> -> memref<10112x128xf32, #tpu.memory_space<hbm>>
      %dma_start3A_26 = arith.constant 0 : i32
      %dma_start3A_27 = tpu.memref_slice %dma_start3A_25[%mul3A_22, %dma_start3A_26] : memref<10112x128xf32, #tpu.memory_space<hbm>> -> memref<632x128xf32, #tpu.memory_space<hbm>>
      %dma_start3A_28 = arith.constant 0 : i32
      %dma_start3A_29 = tpu.memref_slice %arg9[%mul3A_20, %dma_start3A_28] : memref<10112x128xf32, #tpu.memory_space<vmem_shared>> -> memref<632x128xf32, #tpu.memory_space<vmem_shared>>
      tpu.enqueue_dma source(%dma_start3A_29 : memref<632x128xf32, #tpu.memory_space<vmem_shared>>) target(%dma_start3A_27 : memref<632x128xf32, #tpu.memory_space<hbm>>) target_semaphore(%run_scoped3A : memref<!tpu.dma_semaphore, #tpu.memory_space<semaphore_mem>>)
      %dma_wait3A = arith.constant 0 : i32
      %dma_wait3A_30 = arith.constant 0 : i32
      %dma_wait3A_31 = tpu.memref_slice %arg5[%arg0, %dma_wait3A, %dma_wait3A_30] : memref<2x10112x128xf32, #tpu.memory_space<hbm>> -> memref<1x10112x128xf32, #tpu.memory_space<hbm>>
      %dma_wait3A_32 = tpu.memref_squeeze %dma_wait3A_31 : memref<1x10112x128xf32, #tpu.memory_space<hbm>> -> memref<10112x128xf32, #tpu.memory_space<hbm>>
      %dma_wait3A_33 = arith.constant 0 : i32
      %dma_wait3A_34 = tpu.memref_slice %dma_wait3A_32[%mul3A_22, %dma_wait3A_33] : memref<10112x128xf32, #tpu.memory_space<hbm>> -> memref<632x128xf32, #tpu.memory_space<hbm>>
      %dma_wait3A_35 = arith.constant 0 : i32
      %dma_wait3A_36 = tpu.memref_slice %arg9[%mul3A_20, %dma_wait3A_35] : memref<10112x128xf32, #tpu.memory_space<vmem_shared>> -> memref<632x128xf32, #tpu.memory_space<vmem_shared>>
      tpu.wait_dma2 semaphore(%run_scoped3A : memref<!tpu.dma_semaphore, #tpu.memory_space<semaphore_mem>>) src(%dma_wait3A_36 : memref<632x128xf32, #tpu.memory_space<vmem_shared>>) dst(%dma_wait3A_34 : memref<632x128xf32, #tpu.memory_space<hbm>>)
      tpu.yield
    }) : () -> ()
    return
  }
}

#map = affine_map<(d0, d1) -> (0, 0)>
#map1 = affine_map<(d0, d1) -> (0, 0, 0, 0, 0)>
#map2 = affine_map<(d0, d1) -> (0, 0, 0)>
module attributes {stable_mosaic.version = 14 : i64} {
  func.func @segsum_kernel(%arg0: i32, %arg1: i32, %arg2: memref<20000x128xf32, #tpu.memory_space<hbm>>, %arg3: memref<2x16x80x2x128xi32, #tpu.memory_space<hbm>>, %arg4: memref<2x16x80x2x128xi32, #tpu.memory_space<hbm>>, %arg5: memref<2x10112x128xf32, #tpu.memory_space<hbm>>, %arg6: memref<2x128xi32, #tpu.memory_space<vmem>>, %arg7: memref<2x128xi32, #tpu.memory_space<vmem>>, %arg8: memref<256x128xf32, #tpu.memory_space<vmem>>, %arg9: memref<10112x128xf32, #tpu.memory_space<vmem_shared>>, %arg10: memref<!tpu.dma_semaphore, #tpu.memory_space<semaphore_mem>>) attributes {dimension_semantics = [#tpu.dimension_semantics<core_parallel>, #tpu.dimension_semantics<subcore_parallel>], iteration_bounds = array<i64: 2, 16>, scalar_prefetch = 0 : i64, scratch_operands = 5 : i64, tpu.core_type = #tpu.core_type<sc_vector_subcore>, window_params = [{transform_indices = #map}, {transform_indices = #map1}, {transform_indices = #map1}, {transform_indices = #map2}]} {
    %broadcast_in_dim3A = arith.constant 0.000000e+00 : f32
    %broadcast_in_dim3A_0 = vector.broadcast %broadcast_in_dim3A : f32 to vector<16xf32>
    %scan3A = arith.constant 0 : i32
    %scan3A_1 = arith.constant 0 : i32
    %scan3A_2 = arith.constant 256 : i32
    %scan3A_3 = arith.addi %scan3A_1, %scan3A_2 : i32
    %scan3A_4 = arith.constant 1 : i32
    scf.for %scan3A_23 = %scan3A_1 to %scan3A_3 step %scan3A_4  : i32 {
      %swap3A = arith.index_cast %scan3A_23 : i32 to index
      %swap3A_24 = arith.constant 0 : index
      %swap3A_25 = tpu.vector_load %arg8[%swap3A, %swap3A_24] {strides = array<i32>} : memref<256x128xf32, #tpu.memory_space<vmem>>, vector<1x16xf32>,
      %swap3A_26 = vector.shape_cast %swap3A_25 : vector<1x16xf32> to vector<16xf32>
      %swap3A_27 = vector.shape_cast %broadcast_in_dim3A_0 : vector<16xf32> to vector<1x16xf32>
      tpu.vector_store %arg8[%swap3A, %swap3A_24], %swap3A_27 {strides = array<i32>} : memref<256x128xf32, #tpu.memory_space<vmem>>, vector<1x16xf32>,
      %swap3A_28 = arith.index_cast %scan3A_23 : i32 to index
      %swap3A_29 = arith.constant 16 : index
      %swap3A_30 = tpu.vector_load %arg8[%swap3A_28, %swap3A_29] {strides = array<i32>} : memref<256x128xf32, #tpu.memory_space<vmem>>, vector<1x16xf32>,
      %swap3A_31 = vector.shape_cast %swap3A_30 : vector<1x16xf32> to vector<16xf32>
      %swap3A_32 = vector.shape_cast %broadcast_in_dim3A_0 : vector<16xf32> to vector<1x16xf32>
      tpu.vector_store %arg8[%swap3A_28, %swap3A_29], %swap3A_32 {strides = array<i32>} : memref<256x128xf32, #tpu.memory_space<vmem>>, vector<1x16xf32>,
      %swap3A_33 = arith.index_cast %scan3A_23 : i32 to index
      %swap3A_34 = arith.constant 32 : index
      %swap3A_35 = tpu.vector_load %arg8[%swap3A_33, %swap3A_34] {strides = array<i32>} : memref<256x128xf32, #tpu.memory_space<vmem>>, vector<1x16xf32>,
      %swap3A_36 = vector.shape_cast %swap3A_35 : vector<1x16xf32> to vector<16xf32>
      %swap3A_37 = vector.shape_cast %broadcast_in_dim3A_0 : vector<16xf32> to vector<1x16xf32>
      tpu.vector_store %arg8[%swap3A_33, %swap3A_34], %swap3A_37 {strides = array<i32>} : memref<256x128xf32, #tpu.memory_space<vmem>>, vector<1x16xf32>,
      %swap3A_38 = arith.index_cast %scan3A_23 : i32 to index
      %swap3A_39 = arith.constant 48 : index
      %swap3A_40 = tpu.vector_load %arg8[%swap3A_38, %swap3A_39] {strides = array<i32>} : memref<256x128xf32, #tpu.memory_space<vmem>>, vector<1x16xf32>,
      %swap3A_41 = vector.shape_cast %swap3A_40 : vector<1x16xf32> to vector<16xf32>
      %swap3A_42 = vector.shape_cast %broadcast_in_dim3A_0 : vector<16xf32> to vector<1x16xf32>
      tpu.vector_store %arg8[%swap3A_38, %swap3A_39], %swap3A_42 {strides = array<i32>} : memref<256x128xf32, #tpu.memory_space<vmem>>, vector<1x16xf32>,
      %swap3A_43 = arith.index_cast %scan3A_23 : i32 to index
      %swap3A_44 = arith.constant 64 : index
      %swap3A_45 = tpu.vector_load %arg8[%swap3A_43, %swap3A_44] {strides = array<i32>} : memref<256x128xf32, #tpu.memory_space<vmem>>, vector<1x16xf32>,
      %swap3A_46 = vector.shape_cast %swap3A_45 : vector<1x16xf32> to vector<16xf32>
      %swap3A_47 = vector.shape_cast %broadcast_in_dim3A_0 : vector<16xf32> to vector<1x16xf32>
      tpu.vector_store %arg8[%swap3A_43, %swap3A_44], %swap3A_47 {strides = array<i32>} : memref<256x128xf32, #tpu.memory_space<vmem>>, vector<1x16xf32>,
      %swap3A_48 = arith.index_cast %scan3A_23 : i32 to index
      %swap3A_49 = arith.constant 80 : index
      %swap3A_50 = tpu.vector_load %arg8[%swap3A_48, %swap3A_49] {strides = array<i32>} : memref<256x128xf32, #tpu.memory_space<vmem>>, vector<1x16xf32>,
      %swap3A_51 = vector.shape_cast %swap3A_50 : vector<1x16xf32> to vector<16xf32>
      %swap3A_52 = vector.shape_cast %broadcast_in_dim3A_0 : vector<16xf32> to vector<1x16xf32>
      tpu.vector_store %arg8[%swap3A_48, %swap3A_49], %swap3A_52 {strides = array<i32>} : memref<256x128xf32, #tpu.memory_space<vmem>>, vector<1x16xf32>,
      %swap3A_53 = arith.index_cast %scan3A_23 : i32 to index
      %swap3A_54 = arith.constant 96 : index
      %swap3A_55 = tpu.vector_load %arg8[%swap3A_53, %swap3A_54] {strides = array<i32>} : memref<256x128xf32, #tpu.memory_space<vmem>>, vector<1x16xf32>,
      %swap3A_56 = vector.shape_cast %swap3A_55 : vector<1x16xf32> to vector<16xf32>
      %swap3A_57 = vector.shape_cast %broadcast_in_dim3A_0 : vector<16xf32> to vector<1x16xf32>
      tpu.vector_store %arg8[%swap3A_53, %swap3A_54], %swap3A_57 {strides = array<i32>} : memref<256x128xf32, #tpu.memory_space<vmem>>, vector<1x16xf32>,
      %swap3A_58 = arith.index_cast %scan3A_23 : i32 to index
      %swap3A_59 = arith.constant 112 : index
      %swap3A_60 = tpu.vector_load %arg8[%swap3A_58, %swap3A_59] {strides = array<i32>} : memref<256x128xf32, #tpu.memory_space<vmem>>, vector<1x16xf32>,
      %swap3A_61 = vector.shape_cast %swap3A_60 : vector<1x16xf32> to vector<16xf32>
      %swap3A_62 = vector.shape_cast %broadcast_in_dim3A_0 : vector<16xf32> to vector<1x16xf32>
      tpu.vector_store %arg8[%swap3A_58, %swap3A_59], %swap3A_62 {strides = array<i32>} : memref<256x128xf32, #tpu.memory_space<vmem>>, vector<1x16xf32>,
    }
    %scan3A_5 = arith.constant 256 : i32
    %mul3A = arith.constant 632 : i32
    %mul3A_6 = arith.muli %arg1, %mul3A : i32
    %add3A = arith.constant 0 : i32
    %add3A_7 = arith.addi %mul3A_6, %add3A : i32
    "tpu.region"() ({
      %run_scoped3A = tpu.sem_alloc : memref<!tpu.dma_semaphore, #tpu.memory_space<semaphore_mem>>
      %dma_start3A = arith.constant 0 : i32
      %dma_start3A_23 = arith.constant 0 : i32
      %dma_start3A_24 = tpu.memref_slice %arg8[%dma_start3A, %dma_start3A_23] : memref<256x128xf32, #tpu.memory_space<vmem>> -> memref<256x128xf32, #tpu.memory_space<vmem>>
      %dma_start3A_25 = arith.constant 0 : i32
      %dma_start3A_26 = tpu.memref_slice %arg9[%add3A_7, %dma_start3A_25] : memref<10112x128xf32, #tpu.memory_space<vmem_shared>> -> memref<256x128xf32, #tpu.memory_space<vmem_shared>>
      %dma_start3A_27 = arith.constant 0 : i32
      %dma_start3A_28 = tpu.memref_slice %arg9[%add3A_7, %dma_start3A_27] : memref<10112x128xf32, #tpu.memory_space<vmem_shared>> -> memref<256x128xf32, #tpu.memory_space<vmem_shared>>
      %dma_start3A_29 = arith.constant 0 : i32
      %dma_start3A_30 = arith.constant 0 : i32
      %dma_start3A_31 = tpu.memref_slice %arg8[%dma_start3A_29, %dma_start3A_30] : memref<256x128xf32, #tpu.memory_space<vmem>> -> memref<256x128xf32, #tpu.memory_space<vmem>>
      tpu.enqueue_dma source(%dma_start3A_31 : memref<256x128xf32, #tpu.memory_space<vmem>>) target(%dma_start3A_28 : memref<256x128xf32, #tpu.memory_space<vmem_shared>>) target_semaphore(%run_scoped3A : memref<!tpu.dma_semaphore, #tpu.memory_space<semaphore_mem>>)
      %dma_wait3A = arith.constant 0 : i32
      %dma_wait3A_32 = arith.constant 0 : i32
      %dma_wait3A_33 = tpu.memref_slice %arg8[%dma_wait3A, %dma_wait3A_32] : memref<256x128xf32, #tpu.memory_space<vmem>> -> memref<256x128xf32, #tpu.memory_space<vmem>>
      %dma_wait3A_34 = arith.constant 0 : i32
      %dma_wait3A_35 = tpu.memref_slice %arg9[%add3A_7, %dma_wait3A_34] : memref<10112x128xf32, #tpu.memory_space<vmem_shared>> -> memref<256x128xf32, #tpu.memory_space<vmem_shared>>
      %dma_wait3A_36 = arith.constant 0 : i32
      %dma_wait3A_37 = tpu.memref_slice %arg9[%add3A_7, %dma_wait3A_36] : memref<10112x128xf32, #tpu.memory_space<vmem_shared>> -> memref<256x128xf32, #tpu.memory_space<vmem_shared>>
      %dma_wait3A_38 = arith.constant 0 : i32
      %dma_wait3A_39 = arith.constant 0 : i32
      %dma_wait3A_40 = tpu.memref_slice %arg8[%dma_wait3A_38, %dma_wait3A_39] : memref<256x128xf32, #tpu.memory_space<vmem>> -> memref<256x128xf32, #tpu.memory_space<vmem>>
      tpu.wait_dma2 semaphore(%run_scoped3A : memref<!tpu.dma_semaphore, #tpu.memory_space<semaphore_mem>>) src(%dma_wait3A_40 : memref<256x128xf32, #tpu.memory_space<vmem>>) dst(%dma_wait3A_37 : memref<256x128xf32, #tpu.memory_space<vmem_shared>>)
      tpu.yield
    }) : () -> ()
    %add3A_8 = arith.constant 256 : i32
    %add3A_9 = arith.addi %mul3A_6, %add3A_8 : i32
    "tpu.region"() ({
      %run_scoped3A = tpu.sem_alloc : memref<!tpu.dma_semaphore, #tpu.memory_space<semaphore_mem>>
      %dma_start3A = arith.constant 0 : i32
      %dma_start3A_23 = arith.constant 0 : i32
      %dma_start3A_24 = tpu.memref_slice %arg8[%dma_start3A, %dma_start3A_23] : memref<256x128xf32, #tpu.memory_space<vmem>> -> memref<256x128xf32, #tpu.memory_space<vmem>>
      %dma_start3A_25 = arith.constant 0 : i32
      %dma_start3A_26 = tpu.memref_slice %arg9[%add3A_9, %dma_start3A_25] : memref<10112x128xf32, #tpu.memory_space<vmem_shared>> -> memref<256x128xf32, #tpu.memory_space<vmem_shared>>
      %dma_start3A_27 = arith.constant 0 : i32
      %dma_start3A_28 = tpu.memref_slice %arg9[%add3A_9, %dma_start3A_27] : memref<10112x128xf32, #tpu.memory_space<vmem_shared>> -> memref<256x128xf32, #tpu.memory_space<vmem_shared>>
      %dma_start3A_29 = arith.constant 0 : i32
      %dma_start3A_30 = arith.constant 0 : i32
      %dma_start3A_31 = tpu.memref_slice %arg8[%dma_start3A_29, %dma_start3A_30] : memref<256x128xf32, #tpu.memory_space<vmem>> -> memref<256x128xf32, #tpu.memory_space<vmem>>
      tpu.enqueue_dma source(%dma_start3A_31 : memref<256x128xf32, #tpu.memory_space<vmem>>) target(%dma_start3A_28 : memref<256x128xf32, #tpu.memory_space<vmem_shared>>) target_semaphore(%run_scoped3A : memref<!tpu.dma_semaphore, #tpu.memory_space<semaphore_mem>>)
      %dma_wait3A = arith.constant 0 : i32
      %dma_wait3A_32 = arith.constant 0 : i32
      %dma_wait3A_33 = tpu.memref_slice %arg8[%dma_wait3A, %dma_wait3A_32] : memref<256x128xf32, #tpu.memory_space<vmem>> -> memref<256x128xf32, #tpu.memory_space<vmem>>
      %dma_wait3A_34 = arith.constant 0 : i32
      %dma_wait3A_35 = tpu.memref_slice %arg9[%add3A_9, %dma_wait3A_34] : memref<10112x128xf32, #tpu.memory_space<vmem_shared>> -> memref<256x128xf32, #tpu.memory_space<vmem_shared>>
      %dma_wait3A_36 = arith.constant 0 : i32
      %dma_wait3A_37 = tpu.memref_slice %arg9[%add3A_9, %dma_wait3A_36] : memref<10112x128xf32, #tpu.memory_space<vmem_shared>> -> memref<256x128xf32, #tpu.memory_space<vmem_shared>>
      %dma_wait3A_38 = arith.constant 0 : i32
      %dma_wait3A_39 = arith.constant 0 : i32
      %dma_wait3A_40 = tpu.memref_slice %arg8[%dma_wait3A_38, %dma_wait3A_39] : memref<256x128xf32, #tpu.memory_space<vmem>> -> memref<256x128xf32, #tpu.memory_space<vmem>>
      tpu.wait_dma2 semaphore(%run_scoped3A : memref<!tpu.dma_semaphore, #tpu.memory_space<semaphore_mem>>) src(%dma_wait3A_40 : memref<256x128xf32, #tpu.memory_space<vmem>>) dst(%dma_wait3A_37 : memref<256x128xf32, #tpu.memory_space<vmem_shared>>)
      tpu.yield
    }) : () -> ()
    %add3A_10 = arith.constant 512 : i32
    %add3A_11 = arith.addi %mul3A_6, %add3A_10 : i32
    "tpu.region"() ({
      %run_scoped3A = tpu.sem_alloc : memref<!tpu.dma_semaphore, #tpu.memory_space<semaphore_mem>>
      %dma_start3A = arith.constant 0 : i32
      %dma_start3A_23 = arith.constant 0 : i32
      %dma_start3A_24 = tpu.memref_slice %arg8[%dma_start3A, %dma_start3A_23] : memref<256x128xf32, #tpu.memory_space<vmem>> -> memref<120x128xf32, #tpu.memory_space<vmem>>
      %dma_start3A_25 = arith.constant 0 : i32
      %dma_start3A_26 = tpu.memref_slice %arg9[%add3A_11, %dma_start3A_25] : memref<10112x128xf32, #tpu.memory_space<vmem_shared>> -> memref<120x128xf32, #tpu.memory_space<vmem_shared>>
      %dma_start3A_27 = arith.constant 0 : i32
      %dma_start3A_28 = tpu.memref_slice %arg9[%add3A_11, %dma_start3A_27] : memref<10112x128xf32, #tpu.memory_space<vmem_shared>> -> memref<120x128xf32, #tpu.memory_space<vmem_shared>>
      %dma_start3A_29 = arith.constant 0 : i32
      %dma_start3A_30 = arith.constant 0 : i32
      %dma_start3A_31 = tpu.memref_slice %arg8[%dma_start3A_29, %dma_start3A_30] : memref<256x128xf32, #tpu.memory_space<vmem>> -> memref<120x128xf32, #tpu.memory_space<vmem>>
      tpu.enqueue_dma source(%dma_start3A_31 : memref<120x128xf32, #tpu.memory_space<vmem>>) target(%dma_start3A_28 : memref<120x128xf32, #tpu.memory_space<vmem_shared>>) target_semaphore(%run_scoped3A : memref<!tpu.dma_semaphore, #tpu.memory_space<semaphore_mem>>)
      %dma_wait3A = arith.constant 0 : i32
      %dma_wait3A_32 = arith.constant 0 : i32
      %dma_wait3A_33 = tpu.memref_slice %arg8[%dma_wait3A, %dma_wait3A_32] : memref<256x128xf32, #tpu.memory_space<vmem>> -> memref<120x128xf32, #tpu.memory_space<vmem>>
      %dma_wait3A_34 = arith.constant 0 : i32
      %dma_wait3A_35 = tpu.memref_slice %arg9[%add3A_11, %dma_wait3A_34] : memref<10112x128xf32, #tpu.memory_space<vmem_shared>> -> memref<120x128xf32, #tpu.memory_space<vmem_shared>>
      %dma_wait3A_36 = arith.constant 0 : i32
      %dma_wait3A_37 = tpu.memref_slice %arg9[%add3A_11, %dma_wait3A_36] : memref<10112x128xf32, #tpu.memory_space<vmem_shared>> -> memref<120x128xf32, #tpu.memory_space<vmem_shared>>
      %dma_wait3A_38 = arith.constant 0 : i32
      %dma_wait3A_39 = arith.constant 0 : i32
      %dma_wait3A_40 = tpu.memref_slice %arg8[%dma_wait3A_38, %dma_wait3A_39] : memref<256x128xf32, #tpu.memory_space<vmem>> -> memref<120x128xf32, #tpu.memory_space<vmem>>
      tpu.wait_dma2 semaphore(%run_scoped3A : memref<!tpu.dma_semaphore, #tpu.memory_space<semaphore_mem>>) src(%dma_wait3A_40 : memref<120x128xf32, #tpu.memory_space<vmem>>) dst(%dma_wait3A_37 : memref<120x128xf32, #tpu.memory_space<vmem_shared>>)
      tpu.yield
    }) : () -> ()
    %barrier3A = arith.constant 0 : index
    tpu.barrier barrier_id(%barrier3A)
    %scan3A_12 = arith.constant 0 : i32
    %scan3A_13 = arith.constant 0 : i32
    %scan3A_14 = arith.constant 80 : i32
    %scan3A_15 = arith.addi %scan3A_13, %scan3A_14 : i32
    %scan3A_16 = arith.constant 1 : i32
    scf.for %scan3A_23 = %scan3A_13 to %scan3A_15 step %scan3A_16  : i32 {
      "tpu.region"() ({
        %run_scoped3A_63 = tpu.sem_alloc : memref<!tpu.dma_semaphore, #tpu.memory_space<semaphore_mem>>
        %dma_start3A_64 = arith.constant 0 : i32
        %dma_start3A_65 = arith.constant 0 : i32
        %dma_start3A_66 = arith.constant 0 : i32
        %dma_start3A_67 = arith.constant 0 : i32
        %dma_start3A_68 = tpu.memref_slice %arg3[%arg0, %dma_start3A_64, %dma_start3A_65, %dma_start3A_66, %dma_start3A_67] : memref<2x16x80x2x128xi32, #tpu.memory_space<hbm>> -> memref<1x16x80x2x128xi32, #tpu.memory_space<hbm>>
        %dma_start3A_69 = tpu.memref_squeeze %dma_start3A_68 : memref<1x16x80x2x128xi32, #tpu.memory_space<hbm>> -> memref<16x80x2x128xi32, #tpu.memory_space<hbm>>
        %dma_start3A_70 = arith.constant 0 : i32
        %dma_start3A_71 = arith.constant 0 : i32
        %dma_start3A_72 = arith.constant 0 : i32
        %dma_start3A_73 = tpu.memref_slice %dma_start3A_69[%arg1, %dma_start3A_70, %dma_start3A_71, %dma_start3A_72] : memref<16x80x2x128xi32, #tpu.memory_space<hbm>> -> memref<1x80x2x128xi32, #tpu.memory_space<hbm>>
        %dma_start3A_74 = tpu.memref_squeeze %dma_start3A_73 : memref<1x80x2x128xi32, #tpu.memory_space<hbm>> -> memref<80x2x128xi32, #tpu.memory_space<hbm>>
        %dma_start3A_75 = arith.constant 0 : i32
        %dma_start3A_76 = arith.constant 0 : i32
        %dma_start3A_77 = tpu.memref_slice %dma_start3A_74[%scan3A_23, %dma_start3A_75, %dma_start3A_76] : memref<80x2x128xi32, #tpu.memory_space<hbm>> -> memref<1x2x128xi32, #tpu.memory_space<hbm>>
        %dma_start3A_78 = tpu.memref_squeeze %dma_start3A_77 : memref<1x2x128xi32, #tpu.memory_space<hbm>> -> memref<2x128xi32, #tpu.memory_space<hbm>>
        %dma_start3A_79 = arith.constant 0 : i32
        %dma_start3A_80 = arith.constant 0 : i32
        %dma_start3A_81 = arith.constant 0 : i32
        %dma_start3A_82 = arith.constant 0 : i32
        %dma_start3A_83 = tpu.memref_slice %arg3[%arg0, %dma_start3A_79, %dma_start3A_80, %dma_start3A_81, %dma_start3A_82] : memref<2x16x80x2x128xi32, #tpu.memory_space<hbm>> -> memref<1x16x80x2x128xi32, #tpu.memory_space<hbm>>
        %dma_start3A_84 = tpu.memref_squeeze %dma_start3A_83 : memref<1x16x80x2x128xi32, #tpu.memory_space<hbm>> -> memref<16x80x2x128xi32, #tpu.memory_space<hbm>>
        %dma_start3A_85 = arith.constant 0 : i32
        %dma_start3A_86 = arith.constant 0 : i32
        %dma_start3A_87 = arith.constant 0 : i32
        %dma_start3A_88 = tpu.memref_slice %dma_start3A_84[%arg1, %dma_start3A_85, %dma_start3A_86, %dma_start3A_87] : memref<16x80x2x128xi32, #tpu.memory_space<hbm>> -> memref<1x80x2x128xi32, #tpu.memory_space<hbm>>
        %dma_start3A_89 = tpu.memref_squeeze %dma_start3A_88 : memref<1x80x2x128xi32, #tpu.memory_space<hbm>> -> memref<80x2x128xi32, #tpu.memory_space<hbm>>
        %dma_start3A_90 = arith.constant 0 : i32
        %dma_start3A_91 = arith.constant 0 : i32
        %dma_start3A_92 = tpu.memref_slice %dma_start3A_89[%scan3A_23, %dma_start3A_90, %dma_start3A_91] : memref<80x2x128xi32, #tpu.memory_space<hbm>> -> memref<1x2x128xi32, #tpu.memory_space<hbm>>
        %dma_start3A_93 = tpu.memref_squeeze %dma_start3A_92 : memref<1x2x128xi32, #tpu.memory_space<hbm>> -> memref<2x128xi32, #tpu.memory_space<hbm>>
        tpu.enqueue_dma source(%dma_start3A_93 : memref<2x128xi32, #tpu.memory_space<hbm>>) target(%arg6 : memref<2x128xi32, #tpu.memory_space<vmem>>) target_semaphore(%run_scoped3A_63 : memref<!tpu.dma_semaphore, #tpu.memory_space<semaphore_mem>>)
        %dma_wait3A_94 = arith.constant 0 : i32
        %dma_wait3A_95 = arith.constant 0 : i32
        %dma_wait3A_96 = arith.constant 0 : i32
        %dma_wait3A_97 = arith.constant 0 : i32
        %dma_wait3A_98 = tpu.memref_slice %arg3[%arg0, %dma_wait3A_94, %dma_wait3A_95, %dma_wait3A_96, %dma_wait3A_97] : memref<2x16x80x2x128xi32, #tpu.memory_space<hbm>> -> memref<1x16x80x2x128xi32, #tpu.memory_space<hbm>>
        %dma_wait3A_99 = tpu.memref_squeeze %dma_wait3A_98 : memref<1x16x80x2x128xi32, #tpu.memory_space<hbm>> -> memref<16x80x2x128xi32, #tpu.memory_space<hbm>>
        %dma_wait3A_100 = arith.constant 0 : i32
        %dma_wait3A_101 = arith.constant 0 : i32
        %dma_wait3A_102 = arith.constant 0 : i32
        %dma_wait3A_103 = tpu.memref_slice %dma_wait3A_99[%arg1, %dma_wait3A_100, %dma_wait3A_101, %dma_wait3A_102] : memref<16x80x2x128xi32, #tpu.memory_space<hbm>> -> memref<1x80x2x128xi32, #tpu.memory_space<hbm>>
        %dma_wait3A_104 = tpu.memref_squeeze %dma_wait3A_103 : memref<1x80x2x128xi32, #tpu.memory_space<hbm>> -> memref<80x2x128xi32, #tpu.memory_space<hbm>>
        %dma_wait3A_105 = arith.constant 0 : i32
        %dma_wait3A_106 = arith.constant 0 : i32
        %dma_wait3A_107 = tpu.memref_slice %dma_wait3A_104[%scan3A_23, %dma_wait3A_105, %dma_wait3A_106] : memref<80x2x128xi32, #tpu.memory_space<hbm>> -> memref<1x2x128xi32, #tpu.memory_space<hbm>>
        %dma_wait3A_108 = tpu.memref_squeeze %dma_wait3A_107 : memref<1x2x128xi32, #tpu.memory_space<hbm>> -> memref<2x128xi32, #tpu.memory_space<hbm>>
        %dma_wait3A_109 = arith.constant 0 : i32
        %dma_wait3A_110 = arith.constant 0 : i32
        %dma_wait3A_111 = arith.constant 0 : i32
        %dma_wait3A_112 = arith.constant 0 : i32
        %dma_wait3A_113 = tpu.memref_slice %arg3[%arg0, %dma_wait3A_109, %dma_wait3A_110, %dma_wait3A_111, %dma_wait3A_112] : memref<2x16x80x2x128xi32, #tpu.memory_space<hbm>> -> memref<1x16x80x2x128xi32, #tpu.memory_space<hbm>>
        %dma_wait3A_114 = tpu.memref_squeeze %dma_wait3A_113 : memref<1x16x80x2x128xi32, #tpu.memory_space<hbm>> -> memref<16x80x2x128xi32, #tpu.memory_space<hbm>>
        %dma_wait3A_115 = arith.constant 0 : i32
        %dma_wait3A_116 = arith.constant 0 : i32
        %dma_wait3A_117 = arith.constant 0 : i32
        %dma_wait3A_118 = tpu.memref_slice %dma_wait3A_114[%arg1, %dma_wait3A_115, %dma_wait3A_116, %dma_wait3A_117] : memref<16x80x2x128xi32, #tpu.memory_space<hbm>> -> memref<1x80x2x128xi32, #tpu.memory_space<hbm>>
        %dma_wait3A_119 = tpu.memref_squeeze %dma_wait3A_118 : memref<1x80x2x128xi32, #tpu.memory_space<hbm>> -> memref<80x2x128xi32, #tpu.memory_space<hbm>>
        %dma_wait3A_120 = arith.constant 0 : i32
        %dma_wait3A_121 = arith.constant 0 : i32
        %dma_wait3A_122 = tpu.memref_slice %dma_wait3A_119[%scan3A_23, %dma_wait3A_120, %dma_wait3A_121] : memref<80x2x128xi32, #tpu.memory_space<hbm>> -> memref<1x2x128xi32, #tpu.memory_space<hbm>>
        %dma_wait3A_123 = tpu.memref_squeeze %dma_wait3A_122 : memref<1x2x128xi32, #tpu.memory_space<hbm>> -> memref<2x128xi32, #tpu.memory_space<hbm>>
        tpu.wait_dma2 semaphore(%run_scoped3A_63 : memref<!tpu.dma_semaphore, #tpu.memory_space<semaphore_mem>>) src(%dma_wait3A_123 : memref<2x128xi32, #tpu.memory_space<hbm>>) dst(%arg6 : memref<2x128xi32, #tpu.memory_space<vmem>>)
        tpu.yield
      }) : () -> ()
      "tpu.region"() ({
        %run_scoped3A_63 = tpu.sem_alloc : memref<!tpu.dma_semaphore, #tpu.memory_space<semaphore_mem>>
        %dma_start3A_64 = arith.constant 0 : i32
        %dma_start3A_65 = arith.constant 0 : i32
        %dma_start3A_66 = arith.constant 0 : i32
        %dma_start3A_67 = arith.constant 0 : i32
        %dma_start3A_68 = tpu.memref_slice %arg4[%arg0, %dma_start3A_64, %dma_start3A_65, %dma_start3A_66, %dma_start3A_67] : memref<2x16x80x2x128xi32, #tpu.memory_space<hbm>> -> memref<1x16x80x2x128xi32, #tpu.memory_space<hbm>>
        %dma_start3A_69 = tpu.memref_squeeze %dma_start3A_68 : memref<1x16x80x2x128xi32, #tpu.memory_space<hbm>> -> memref<16x80x2x128xi32, #tpu.memory_space<hbm>>
        %dma_start3A_70 = arith.constant 0 : i32
        %dma_start3A_71 = arith.constant 0 : i32
        %dma_start3A_72 = arith.constant 0 : i32
        %dma_start3A_73 = tpu.memref_slice %dma_start3A_69[%arg1, %dma_start3A_70, %dma_start3A_71, %dma_start3A_72] : memref<16x80x2x128xi32, #tpu.memory_space<hbm>> -> memref<1x80x2x128xi32, #tpu.memory_space<hbm>>
        %dma_start3A_74 = tpu.memref_squeeze %dma_start3A_73 : memref<1x80x2x128xi32, #tpu.memory_space<hbm>> -> memref<80x2x128xi32, #tpu.memory_space<hbm>>
        %dma_start3A_75 = arith.constant 0 : i32
        %dma_start3A_76 = arith.constant 0 : i32
        %dma_start3A_77 = tpu.memref_slice %dma_start3A_74[%scan3A_23, %dma_start3A_75, %dma_start3A_76] : memref<80x2x128xi32, #tpu.memory_space<hbm>> -> memref<1x2x128xi32, #tpu.memory_space<hbm>>
        %dma_start3A_78 = tpu.memref_squeeze %dma_start3A_77 : memref<1x2x128xi32, #tpu.memory_space<hbm>> -> memref<2x128xi32, #tpu.memory_space<hbm>>
        %dma_start3A_79 = arith.constant 0 : i32
        %dma_start3A_80 = arith.constant 0 : i32
        %dma_start3A_81 = arith.constant 0 : i32
        %dma_start3A_82 = arith.constant 0 : i32
        %dma_start3A_83 = tpu.memref_slice %arg4[%arg0, %dma_start3A_79, %dma_start3A_80, %dma_start3A_81, %dma_start3A_82] : memref<2x16x80x2x128xi32, #tpu.memory_space<hbm>> -> memref<1x16x80x2x128xi32, #tpu.memory_space<hbm>>
        %dma_start3A_84 = tpu.memref_squeeze %dma_start3A_83 : memref<1x16x80x2x128xi32, #tpu.memory_space<hbm>> -> memref<16x80x2x128xi32, #tpu.memory_space<hbm>>
        %dma_start3A_85 = arith.constant 0 : i32
        %dma_start3A_86 = arith.constant 0 : i32
        %dma_start3A_87 = arith.constant 0 : i32
        %dma_start3A_88 = tpu.memref_slice %dma_start3A_84[%arg1, %dma_start3A_85, %dma_start3A_86, %dma_start3A_87] : memref<16x80x2x128xi32, #tpu.memory_space<hbm>> -> memref<1x80x2x128xi32, #tpu.memory_space<hbm>>
        %dma_start3A_89 = tpu.memref_squeeze %dma_start3A_88 : memref<1x80x2x128xi32, #tpu.memory_space<hbm>> -> memref<80x2x128xi32, #tpu.memory_space<hbm>>
        %dma_start3A_90 = arith.constant 0 : i32
        %dma_start3A_91 = arith.constant 0 : i32
        %dma_start3A_92 = tpu.memref_slice %dma_start3A_89[%scan3A_23, %dma_start3A_90, %dma_start3A_91] : memref<80x2x128xi32, #tpu.memory_space<hbm>> -> memref<1x2x128xi32, #tpu.memory_space<hbm>>
        %dma_start3A_93 = tpu.memref_squeeze %dma_start3A_92 : memref<1x2x128xi32, #tpu.memory_space<hbm>> -> memref<2x128xi32, #tpu.memory_space<hbm>>
        tpu.enqueue_dma source(%dma_start3A_93 : memref<2x128xi32, #tpu.memory_space<hbm>>) target(%arg7 : memref<2x128xi32, #tpu.memory_space<vmem>>) target_semaphore(%run_scoped3A_63 : memref<!tpu.dma_semaphore, #tpu.memory_space<semaphore_mem>>)
        %dma_wait3A_94 = arith.constant 0 : i32
        %dma_wait3A_95 = arith.constant 0 : i32
        %dma_wait3A_96 = arith.constant 0 : i32
        %dma_wait3A_97 = arith.constant 0 : i32
        %dma_wait3A_98 = tpu.memref_slice %arg4[%arg0, %dma_wait3A_94, %dma_wait3A_95, %dma_wait3A_96, %dma_wait3A_97] : memref<2x16x80x2x128xi32, #tpu.memory_space<hbm>> -> memref<1x16x80x2x128xi32, #tpu.memory_space<hbm>>
        %dma_wait3A_99 = tpu.memref_squeeze %dma_wait3A_98 : memref<1x16x80x2x128xi32, #tpu.memory_space<hbm>> -> memref<16x80x2x128xi32, #tpu.memory_space<hbm>>
        %dma_wait3A_100 = arith.constant 0 : i32
        %dma_wait3A_101 = arith.constant 0 : i32
        %dma_wait3A_102 = arith.constant 0 : i32
        %dma_wait3A_103 = tpu.memref_slice %dma_wait3A_99[%arg1, %dma_wait3A_100, %dma_wait3A_101, %dma_wait3A_102] : memref<16x80x2x128xi32, #tpu.memory_space<hbm>> -> memref<1x80x2x128xi32, #tpu.memory_space<hbm>>
        %dma_wait3A_104 = tpu.memref_squeeze %dma_wait3A_103 : memref<1x80x2x128xi32, #tpu.memory_space<hbm>> -> memref<80x2x128xi32, #tpu.memory_space<hbm>>
        %dma_wait3A_105 = arith.constant 0 : i32
        %dma_wait3A_106 = arith.constant 0 : i32
        %dma_wait3A_107 = tpu.memref_slice %dma_wait3A_104[%scan3A_23, %dma_wait3A_105, %dma_wait3A_106] : memref<80x2x128xi32, #tpu.memory_space<hbm>> -> memref<1x2x128xi32, #tpu.memory_space<hbm>>
        %dma_wait3A_108 = tpu.memref_squeeze %dma_wait3A_107 : memref<1x2x128xi32, #tpu.memory_space<hbm>> -> memref<2x128xi32, #tpu.memory_space<hbm>>
        %dma_wait3A_109 = arith.constant 0 : i32
        %dma_wait3A_110 = arith.constant 0 : i32
        %dma_wait3A_111 = arith.constant 0 : i32
        %dma_wait3A_112 = arith.constant 0 : i32
        %dma_wait3A_113 = tpu.memref_slice %arg4[%arg0, %dma_wait3A_109, %dma_wait3A_110, %dma_wait3A_111, %dma_wait3A_112] : memref<2x16x80x2x128xi32, #tpu.memory_space<hbm>> -> memref<1x16x80x2x128xi32, #tpu.memory_space<hbm>>
        %dma_wait3A_114 = tpu.memref_squeeze %dma_wait3A_113 : memref<1x16x80x2x128xi32, #tpu.memory_space<hbm>> -> memref<16x80x2x128xi32, #tpu.memory_space<hbm>>
        %dma_wait3A_115 = arith.constant 0 : i32
        %dma_wait3A_116 = arith.constant 0 : i32
        %dma_wait3A_117 = arith.constant 0 : i32
        %dma_wait3A_118 = tpu.memref_slice %dma_wait3A_114[%arg1, %dma_wait3A_115, %dma_wait3A_116, %dma_wait3A_117] : memref<16x80x2x128xi32, #tpu.memory_space<hbm>> -> memref<1x80x2x128xi32, #tpu.memory_space<hbm>>
        %dma_wait3A_119 = tpu.memref_squeeze %dma_wait3A_118 : memref<1x80x2x128xi32, #tpu.memory_space<hbm>> -> memref<80x2x128xi32, #tpu.memory_space<hbm>>
        %dma_wait3A_120 = arith.constant 0 : i32
        %dma_wait3A_121 = arith.constant 0 : i32
        %dma_wait3A_122 = tpu.memref_slice %dma_wait3A_119[%scan3A_23, %dma_wait3A_120, %dma_wait3A_121] : memref<80x2x128xi32, #tpu.memory_space<hbm>> -> memref<1x2x128xi32, #tpu.memory_space<hbm>>
        %dma_wait3A_123 = tpu.memref_squeeze %dma_wait3A_122 : memref<1x2x128xi32, #tpu.memory_space<hbm>> -> memref<2x128xi32, #tpu.memory_space<hbm>>
        tpu.wait_dma2 semaphore(%run_scoped3A_63 : memref<!tpu.dma_semaphore, #tpu.memory_space<semaphore_mem>>) src(%dma_wait3A_123 : memref<2x128xi32, #tpu.memory_space<hbm>>) dst(%arg7 : memref<2x128xi32, #tpu.memory_space<vmem>>)
        tpu.yield
      }) : () -> ()
      %dma_start3A = arith.constant 0 : i32
      %dma_start3A_24 = arith.constant 0 : i32
      %dma_start3A_25 = arith.constant 0 : i32
      %dma_start3A_26 = tpu.memref_slice %arg8[%dma_start3A_24, %dma_start3A_25] : memref<256x128xf32, #tpu.memory_space<vmem>> -> memref<128x128xf32, #tpu.memory_space<vmem>>
      %dma_start3A_27 = arith.constant 0 : i32
      %dma_start3A_28 = tpu.memref_slice %arg6[%dma_start3A, %dma_start3A_27] : memref<2x128xi32, #tpu.memory_space<vmem>> -> memref<1x128xi32, #tpu.memory_space<vmem>>
      %dma_start3A_29 = tpu.memref_squeeze %dma_start3A_28 : memref<1x128xi32, #tpu.memory_space<vmem>> -> memref<128xi32, #tpu.memory_space<vmem>>
      %dma_start3A_30 = arith.constant 0 : i32
      %dma_start3A_31 = arith.constant 0 : i32
      %dma_start3A_32 = tpu.memref_slice %arg2[%dma_start3A_30, %dma_start3A_31] : memref<20000x128xf32, #tpu.memory_space<hbm>> -> memref<20000x128xf32, #tpu.memory_space<hbm>>
      tpu.enqueue_indirect_dma source(%dma_start3A_32 : memref<20000x128xf32, #tpu.memory_space<hbm>>) target(%dma_start3A_26 : memref<128x128xf32, #tpu.memory_space<vmem>>) offsets(%dma_start3A_29 : memref<128xi32, #tpu.memory_space<vmem>>) semaphore(%arg10 : memref<!tpu.dma_semaphore, #tpu.memory_space<semaphore_mem>>)
      %dma_start3A_33 = arith.constant 1 : i32
      %dma_start3A_34 = arith.constant 128 : i32
      %dma_start3A_35 = arith.constant 0 : i32
      %dma_start3A_36 = tpu.memref_slice %arg8[%dma_start3A_34, %dma_start3A_35] : memref<256x128xf32, #tpu.memory_space<vmem>> -> memref<128x128xf32, #tpu.memory_space<vmem>>
      %dma_start3A_37 = arith.constant 0 : i32
      %dma_start3A_38 = tpu.memref_slice %arg6[%dma_start3A_33, %dma_start3A_37] : memref<2x128xi32, #tpu.memory_space<vmem>> -> memref<1x128xi32, #tpu.memory_space<vmem>>
      %dma_start3A_39 = tpu.memref_squeeze %dma_start3A_38 : memref<1x128xi32, #tpu.memory_space<vmem>> -> memref<128xi32, #tpu.memory_space<vmem>>
      %dma_start3A_40 = arith.constant 0 : i32
      %dma_start3A_41 = arith.constant 0 : i32
      %dma_start3A_42 = tpu.memref_slice %arg2[%dma_start3A_40, %dma_start3A_41] : memref<20000x128xf32, #tpu.memory_space<hbm>> -> memref<20000x128xf32, #tpu.memory_space<hbm>>
      tpu.enqueue_indirect_dma source(%dma_start3A_42 : memref<20000x128xf32, #tpu.memory_space<hbm>>) target(%dma_start3A_36 : memref<128x128xf32, #tpu.memory_space<vmem>>) offsets(%dma_start3A_39 : memref<128xi32, #tpu.memory_space<vmem>>) semaphore(%arg10 : memref<!tpu.dma_semaphore, #tpu.memory_space<semaphore_mem>>)
      %dma_wait3A = arith.constant 0 : i32
      %dma_wait3A_43 = arith.constant 0 : i32
      %dma_wait3A_44 = arith.constant 0 : i32
      %dma_wait3A_45 = tpu.memref_slice %arg8[%dma_wait3A_43, %dma_wait3A_44] : memref<256x128xf32, #tpu.memory_space<vmem>> -> memref<128x128xf32, #tpu.memory_space<vmem>>
      %dma_wait3A_46 = arith.constant 0 : i32
      %dma_wait3A_47 = tpu.memref_slice %arg6[%dma_wait3A, %dma_wait3A_46] : memref<2x128xi32, #tpu.memory_space<vmem>> -> memref<1x128xi32, #tpu.memory_space<vmem>>
      %dma_wait3A_48 = tpu.memref_squeeze %dma_wait3A_47 : memref<1x128xi32, #tpu.memory_space<vmem>> -> memref<128xi32, #tpu.memory_space<vmem>>
      %dma_wait3A_49 = arith.constant 0 : i32
      %dma_wait3A_50 = arith.constant 0 : i32
      %dma_wait3A_51 = tpu.memref_slice %arg2[%dma_wait3A_49, %dma_wait3A_50] : memref<20000x128xf32, #tpu.memory_space<hbm>> -> memref<20000x128xf32, #tpu.memory_space<hbm>>
      tpu.wait_indirect_dma semaphore(%arg10 : memref<!tpu.dma_semaphore, #tpu.memory_space<semaphore_mem>>) src(%dma_wait3A_51 : memref<20000x128xf32, #tpu.memory_space<hbm>>) dst(%dma_wait3A_45 : memref<128x128xf32, #tpu.memory_space<vmem>>)
      %dma_wait3A_52 = arith.constant 1 : i32
      %dma_wait3A_53 = arith.constant 128 : i32
      %dma_wait3A_54 = arith.constant 0 : i32
      %dma_wait3A_55 = tpu.memref_slice %arg8[%dma_wait3A_53, %dma_wait3A_54] : memref<256x128xf32, #tpu.memory_space<vmem>> -> memref<128x128xf32, #tpu.memory_space<vmem>>
      %dma_wait3A_56 = arith.constant 0 : i32
      %dma_wait3A_57 = tpu.memref_slice %arg6[%dma_wait3A_52, %dma_wait3A_56] : memref<2x128xi32, #tpu.memory_space<vmem>> -> memref<1x128xi32, #tpu.memory_space<vmem>>
      %dma_wait3A_58 = tpu.memref_squeeze %dma_wait3A_57 : memref<1x128xi32, #tpu.memory_space<vmem>> -> memref<128xi32, #tpu.memory_space<vmem>>
      %dma_wait3A_59 = arith.constant 0 : i32
      %dma_wait3A_60 = arith.constant 0 : i32
      %dma_wait3A_61 = tpu.memref_slice %arg2[%dma_wait3A_59, %dma_wait3A_60] : memref<20000x128xf32, #tpu.memory_space<hbm>> -> memref<20000x128xf32, #tpu.memory_space<hbm>>
      tpu.wait_indirect_dma semaphore(%arg10 : memref<!tpu.dma_semaphore, #tpu.memory_space<semaphore_mem>>) src(%dma_wait3A_61 : memref<20000x128xf32, #tpu.memory_space<hbm>>) dst(%dma_wait3A_55 : memref<128x128xf32, #tpu.memory_space<vmem>>)
      %run_scoped3A = arith.constant 0 : i32
      "tpu.region"() ({
        %run_scoped3A_63 = tpu.sem_alloc : memref<!tpu.dma_semaphore, #tpu.memory_space<semaphore_mem>>
        %dma_start3A_64 = arith.constant 0 : i32
        %dma_start3A_65 = arith.constant 0 : i32
        %dma_start3A_66 = tpu.memref_slice %arg8[%dma_start3A_64, %dma_start3A_65] : memref<256x128xf32, #tpu.memory_space<vmem>> -> memref<128x128xf32, #tpu.memory_space<vmem>>
        %dma_start3A_67 = arith.constant 0 : i32
        %dma_start3A_68 = tpu.memref_slice %arg7[%run_scoped3A, %dma_start3A_67] : memref<2x128xi32, #tpu.memory_space<vmem>> -> memref<1x128xi32, #tpu.memory_space<vmem>>
        %dma_start3A_69 = tpu.memref_squeeze %dma_start3A_68 : memref<1x128xi32, #tpu.memory_space<vmem>> -> memref<128xi32, #tpu.memory_space<vmem>>
        %dma_start3A_70 = arith.constant 0 : i32
        %dma_start3A_71 = arith.constant 0 : i32
        %dma_start3A_72 = tpu.memref_slice %arg9[%dma_start3A_70, %dma_start3A_71] : memref<10112x128xf32, #tpu.memory_space<vmem_shared>> -> memref<10112x128xf32, #tpu.memory_space<vmem_shared>>
        tpu.enqueue_indirect_dma source(%dma_start3A_66 : memref<128x128xf32, #tpu.memory_space<vmem>>) target(%dma_start3A_72 : memref<10112x128xf32, #tpu.memory_space<vmem_shared>>) offsets(%dma_start3A_69 : memref<128xi32, #tpu.memory_space<vmem>>) semaphore(%run_scoped3A_63 : memref<!tpu.dma_semaphore, #tpu.memory_space<semaphore_mem>>) {add = true}
        %dma_wait3A_73 = arith.constant 0 : i32
        %dma_wait3A_74 = arith.constant 0 : i32
        %dma_wait3A_75 = tpu.memref_slice %arg8[%dma_wait3A_73, %dma_wait3A_74] : memref<256x128xf32, #tpu.memory_space<vmem>> -> memref<128x128xf32, #tpu.memory_space<vmem>>
        %dma_wait3A_76 = arith.constant 0 : i32
        %dma_wait3A_77 = tpu.memref_slice %arg7[%run_scoped3A, %dma_wait3A_76] : memref<2x128xi32, #tpu.memory_space<vmem>> -> memref<1x128xi32, #tpu.memory_space<vmem>>
        %dma_wait3A_78 = tpu.memref_squeeze %dma_wait3A_77 : memref<1x128xi32, #tpu.memory_space<vmem>> -> memref<128xi32, #tpu.memory_space<vmem>>
        %dma_wait3A_79 = arith.constant 0 : i32
        %dma_wait3A_80 = arith.constant 0 : i32
        %dma_wait3A_81 = tpu.memref_slice %arg9[%dma_wait3A_79, %dma_wait3A_80] : memref<10112x128xf32, #tpu.memory_space<vmem_shared>> -> memref<10112x128xf32, #tpu.memory_space<vmem_shared>>
        tpu.wait_indirect_dma semaphore(%run_scoped3A_63 : memref<!tpu.dma_semaphore, #tpu.memory_space<semaphore_mem>>) src(%dma_wait3A_75 : memref<128x128xf32, #tpu.memory_space<vmem>>) dst(%dma_wait3A_81 : memref<10112x128xf32, #tpu.memory_space<vmem_shared>>)
        tpu.yield
      }) : () -> ()
      %run_scoped3A_62 = arith.constant 1 : i32
      "tpu.region"() ({
        %run_scoped3A_63 = tpu.sem_alloc : memref<!tpu.dma_semaphore, #tpu.memory_space<semaphore_mem>>
        %dma_start3A_64 = arith.constant 128 : i32
        %dma_start3A_65 = arith.constant 0 : i32
        %dma_start3A_66 = tpu.memref_slice %arg8[%dma_start3A_64, %dma_start3A_65] : memref<256x128xf32, #tpu.memory_space<vmem>> -> memref<128x128xf32, #tpu.memory_space<vmem>>
        %dma_start3A_67 = arith.constant 0 : i32
        %dma_start3A_68 = tpu.memref_slice %arg7[%run_scoped3A_62, %dma_start3A_67] : memref<2x128xi32, #tpu.memory_space<vmem>> -> memref<1x128xi32, #tpu.memory_space<vmem>>
        %dma_start3A_69 = tpu.memref_squeeze %dma_start3A_68 : memref<1x128xi32, #tpu.memory_space<vmem>> -> memref<128xi32, #tpu.memory_space<vmem>>
        %dma_start3A_70 = arith.constant 0 : i32
        %dma_start3A_71 = arith.constant 0 : i32
        %dma_start3A_72 = tpu.memref_slice %arg9[%dma_start3A_70, %dma_start3A_71] : memref<10112x128xf32, #tpu.memory_space<vmem_shared>> -> memref<10112x128xf32, #tpu.memory_space<vmem_shared>>
        tpu.enqueue_indirect_dma source(%dma_start3A_66 : memref<128x128xf32, #tpu.memory_space<vmem>>) target(%dma_start3A_72 : memref<10112x128xf32, #tpu.memory_space<vmem_shared>>) offsets(%dma_start3A_69 : memref<128xi32, #tpu.memory_space<vmem>>) semaphore(%run_scoped3A_63 : memref<!tpu.dma_semaphore, #tpu.memory_space<semaphore_mem>>) {add = true}
        %dma_wait3A_73 = arith.constant 128 : i32
        %dma_wait3A_74 = arith.constant 0 : i32
        %dma_wait3A_75 = tpu.memref_slice %arg8[%dma_wait3A_73, %dma_wait3A_74] : memref<256x128xf32, #tpu.memory_space<vmem>> -> memref<128x128xf32, #tpu.memory_space<vmem>>
        %dma_wait3A_76 = arith.constant 0 : i32
        %dma_wait3A_77 = tpu.memref_slice %arg7[%run_scoped3A_62, %dma_wait3A_76] : memref<2x128xi32, #tpu.memory_space<vmem>> -> memref<1x128xi32, #tpu.memory_space<vmem>>
        %dma_wait3A_78 = tpu.memref_squeeze %dma_wait3A_77 : memref<1x128xi32, #tpu.memory_space<vmem>> -> memref<128xi32, #tpu.memory_space<vmem>>
        %dma_wait3A_79 = arith.constant 0 : i32
        %dma_wait3A_80 = arith.constant 0 : i32
        %dma_wait3A_81 = tpu.memref_slice %arg9[%dma_wait3A_79, %dma_wait3A_80] : memref<10112x128xf32, #tpu.memory_space<vmem_shared>> -> memref<10112x128xf32, #tpu.memory_space<vmem_shared>>
        tpu.wait_indirect_dma semaphore(%run_scoped3A_63 : memref<!tpu.dma_semaphore, #tpu.memory_space<semaphore_mem>>) src(%dma_wait3A_75 : memref<128x128xf32, #tpu.memory_space<vmem>>) dst(%dma_wait3A_81 : memref<10112x128xf32, #tpu.memory_space<vmem_shared>>)
        tpu.yield
      }) : () -> ()
    }
    %scan3A_17 = arith.constant 80 : i32
    %barrier3A_18 = arith.constant 0 : index
    tpu.barrier barrier_id(%barrier3A_18)
    %mul3A_19 = arith.constant 632 : i32
    %mul3A_20 = arith.muli %arg1, %mul3A_19 : i32
    %mul3A_21 = arith.constant 632 : i32
    %mul3A_22 = arith.muli %arg1, %mul3A_21 : i32
    "tpu.region"() ({
      %run_scoped3A = tpu.sem_alloc : memref<!tpu.dma_semaphore, #tpu.memory_space<semaphore_mem>>
      %dma_start3A = arith.constant 0 : i32
      %dma_start3A_23 = arith.constant 0 : i32
      %dma_start3A_24 = tpu.memref_slice %arg5[%arg0, %dma_start3A, %dma_start3A_23] : memref<2x10112x128xf32, #tpu.memory_space<hbm>> -> memref<1x10112x128xf32, #tpu.memory_space<hbm>>
      %dma_start3A_25 = tpu.memref_squeeze %dma_start3A_24 : memref<1x10112x128xf32, #tpu.memory_space<hbm>> -> memref<10112x128xf32, #tpu.memory_space<hbm>>
      %dma_start3A_26 = arith.constant 0 : i32
      %dma_start3A_27 = tpu.memref_slice %dma_start3A_25[%mul3A_22, %dma_start3A_26] : memref<10112x128xf32, #tpu.memory_space<hbm>> -> memref<632x128xf32, #tpu.memory_space<hbm>>
      %dma_start3A_28 = arith.constant 0 : i32
      %dma_start3A_29 = tpu.memref_slice %arg9[%mul3A_20, %dma_start3A_28] : memref<10112x128xf32, #tpu.memory_space<vmem_shared>> -> memref<632x128xf32, #tpu.memory_space<vmem_shared>>
      tpu.enqueue_dma source(%dma_start3A_29 : memref<632x128xf32, #tpu.memory_space<vmem_shared>>) target(%dma_start3A_27 : memref<632x128xf32, #tpu.memory_space<hbm>>) target_semaphore(%run_scoped3A : memref<!tpu.dma_semaphore, #tpu.memory_space<semaphore_mem>>)
      %dma_wait3A = arith.constant 0 : i32
      %dma_wait3A_30 = arith.constant 0 : i32
      %dma_wait3A_31 = tpu.memref_slice %arg5[%arg0, %dma_wait3A, %dma_wait3A_30] : memref<2x10112x128xf32, #tpu.memory_space<hbm>> -> memref<1x10112x128xf32, #tpu.memory_space<hbm>>
      %dma_wait3A_32 = tpu.memref_squeeze %dma_wait3A_31 : memref<1x10112x128xf32, #tpu.memory_space<hbm>> -> memref<10112x128xf32, #tpu.memory_space<hbm>>
      %dma_wait3A_33 = arith.constant 0 : i32
      %dma_wait3A_34 = tpu.memref_slice %dma_wait3A_32[%mul3A_22, %dma_wait3A_33] : memref<10112x128xf32, #tpu.memory_space<hbm>> -> memref<632x128xf32, #tpu.memory_space<hbm>>
      %dma_wait3A_35 = arith.constant 0 : i32
      %dma_wait3A_36 = tpu.memref_slice %arg9[%mul3A_20, %dma_wait3A_35] : memref<10112x128xf32, #tpu.memory_space<vmem_shared>> -> memref<632x128xf32, #tpu.memory_space<vmem_shared>>
      tpu.wait_dma2 semaphore(%run_scoped3A : memref<!tpu.dma_semaphore, #tpu.memory_space<semaphore_mem>>) src(%dma_wait3A_36 : memref<632x128xf32, #tpu.memory_space<vmem_shared>>) dst(%dma_wait3A_34 : memref<632x128xf32, #tpu.memory_space<hbm>>)
      tpu.yield
    }) : () -> ()
    return
  }
}

module attributes {stable_mosaic.version = 14 : i64} {
  func.func @body(%arg0: i32, %arg1: memref<1000x128xf32, #tpu.memory_space<vmem>>, %arg2: memref<128x256xf32, #tpu.memory_space<vmem>>, %arg3: memref<2x1000x128xf32, #tpu.memory_space<vmem>>, %arg4: memref<1000x256xf32, #tpu.memory_space<vmem>>, %arg5: memref<1000x1xf32, #tpu.memory_space<vmem>>) attributes {dimension_semantics = [#tpu.dimension_semantics<arbitrary>], iteration_bounds = array<i64: 10>, scalar_prefetch = 0 : i64, scratch_operands = 0 : i64, tpu.core_type = #tpu.core_type<tc>, window_params = [{transform_indices = @transform_0, window_bounds = array<i64: 1000, 128>}, {pipeline_mode = #tpu.pipeline_mode<synchronous>, transform_indices = @transform_1, window_bounds = array<i64: 128, 256>}, {transform_indices = @transform_2, window_bounds = array<i64: 2, 1000, 128>}, {transform_indices = @transform_3, window_bounds = array<i64: 1000, 256>}, {transform_indices = @transform_4, window_bounds = array<i64: 1000, 1>}]} {
    %get3A = arith.constant 0 : index
    %get3A_0 = arith.constant 0 : index
    %get3A_1 = arith.constant 0 : index
    %get3A_2 = vector.load %arg3[%get3A, %get3A_0, %get3A_1] : memref<2x1000x128xf32, #tpu.memory_space<vmem>>, vector<1x1000x128xf32>
    %get3A_3 = vector.shape_cast %get3A_2 : vector<1x1000x128xf32> to vector<1000x128xf32>
    %get3A_4 = arith.constant 1 : index
    %get3A_5 = arith.constant 0 : index
    %get3A_6 = arith.constant 0 : index
    %get3A_7 = vector.load %arg3[%get3A_4, %get3A_5, %get3A_6] : memref<2x1000x128xf32, #tpu.memory_space<vmem>>, vector<1x1000x128xf32>
    %get3A_8 = vector.shape_cast %get3A_7 : vector<1x1000x128xf32> to vector<1000x128xf32>
    %add3A = arith.addf %get3A_3, %get3A_8 : vector<1000x128xf32>
    %add3A_9 = arith.constant 1.000000e+00 : f32
    %add3A_10 = vector.broadcast %add3A_9 : f32 to vector<1000x128xf32>
    %add3A_11 = arith.addf %add3A, %add3A_10 : vector<1000x128xf32>
    %rsqrt3A = math.rsqrt %add3A_11 : vector<1000x128xf32>
    %slice3A = vector.extract_strided_slice %rsqrt3A {offsets = [0, 0], sizes = [1000, 1], strides = [1, 1]} : vector<1000x128xf32> to vector<1000x1xf32>
    %get3A_12 = arith.constant 0 : index
    %get3A_13 = arith.constant 0 : index
    %get3A_14 = vector.load %arg1[%get3A_12, %get3A_13] : memref<1000x128xf32, #tpu.memory_space<vmem>>, vector<1000x128xf32>
    %get3A_15 = arith.constant 0 : index
    %get3A_16 = arith.constant 0 : index
    %get3A_17 = vector.load %arg2[%get3A_15, %get3A_16] : memref<128x256xf32, #tpu.memory_space<vmem>>, vector<128x256xf32>
    %dot_general3A = arith.constant dense<0.000000e+00> : vector<1000x256xf32>
    %dot_general3A_18 = tpu.matmul %get3A_14, %get3A_17, %dot_general3A {dimension_numbers = #tpu.dot_dimension_numbers<[1], [0], [0], [1], [0, 0, 1, 1], [], []>, precision = #tpu.contract_precision<fp32>, transpose_lhs_hint = false} : vector<1000x128xf32>, vector<128x256xf32>, vector<1000x256xf32> -> vector<1000x256xf32>
    %mul3A = vector.broadcast %slice3A : vector<1000x1xf32> to vector<1000x256xf32>
    %mul3A_19 = arith.mulf %dot_general3A_18, %mul3A : vector<1000x256xf32>
    %swap3A = arith.constant 0 : index
    %swap3A_20 = arith.constant 0 : index
    %swap3A_21 = vector.load %arg4[%swap3A, %swap3A_20] : memref<1000x256xf32, #tpu.memory_space<vmem>>, vector<1000x256xf32>
    tpu.vector_store %arg4[%swap3A, %swap3A_20], %mul3A_19 {strides = array<i32>} : memref<1000x256xf32, #tpu.memory_space<vmem>>, vector<1000x256xf32>,
    %swap3A_22 = arith.constant 0 : index
    %swap3A_23 = arith.constant 0 : index
    %swap3A_24 = vector.load %arg5[%swap3A_22, %swap3A_23] : memref<1000x1xf32, #tpu.memory_space<vmem>>, vector<1000x1xf32>
    tpu.vector_store %arg5[%swap3A_22, %swap3A_23], %slice3A {strides = array<i32>} : memref<1000x1xf32, #tpu.memory_space<vmem>>, vector<1000x1xf32>,
    return
  }
  func.func @transform_0(%arg0: i32) -> (i32, i32) {
    %c0_i32 = arith.constant 0 : i32
    %c0_i32_0 = arith.constant 0 : i32
    return %arg0, %c0_i32 : i32, i32
  }
  func.func @transform_1(%arg0: i32) -> (i32, i32) {
    %c0_i32 = arith.constant 0 : i32
    %c0_i32_0 = arith.constant 0 : i32
    %c0_i32_1 = arith.constant 0 : i32
    return %c0_i32, %c0_i32_0 : i32, i32
  }
  func.func @transform_2(%arg0: i32) -> (i32, i32, i32) {
    %c0_i32 = arith.constant 0 : i32
    %c0_i32_0 = arith.constant 0 : i32
    %c0_i32_1 = arith.constant 0 : i32
    return %c0_i32, %arg0, %c0_i32_0 : i32, i32, i32
  }
  func.func @transform_3(%arg0: i32) -> (i32, i32) {
    %c0_i32 = arith.constant 0 : i32
    %c0_i32_0 = arith.constant 0 : i32
    return %arg0, %c0_i32 : i32, i32
  }
  func.func @transform_4(%arg0: i32) -> (i32, i32) {
    %c0_i32 = arith.constant 0 : i32
    %c0_i32_0 = arith.constant 0 : i32
    return %arg0, %c0_i32 : i32, i32
  }
}

module attributes {stable_mosaic.version = 14 : i64} {
  func.func @body(%arg0: i32, %arg1: memref<2x1000x128xf32, #tpu.memory_space<vmem>>, %arg2: memref<1000x256xf32, #tpu.memory_space<vmem>>, %arg3: memref<1000x1xf32, #tpu.memory_space<vmem>>, %arg4: memref<1x256xf32, #tpu.memory_space<vmem>>, %arg5: memref<256x128xf32, #tpu.memory_space<vmem>>, %arg6: memref<1000x128xf32, #tpu.memory_space<vmem>>) attributes {dimension_semantics = [#tpu.dimension_semantics<arbitrary>], iteration_bounds = array<i64: 10>, scalar_prefetch = 0 : i64, scratch_operands = 0 : i64, tpu.core_type = #tpu.core_type<tc>, window_params = [{transform_indices = @transform_0, window_bounds = array<i64: 2, 1000, 128>}, {transform_indices = @transform_1, window_bounds = array<i64: 1000, 256>}, {transform_indices = @transform_2, window_bounds = array<i64: 1000, 1>}, {pipeline_mode = #tpu.pipeline_mode<synchronous>, transform_indices = @transform_3, window_bounds = array<i64: 1, 256>}, {pipeline_mode = #tpu.pipeline_mode<synchronous>, transform_indices = @transform_4, window_bounds = array<i64: 256, 128>}, {transform_indices = @transform_5, window_bounds = array<i64: 1000, 128>}]} {
    %get3A = arith.constant 0 : index
    %get3A_0 = arith.constant 0 : index
    %get3A_1 = vector.load %arg3[%get3A, %get3A_0] : memref<1000x1xf32, #tpu.memory_space<vmem>>, vector<1000x1xf32>
    %get3A_2 = arith.constant 0 : index
    %get3A_3 = arith.constant 0 : index
    %get3A_4 = vector.load %arg5[%get3A_2, %get3A_3] : memref<256x128xf32, #tpu.memory_space<vmem>>, vector<256x128xf32>
    %get3A_5 = arith.constant 0 : index
    %get3A_6 = arith.constant 0 : index
    %get3A_7 = arith.constant 0 : index
    %get3A_8 = vector.load %arg1[%get3A_5, %get3A_6, %get3A_7] : memref<2x1000x128xf32, #tpu.memory_space<vmem>>, vector<1x1000x128xf32>
    %get3A_9 = vector.shape_cast %get3A_8 : vector<1x1000x128xf32> to vector<1000x128xf32>
    %get3A_10 = arith.constant 0 : index
    %get3A_11 = arith.constant 0 : index
    %get3A_12 = vector.load %arg2[%get3A_10, %get3A_11] : memref<1000x256xf32, #tpu.memory_space<vmem>>, vector<1000x128xf32>
    %add3A = arith.addf %get3A_9, %get3A_12 : vector<1000x128xf32>
    %mul3A = vector.broadcast %get3A_1 : vector<1000x1xf32> to vector<1000x128xf32>
    %mul3A_13 = arith.mulf %mul3A, %add3A : vector<1000x128xf32>
    %get3A_14 = arith.constant 0 : index
    %get3A_15 = arith.constant 0 : index
    %get3A_16 = vector.load %arg4[%get3A_14, %get3A_15] : memref<1x256xf32, #tpu.memory_space<vmem>>, vector<1x128xf32>
    %add3A_17 = vector.broadcast %get3A_16 : vector<1x128xf32> to vector<1000x128xf32>
    %add3A_18 = arith.addf %mul3A_13, %add3A_17 : vector<1000x128xf32>
    %max3A = arith.constant 0.000000e+00 : f32
    %max3A_19 = vector.broadcast %max3A : f32 to vector<1000x128xf32>
    %max3A_20 = arith.maximumf %add3A_18, %max3A_19 : vector<1000x128xf32>
    %slice3A = vector.extract_strided_slice %get3A_4 {offsets = [0, 0], sizes = [128, 128], strides = [1, 1]} : vector<256x128xf32> to vector<128x128xf32>
    %dot_general3A = arith.constant dense<0.000000e+00> : vector<1000x128xf32>
    %dot_general3A_21 = tpu.matmul %max3A_20, %slice3A, %dot_general3A {dimension_numbers = #tpu.dot_dimension_numbers<[1], [0], [0], [1], [0, 0, 1, 1], [], []>, precision = #tpu.contract_precision<fp32>, transpose_lhs_hint = false} : vector<1000x128xf32>, vector<128x128xf32>, vector<1000x128xf32> -> vector<1000x128xf32>
    %get3A_22 = arith.constant 1 : index
    %get3A_23 = arith.constant 0 : index
    %get3A_24 = arith.constant 0 : index
    %get3A_25 = vector.load %arg1[%get3A_22, %get3A_23, %get3A_24] : memref<2x1000x128xf32, #tpu.memory_space<vmem>>, vector<1x1000x128xf32>
    %get3A_26 = vector.shape_cast %get3A_25 : vector<1x1000x128xf32> to vector<1000x128xf32>
    %get3A_27 = arith.constant 0 : index
    %get3A_28 = arith.constant 128 : index
    %get3A_29 = vector.load %arg2[%get3A_27, %get3A_28] : memref<1000x256xf32, #tpu.memory_space<vmem>>, vector<1000x128xf32>
    %add3A_30 = arith.addf %get3A_26, %get3A_29 : vector<1000x128xf32>
    %mul3A_31 = vector.broadcast %get3A_1 : vector<1000x1xf32> to vector<1000x128xf32>
    %mul3A_32 = arith.mulf %mul3A_31, %add3A_30 : vector<1000x128xf32>
    %get3A_33 = arith.constant 0 : index
    %get3A_34 = arith.constant 128 : index
    %get3A_35 = vector.load %arg4[%get3A_33, %get3A_34] : memref<1x256xf32, #tpu.memory_space<vmem>>, vector<1x128xf32>
    %add3A_36 = vector.broadcast %get3A_35 : vector<1x128xf32> to vector<1000x128xf32>
    %add3A_37 = arith.addf %mul3A_32, %add3A_36 : vector<1000x128xf32>
    %max3A_38 = arith.constant 0.000000e+00 : f32
    %max3A_39 = vector.broadcast %max3A_38 : f32 to vector<1000x128xf32>
    %max3A_40 = arith.maximumf %add3A_37, %max3A_39 : vector<1000x128xf32>
    %slice3A_41 = vector.extract_strided_slice %get3A_4 {offsets = [128, 0], sizes = [128, 128], strides = [1, 1]} : vector<256x128xf32> to vector<128x128xf32>
    %dot_general3A_42 = arith.constant dense<0.000000e+00> : vector<1000x128xf32>
    %dot_general3A_43 = tpu.matmul %max3A_40, %slice3A_41, %dot_general3A_42 {dimension_numbers = #tpu.dot_dimension_numbers<[1], [0], [0], [1], [0, 0, 1, 1], [], []>, precision = #tpu.contract_precision<fp32>, transpose_lhs_hint = false} : vector<1000x128xf32>, vector<128x128xf32>, vector<1000x128xf32> -> vector<1000x128xf32>
    %add3A_44 = arith.addf %dot_general3A_21, %dot_general3A_43 : vector<1000x128xf32>
    %mul3A_45 = vector.broadcast %get3A_1 : vector<1000x1xf32> to vector<1000x128xf32>
    %mul3A_46 = arith.mulf %add3A_44, %mul3A_45 : vector<1000x128xf32>
    %swap3A = arith.constant 0 : index
    %swap3A_47 = arith.constant 0 : index
    %swap3A_48 = vector.load %arg6[%swap3A, %swap3A_47] : memref<1000x128xf32, #tpu.memory_space<vmem>>, vector<1000x128xf32>
    tpu.vector_store %arg6[%swap3A, %swap3A_47], %mul3A_46 {strides = array<i32>} : memref<1000x128xf32, #tpu.memory_space<vmem>>, vector<1000x128xf32>,
    return
  }
  func.func @transform_0(%arg0: i32) -> (i32, i32, i32) {
    %c0_i32 = arith.constant 0 : i32
    %c0_i32_0 = arith.constant 0 : i32
    %c0_i32_1 = arith.constant 0 : i32
    return %c0_i32, %arg0, %c0_i32_0 : i32, i32, i32
  }
  func.func @transform_1(%arg0: i32) -> (i32, i32) {
    %c0_i32 = arith.constant 0 : i32
    %c0_i32_0 = arith.constant 0 : i32
    return %arg0, %c0_i32 : i32, i32
  }
  func.func @transform_2(%arg0: i32) -> (i32, i32) {
    %c0_i32 = arith.constant 0 : i32
    %c0_i32_0 = arith.constant 0 : i32
    return %arg0, %c0_i32 : i32, i32
  }
  func.func @transform_3(%arg0: i32) -> (i32, i32) {
    %c0_i32 = arith.constant 0 : i32
    %c0_i32_0 = arith.constant 0 : i32
    %c0_i32_1 = arith.constant 0 : i32
    return %c0_i32, %c0_i32_0 : i32, i32
  }
  func.func @transform_4(%arg0: i32) -> (i32, i32) {
    %c0_i32 = arith.constant 0 : i32
    %c0_i32_0 = arith.constant 0 : i32
    %c0_i32_1 = arith.constant 0 : i32
    return %c0_i32, %c0_i32_0 : i32, i32
  }
  func.func @transform_5(%arg0: i32) -> (i32, i32) {
    %c0_i32 = arith.constant 0 : i32
    %c0_i32_0 = arith.constant 0 : i32
    return %arg0, %c0_i32 : i32, i32
  }
}

module attributes {stable_mosaic.version = 14 : i64} {
  func.func @body(%arg0: i32, %arg1: memref<2x1000x128xf32, #tpu.memory_space<vmem>>, %arg2: memref<1000x128xf32, #tpu.memory_space<vmem>>, %arg3: memref<1000x1xf32, #tpu.memory_space<vmem>>, %arg4: memref<1x128xf32, #tpu.memory_space<vmem>>, %arg5: memref<1000x128xf32, #tpu.memory_space<vmem>>) attributes {dimension_semantics = [#tpu.dimension_semantics<arbitrary>], iteration_bounds = array<i64: 10>, scalar_prefetch = 0 : i64, scratch_operands = 0 : i64, tpu.core_type = #tpu.core_type<tc>, window_params = [{transform_indices = @transform_0, window_bounds = array<i64: 2, 1000, 128>}, {transform_indices = @transform_1, window_bounds = array<i64: 1000, 128>}, {transform_indices = @transform_2, window_bounds = array<i64: 1000, 1>}, {pipeline_mode = #tpu.pipeline_mode<synchronous>, transform_indices = @transform_3, window_bounds = array<i64: 1, 128>}, {transform_indices = @transform_4, window_bounds = array<i64: 1000, 128>}]} {
    %get3A = arith.constant 0 : index
    %get3A_0 = arith.constant 0 : index
    %get3A_1 = arith.constant 0 : index
    %get3A_2 = vector.load %arg1[%get3A, %get3A_0, %get3A_1] : memref<2x1000x128xf32, #tpu.memory_space<vmem>>, vector<1x1000x128xf32>
    %get3A_3 = vector.shape_cast %get3A_2 : vector<1x1000x128xf32> to vector<1000x128xf32>
    %get3A_4 = arith.constant 1 : index
    %get3A_5 = arith.constant 0 : index
    %get3A_6 = arith.constant 0 : index
    %get3A_7 = vector.load %arg1[%get3A_4, %get3A_5, %get3A_6] : memref<2x1000x128xf32, #tpu.memory_space<vmem>>, vector<1x1000x128xf32>
    %get3A_8 = vector.shape_cast %get3A_7 : vector<1x1000x128xf32> to vector<1000x128xf32>
    %add3A = arith.addf %get3A_3, %get3A_8 : vector<1000x128xf32>
    %get3A_9 = arith.constant 0 : index
    %get3A_10 = arith.constant 0 : index
    %get3A_11 = vector.load %arg3[%get3A_9, %get3A_10] : memref<1000x1xf32, #tpu.memory_space<vmem>>, vector<1000x1xf32>
    %get3A_12 = arith.constant 0 : index
    %get3A_13 = arith.constant 0 : index
    %get3A_14 = vector.load %arg2[%get3A_12, %get3A_13] : memref<1000x128xf32, #tpu.memory_space<vmem>>, vector<1000x128xf32>
    %add3A_15 = arith.addf %add3A, %get3A_14 : vector<1000x128xf32>
    %mul3A = vector.broadcast %get3A_11 : vector<1000x1xf32> to vector<1000x128xf32>
    %mul3A_16 = arith.mulf %mul3A, %add3A_15 : vector<1000x128xf32>
    %get3A_17 = arith.constant 0 : index
    %get3A_18 = arith.constant 0 : index
    %get3A_19 = vector.load %arg4[%get3A_17, %get3A_18] : memref<1x128xf32, #tpu.memory_space<vmem>>, vector<1x128xf32>
    %add3A_20 = vector.broadcast %get3A_19 : vector<1x128xf32> to vector<1000x128xf32>
    %add3A_21 = arith.addf %mul3A_16, %add3A_20 : vector<1000x128xf32>
    %swap3A = arith.constant 0 : index
    %swap3A_22 = arith.constant 0 : index
    %swap3A_23 = vector.load %arg5[%swap3A, %swap3A_22] : memref<1000x128xf32, #tpu.memory_space<vmem>>, vector<1000x128xf32>
    tpu.vector_store %arg5[%swap3A, %swap3A_22], %add3A_21 {strides = array<i32>} : memref<1000x128xf32, #tpu.memory_space<vmem>>, vector<1000x128xf32>,
    return
  }
  func.func @transform_0(%arg0: i32) -> (i32, i32, i32) {
    %c0_i32 = arith.constant 0 : i32
    %c0_i32_0 = arith.constant 0 : i32
    %c0_i32_1 = arith.constant 0 : i32
    return %c0_i32, %arg0, %c0_i32_0 : i32, i32, i32
  }
  func.func @transform_1(%arg0: i32) -> (i32, i32) {
    %c0_i32 = arith.constant 0 : i32
    %c0_i32_0 = arith.constant 0 : i32
    return %arg0, %c0_i32 : i32, i32
  }
  func.func @transform_2(%arg0: i32) -> (i32, i32) {
    %c0_i32 = arith.constant 0 : i32
    %c0_i32_0 = arith.constant 0 : i32
    return %arg0, %c0_i32 : i32, i32
  }
  func.func @transform_3(%arg0: i32) -> (i32, i32) {
    %c0_i32 = arith.constant 0 : i32
    %c0_i32_0 = arith.constant 0 : i32
    %c0_i32_1 = arith.constant 0 : i32
    return %c0_i32, %c0_i32_0 : i32, i32
  }
  func.func @transform_4(%arg0: i32) -> (i32, i32) {
    %c0_i32 = arith.constant 0 : i32
    %c0_i32_0 = arith.constant 0 : i32
    return %arg0, %c0_i32 : i32, i32
  }
}

</mosaic_0001>

<sc_bundles>
// kernel: kernel.11.cloned.1.call-start
scs
__scs_entry_jumppad:
0x0: {  	(pc) =	sbr.rel $0x88, $3  }
0x1: {  	(tag) =	ssettag $0x0;
	lr =	simm.s32 $0x1  }
0x2: {  	[smem:$0x3F9B] =	sst lr;
	_ =	strace $0xD0000000  }
0x3: {  	_ = 	snop  }
0x4: {  	_ = 	snop  }
0x5: {  	_ = 	snop  }
0x6: {  	_ = 	snop  }
0x7: {  	_ = 	snop  }
__scs_overlays_trampoline_lowered:
0x8: {  	[smem:$0x3FAA] =	sst s0  }
0x9: {  	[smem:$0x3FAB] =	sst s1  }
0xa: {  	[smem:$0x3FAC] =	sst s2  }
0xb: {  	[smem:$0x3FAD] =	sst s3  }
0xc: {  	[smem:$0x3FAE] =	sst s4  }
0xd: {  	[smem:$0x3FAF] =	sst s5  }
0xe: {  	[smem:$0x3FB0] =	sst s6  }
0xf: {  	[smem:$0x3FB1] =	sst s7  }
0x10: {  	[smem:$0x3FB2] =	sst s8  }
0x11: {  	[smem:$0x3FB3] =	sst s9;
	s0 =	simm.s32 @!p0 $0x0  }
0x12: {  	s1 =	sld [smem:$0x3F99];
	s0 =	simm.s32 @p0 $0x1  }
0x13: {  	[smem:$0x3FB4] =	sst s0;
	s0 =	simm.s32 @!p1 $0x0  }
0x14: {  	s2 =	sld [smem:$0x3F98];
	s0 =	simm.s32 @p1 $0x1  }
0x15: {  	[smem:$0x3FB5] =	sst s0;
	s0 =	simm.s32 @!p2 $0x0  }
0x16: {  	s3 =	sld [smem:$0x3FDB];
	s0 =	simm.s32 @p2 $0x1  }
0x17: {  	s4 =	simm.s32 $0x1BF5;
	[smem:$0x3FB7] =	sst s0  }
0x18: {  	s0 =	sld [smem:$0x3F9A];
	_ =	swait.ge [sflag:s4], $0x0  }
0x19: {  	s7 =	sld [smem:$0x3F9B]  }
0x1a: {  	s8 =	sadd.s32 $0xFFFFE003, lr  }
0x1b: {  	s9 =	sadd.s32 $0xFFFFFEF7, lr;
	s5 =	simm.s32 $0xFFFFFFFF;
	p2 =	slt.u32 s8, $0xFFFFF086  }
0x1c: {  	p1 =	slt.u32 s9, $0xF7A;
	s5 =	simm.s32 @!p2 $0x0  }
0x1d: {  	s5 =	simm.s32 @p1 $0x1;
	p0 =	seq.s32 s7, s2  }
0x1e: {  	s7 =	smul.u32 @!p0 $0xF7A, s2;
	p2 =	seq.s32 @!p0 s5, $0x0  }
0x1f: {  	s9 =	smul.u32 $0xF7A, s1;
	s8 =	simm.s32 @!p0 $0x1BF5;
	p2 =	por !p2, p0  }
0x20: {  	[sflag:s8] =	ssyncset.s32 @!p0 $0xFFFFF086;
	s6 =	sadd.s32 @!p0 s3, s7;
	s7 =	simm.s32 @!p0 $0x108  }
0x21: {  	s3 =	sadd.s32 s3, s9;
	s6 =	sadd.s32 @!p0 $0x88, s6;
	s7 =	simm.s32 @p2 $0x1082  }
0x22: {  	[simem:s7], [sflag:s8] =	dma.local @!p0 [hbm:s6], $0xF7A  }
0x23: {  	s9 =	sor.u32 $0xD0000000, s2;
	s6 =	simm.s32 $0x108;
	_ =	swait.ge @!p0 [sflag:s8], $0x0  }
0x24: {  	s3 =	sadd.s32 $0x88, s3;
	s6 =	simm.s32 @!p1 $0x1082;
	[sflag:s4] =	ssyncset.s32 $0xFFFFF086  }
0x25: {  	[simem:s6], [sflag:s4] =	dma.local [hbm:s3], $0xF7A  }
0x26: {  	[smem:$0x3F9B] =	sst s1;
	(tag) =	ssettag s2;
	_ =	strace s9  }
0x27: {  	s1 =	sld [smem:$0x3FAB]  }
0x28: {  	s2 =	sld [smem:$0x3FAC]  }
0x29: {  	s4 =	sld [smem:$0x3FAE]  }
0x2a: {  	p0 =	seq.s32 s5, $0x0;
	s5 =	sld [smem:$0x3FAF]  }
0x2b: {  	s6 =	sld [smem:$0x3FB0]  }
0x2c: {  	s7 =	sld [smem:$0x3FB1]  }
0x2d: {  	s3 =	simm.s32 $0x108;
	s8 =	sld [smem:$0x3FB2]  }
0x2e: {  	s3 =	simm.s32 @!p0 $0x1082;
	s9 =	sld [smem:$0x3FB3]  }
0x2f: {  	lr =	sadd.s32 s0, s3;
	s0 =	sld [smem:$0x3FAA]  }
0x30: {  	s3 =	sld [smem:$0x3FAD]  }
0x31: {  	[smem:$0x3FB6] =	sst s10  }
0x32: {  	s10 =	sld [smem:$0x3FB4];
	_ =	sdelay $0x3  }
0x33: {  	p0 =	seq.s32 s10, $0x1;
	s10 =	sld [smem:$0x3FB6];
	_ =	sdelay $0x3  }
0x34: {  	[smem:$0x3FB6] =	sst s10  }
0x35: {  	s10 =	sld [smem:$0x3FB5];
	_ =	sdelay $0x3  }
0x36: {  	p1 =	seq.s32 s10, $0x1;
	s10 =	sld [smem:$0x3FB6];
	_ =	sdelay $0x3  }
0x37: {  	[smem:$0x3FB6] =	sst s10  }
0x38: {  	s10 =	sld [smem:$0x3FB7]  }
0x39: {  	_ = 	snop;
	(pc) =	sbr.ind lr, $3  }
0x3a: {  	_ = 	snop  }
0x3b: {  	_ = 	snop  }
0x3c: {  	p2 =	seq.s32 s10, $0x1;
	s10 =	sld [smem:$0x3FB6]  }
0x3d: {  	_ =	shalt  }
0x3e: {  	_ =	shalt  }
0x3f: {  	_ =	shalt  }
0x40: {  	_ =	shalt  }
0x41: {  	_ =	shalt  }
0x42: {  	_ =	shalt  }
0x43: {  	_ =	shalt  }
0x44: {  	_ =	shalt  }
0x45: {  	_ =	shalt  }
0x46: {  	_ =	shalt  }
0x47: {  	_ =	shalt  }
0x48: {  	_ =	shalt  }
0x49: {  	_ =	shalt  }
0x4a: {  	_ =	shalt  }
0x4b: {  	_ =	shalt  }
0x4c: {  	_ =	shalt  }
0x4d: {  	_ =	shalt  }
0x4e: {  	_ =	shalt  }
0x4f: {  	_ =	shalt  }
0x50: {  	_ =	shalt  }
0x51: {  	_ =	shalt  }
0x52: {  	_ =	shalt  }
0x53: {  	_ =	shalt  }
0x54: {  	_ =	shalt  }
0x55: {  	_ =	shalt  }
0x56: {  	_ =	shalt  }
0x57: {  	_ =	shalt  }
0x58: {  	_ =	shalt  }
0x59: {  	_ =	shalt  }
0x5a: {  	_ =	shalt  }
0x5b: {  	_ =	shalt  }
0x5c: {  	_ =	shalt  }
0x5d: {  	_ =	shalt  }
0x5e: {  	_ =	shalt  }
0x5f: {  	_ =	shalt  }
0x60: {  	_ =	shalt  }
0x61: {  	_ =	shalt  }
0x62: {  	_ =	shalt  }
0x63: {  	_ =	shalt  }
0x64: {  	_ =	shalt  }
0x65: {  	_ =	shalt  }
0x66: {  	_ =	shalt  }
0x67: {  	_ =	shalt  }
0x68: {  	_ =	shalt  }
0x69: {  	_ =	shalt  }
0x6a: {  	_ =	shalt  }
0x6b: {  	_ =	shalt  }
0x6c: {  	_ =	shalt  }
0x6d: {  	_ =	shalt  }
0x6e: {  	_ =	shalt  }
0x6f: {  	_ =	shalt  }
0x70: {  	_ =	shalt  }
0x71: {  	_ =	shalt  }
0x72: {  	_ =	shalt  }
0x73: {  	_ =	shalt  }
0x74: {  	_ =	shalt  }
0x75: {  	_ =	shalt  }
0x76: {  	_ =	shalt  }
0x77: {  	_ =	shalt  }
0x78: {  	_ =	shalt  }
0x79: {  	_ =	shalt  }
0x7a: {  	_ =	shalt  }
0x7b: {  	_ =	shalt  }
0x7c: {  	_ =	shalt  }
0x7d: {  	_ =	shalt  }
0x7e: {  	_ =	shalt  }
0x7f: {  	_ =	shalt  }
0x80: {  	_ =	shalt  }
0x81: {  	_ =	shalt  }
0x82: {  	_ =	shalt  }
0x83: {  	_ =	shalt  }
0x84: {  	_ =	shalt  }
0x85: {  	_ =	shalt  }
0x86: {  	_ =	shalt  }
0x87: {  	_ =	shalt  }
.Lfunc_end0:
.L_simem_size_0:
called_computation.1_lowered:
.L_overlay_start_0:
0x88: {  	s2 =	sld [smem:$0x3FD9]  }
0x89: {  	s3 =	sld [smem:$0x3FFE];
	_ =	sdelay $0x1  }
0x8a: {  	s1 =	srdreg.scid  }
0x8b: {  	s0 =	sand.u32 $0x1, s1  }
0x8c: {  	s17 =	sshll.u32 s0, $0xA;
	s2 =	sadd.s32 s3, s2  }
0x8d: {  	s2 =	sadd.s32 s2, s17  }
0x8e: {  	[smem:$0x3FC2] =	sst s2  }
0x8f: {  	_ = 	snop  }
0x90: {  	s2 =	sld [smem:$0x3FD0];
	(tm) =	ssettm $0x1  }
0x91: {  	s18 =	sld [smem:$0x3FFB];
	_ =	sdelay $0x3  }
0x92: {  	_ =	strace s18  }
0x93: {  	s3 =	sld [smem:$0x3FFC];
	_ =	sdelay $0x3  }
0x94: {  	_ =	strace s3  }
0x95: {  	s3 =	sld [smem:$0x3FFD];
	_ =	sdelay $0x3  }
0x96: {  	_ =	strace s3  }
0x97: {  	_ =	strace $0x8FFFFFFF  }
0x98: {  	s19 =	sld [smem:$0x3FDB];
	_ =	sdelay $0x1  }
0x99: {  	s4 =	simm.s32 $_scs_section_size  }
0x9a: {  	s5 =	simm.s32 $_size__tile_overlayer_lowered;
	s6 =	simm.s32 $_tile_overlayer_lowered  }
0x9b: {  	s22 =	simm.s32 $0x1BFF;
	s21 =	sshll.u32 s6, $0x1;
	s3 =	sadd.s32 s4, s19  }
0x9c: {  	s7 =	simm.s32 $0x0;
	s20 =	sshll.u32 s5, $0x1;
	s5 =	sadd.s32 s21, s3  }
0x9d: {  	[timem:s7], [sflag:s22] =	dma.local [hbm:s5], s20  }
0x9e: {  	_ =	swait.ge [sflag:s22], s20  }
0x9f: {  	s4 =	ssub.s32 $0x0, s20;
	[sflag:s22] =	ssyncset.done $0x0  }
0xa0: {  	[sflag:s22] =	ssyncadd.s32 s4;
	_ =	sdelay $0x1  }
0xa1: {  	s23 =	simm.s32 $0x1B8B  }
0xa2: {  	_ =	swait.ge [sflag:s23], $0x1  }
0xa3: {  	[sflag:s23] =	ssyncset.done $0x0  }
0xa4: {  	s25 =	simm.s32 $0x1B8E;
	s24 =	sld [smem:$0x3FFE];
	[sflag:s23] =	ssyncadd.s32 $0xFFFFFFFF  }
0xa5: {  	s26 =	simm.s32 $execute0_lowered;
	[smem:$0x3FD2] =	sst s25  }
0xa6: {  	s5 =	sshll.u32 s26, $0x1;
	_ =	strace $0x80000049;
	[dreg:$0x1] =	wrdreg $0xFFFFFFFF  }
0xa7: {  	s28 =	simm.s32 $_size_execute0_lowered;
	s3 =	sadd.s32 s3, s5;
	[dreg:$0x0] =	wrdreg $0x0  }
0xa8: {  	s5 =	sshll.u32 s28, $0x1;
	[dreg:$0x2] =	wrdreg s3  }
0xa9: {  	[dreg:$0x3] =	wrdreg s5  }
0xaa: {  	[dreg:$0x4] =	wrdreg $0xC0  }
0xab: {  	_ =	task [dreg:s7], $0x5FFFF  }
0xac: {  	[dreg:$0x1] =	wrdreg $0xFFFFFFFF  }
0xad: {  	[dreg:$0x0] =	wrdreg $0x60  }
0xae: {  	[dreg:$0x2] =	wrdreg s24  }
0xaf: {  	[dreg:$0x3] =	wrdreg s2  }
0xb0: {  	[dreg:$0x4] =	wrdreg $0x82000  }
0xb1: {  	[dreg:$0x5] =	wrdreg $0x9  }
0xb2: {  	_ =	task.clear_ibuf [dreg:s7], $0x6FFFF;
	_ =	strace $0x90000049  }
0xb3: {  	s29 =	simm.s32 $0x9;
	_ =	strace $0x8000004B  }
0xb4: {  	_ =	swait.ge [sflag:s29], $0x1  }
0xb5: {  	[sflag:s29] =	ssyncadd.s32 $0xFFFFFFFF  }
0xb6: {  	_ =	strace $0x9000004B  }
0xb7: {  	_ =	sfence  }
0xb8: {  	s30 =	sld [smem:$0x0];
	_ =	sdelay $0x2  }
0xb9: {  	s31 =	sshll.u32 s1, $0xD;
	s1 =	sshrl.u32 s1, $0x2  }
0xba: {  	s3 =	sand.u32 $0x4000, s31;
	s1 =	sadd.s32 s1, s30  }
0xbb: {  	s0 =	sor.u32 s3, s0;
	s1 =	sshll.u32 s1, $0x11  }
0xbc: {  	s0 =	sor.u32 s1, s0  }
0xbd: {  	s0 =	sadd.s32 $0x8F2B, s0  }
0xbe: {  	[sflag:s0] =	ssyncadd.remote.s32 $0x1  }
0xbf: {  	_ =	sfence.sel $0xFFFF  }
0xc0: {  	[dreg:$0x0] =	wrdreg $0xFFFFFFFF;
	(pc) =	sbr.abs _section_cstart, $3  }
0xc1: {  	[dreg:$0x1] =	wrdreg $0xFFFFFFFF  }
0xc2: {  	_ =	task.clear_ibuf [dreg:s7], $0x2FFFF;
	_ =	strace $0x9FFFFFFF  }
0xc3: {  	(tm) =	ssettm $0x7FFFFFFF  }
tec
execute0_lowered:
.L_overlay_start_1:
0x0: {  	(tag) =	ssettag $0x1  }
0x1: {  	s6 =	rddreg [dreg:$0x0]  }
0x2: {  	s8 =	rddreg [dreg:$0x1]  }
0x3: {  	s2 =	rddreg [dreg:$0x2]  }
0x4: {  	s0 =	rddreg [dreg:$0x3]  }
0x5: {  	s3 =	simm.s32 $0x0;
	s4 =	srdreg.scid;
	s1 =	stileid.u32  }
0x6: {  	s15 =	simm.s32 $0x4200;
	s16 =	simm.s32 $0x1;
	s7 =	smul.u32 $0x4F000, s1  }
0x7: {  	s17 =	simm.s32 $0x180;
	s21 =	simm.s32 $0x0;
	s14 =	smul.u32 $0xA00, s1  }
0x8: {  	[smem:$0x7FF] =	sst s3;
	s5 =	sand.u32 $0x1, s4;
	s19 =	smul.u32 $0x2780, s1  }
0x9: {  	s4 =	sadd.s32 $0x6F800, s6;
	s31 =	sshll.u32 s1, $0x6;
	s9 =	smul.u32 $0xA000, s5  }
0xa: {  	_ =	strace $0x8000004A;
	s10 =	smul.u32 $0x27800, s5;
	s11 =	ssub.s32 $0x2, s5  }
0xb: {  	s29 =	sshrl.u32 s7, $0x2;
	s30 =	sshrl.u32 s11, $0x1;
	s12 =	sadd.s32 s9, s6  }
0xc: {  	s5 =	sadd.s32 s29, s2;
	s10 =	sadd.s32 s10, s6;
	s11 =	ssub.s32 s11, s30  }
0xd: {  	s13 =	sadd.s32 s8, s9;
	s9 =	simm.s32 $0x200;
	s6 =	sadd.s32 $0x8000, s5  }
0xe: {  	s7 =	sadd.s32 $0x10000, s5;
	s12 =	sadd.s32 $0x5B800, s12;
	s18 =	sadd.s32 $0xBDA00, s10  }
0xf: {  	s8 =	smax.u32 s11, $0x1;
	s10 =	simm.s32 $0x2;
	s11 =	sadd.s32 s14, s13  }
0x10: {  	s13 =	simm.s32 $0x100;
	s20 =	sshrl.u32 s5, $0x3;
	s12 =	sadd.s32 s14, s12  }
0x11: {  	v0 =	vimm.f32 $0.0e+00;
	s14 =	simm.s32 $0x80;
	s18 =	sadd.s32 s19, s18;
	s19 =	sor.u32 $0x1C02, s31  }
.LBB2_1:
0x12: {  	s22 =	simm.s32 $0x0;
	s23 =	simm.s32 $0x200  }
.LBB2_2:
0x13: {  	p0 =	sne.s32 s23, $0x1FE00;
	[tilespmem:s22+$0x270] =	vst v0  }
0x14: {  	[tilespmem:s22+$0x200] =	vst v0  }
0x15: {  	[tilespmem:s22+$0x210] =	vst v0  }
.Ltmp0:
0x16: {  	[tilespmem:s22+$0x220] =	vst v0;
	(pc) =	sbr.rel @p0 .LBB2_2-.Ltmp0, $4  }
0x17: {  	[tilespmem:s22+$0x230] =	vst v0  }
0x18: {  	[tilespmem:s22+$0x240] =	vst v0  }
0x19: {  	[tilespmem:s22+$0x250] =	vst v0  }
0x1a: {  	[tilespmem:s22+$0x260] =	vst v0;
	s22 =	sshra.s32 s23, $0x2;
	s23 =	sadd.s32 $0x200, s23  }
0x1b: {  	[tilespmem:s22+$0x270] =	vst v0  }
0x1c: {  	[tilespmem:s22+$0x200] =	vst v0  }
0x1d: {  	[tilespmem:s22+$0x210] =	vst v0  }
0x1e: {  	[tilespmem:s22+$0x220] =	vst v0  }
0x1f: {  	[tilespmem:s22+$0x230] =	vst v0  }
0x20: {  	[tilespmem:s22+$0x240] =	vst v0  }
0x21: {  	[tilespmem:s22+$0x250] =	vst v0  }
0x22: {  	[tilespmem:s22+$0x260] =	vst v0  }
0x23: {  	[spmem:s5] =	stream.linear.scatter [tilespmem:s9], [sflag:$0x2], $0x8000, $0x38;
	[tilespmem:$0x1BE00] =	vst v63  }
0x24: {  	_ =	swait.ge [sflag:s10], $0x8000  }
0x25: {  	[sflag:s10] =	ssyncset.done $0x0  }
0x26: {  	[sflag:s10] =	ssyncadd.s32 $0xFFFF8000  }
0x27: {  	[spmem:s6] =	stream.linear.scatter [tilespmem:s9], [sflag:$0x2], $0x8000, $0x38;
	[tilespmem:$0x1BE00] =	vst v63  }
0x28: {  	_ =	swait.ge [sflag:s10], $0x8000  }
0x29: {  	[sflag:s10] =	ssyncset.done $0x0  }
0x2a: {  	[sflag:s10] =	ssyncadd.s32 $0xFFFF8000  }
0x2b: {  	[spmem:s7] =	stream.linear.scatter [tilespmem:s9], [sflag:$0x2], $0x3C00, $0x38;
	[tilespmem:$0x1BE00] =	vst v63  }
0x2c: {  	_ =	swait.ge [sflag:s10], $0x3C00  }
0x2d: {  	[sflag:s10] =	ssyncset.done $0x0  }
0x2e: {  	[sflag:s10] =	ssyncadd.s32 $0xFFFFC400  }
0x2f: {  	s30 =	sadd.s32 $0x0, s11;
	[bflag:$0x0] =	sbarrier.arrive $0xFFFF  }
0x30: {  	[tilespmem:s3], [sflag:$0x2] =	stream.linear.gather [hbm4b:s30+s3], $0x100, $0x38;
	[tilespmem:$0x1BE00] =	vst v63  }
0x31: {  	_ =	swait.ge [sflag:s10], $0x100  }
0x32: {  	[sflag:s10] =	ssyncset.done $0x0  }
0x33: {  	s31 =	sadd.s32 $0x0, s12;
	[sflag:s10] =	ssyncadd.s32 $0xFFFFFF00  }
0x34: {  	[tilespmem:s13], [sflag:$0x2] =	stream.linear.gather [hbm4b:s31+s3], $0x100, $0x38;
	[tilespmem:$0x1BE00] =	vst v63  }
0x35: {  	_ =	swait.ge [sflag:s10], $0x100  }
0x36: {  	[sflag:s10] =	ssyncset.done $0x0  }
0x37: {  	[sflag:s10] =	ssyncadd.s32 $0xFFFFFF00  }
0x38: {  	[tilespmem:s9], [sflag:$0x1] =	stream.indirect.gather [hbm4b:s4+s14], $0x80, s3, s14, $0xb8;
	[tilespmem:$0x1BE00] =	vst v63  }
0x39: {  	_ = 	snop  }
0x3a: {  	[tilespmem:s15], [sflag:$0x1] =	stream.indirect.gather [hbm4b:s4+s14], $0x80, s14, s14, $0xb8;
	[tilespmem:$0x1BE00] =	vst v63  }
0x3b: {  	_ =	swait.ge [sflag:s16], $0x4000  }
0x3c: {  	[sflag:s16] =	ssyncset.done $0x0  }
0x3d: {  	[sflag:s16] =	ssyncadd.s32 $0xFFFFC000  }
0x3e: {  	_ =	swait.ge [sflag:s16], $0x4000  }
0x3f: {  	[sflag:s16] =	ssyncset.done $0x0  }
0x40: {  	[sflag:s16] =	ssyncadd.s32 $0xFFFFC000  }
0x41: {  	[spmem:s2] =	stream.indirect.scatter.add.f32 [tilespmem:s9], [sflag:$0x2], $0x80, s13, s14, $0xb8;
	[tilespmem:$0x1BE00] =	vst v63  }
0x42: {  	_ =	swait.ge [sflag:s10], $0x4000  }
0x43: {  	[sflag:s10] =	ssyncset.done $0x0  }
0x44: {  	[sflag:s10] =	ssyncadd.s32 $0xFFFFC000  }
0x45: {  	[spmem:s2] =	stream.indirect.scatter.add.f32 [tilespmem:s15], [sflag:$0x2], $0x80, s17, s14, $0xb8;
	[tilespmem:$0x1BE00] =	vst v63  }
0x46: {  	_ =	swait.ge [sflag:s10], $0x4000  }
0x47: {  	s22 =	simm.s32 $0x20;
	s23 =	simm.s32 $0x40;
	[sflag:s10] =	ssyncset.done $0x0  }
.LBB2_4:
0x48: {  	s24 =	sadd.s32 s22, s11  }
0x49: {  	[sflag:s10] =	ssyncadd.s32 $0xFFFFC000;
	s25 =	smov.u32 s23;
	s26 =	sadd.s32 $0x20, s23  }
0x4a: {  	[tilespmem:s3], [sflag:$0x2] =	stream.linear.gather [hbm4b:s24+s3], $0x100, $0x38;
	[tilespmem:$0x1BE00] =	vst v63  }
0x4b: {  	p0 =	sne.s32 s23, $0x9E0;
	_ =	swait.ge [sflag:s10], $0x100  }
0x4c: {  	[sflag:s10] =	ssyncset.done $0x0  }
0x4d: {  	s23 =	sadd.s32 s22, s12;
	s22 =	smov.u32 s25;
	[sflag:s10] =	ssyncadd.s32 $0xFFFFFF00  }
0x4e: {  	[tilespmem:s13], [sflag:$0x2] =	stream.linear.gather [hbm4b:s23+s3], $0x100, $0x38;
	[tilespmem:$0x1BE00] =	vst v63  }
0x4f: {  	_ =	swait.ge [sflag:s10], $0x100  }
0x50: {  	[sflag:s10] =	ssyncset.done $0x0  }
0x51: {  	[sflag:s10] =	ssyncadd.s32 $0xFFFFFF00  }
0x52: {  	[tilespmem:s9], [sflag:$0x1] =	stream.indirect.gather [hbm4b:s4+s14], $0x80, s3, s14, $0xb8;
	[tilespmem:$0x1BE00] =	vst v63  }
0x53: {  	_ = 	snop  }
0x54: {  	[tilespmem:s15], [sflag:$0x1] =	stream.indirect.gather [hbm4b:s4+s14], $0x80, s14, s14, $0xb8;
	[tilespmem:$0x1BE00] =	vst v63  }
0x55: {  	_ =	swait.ge [sflag:s16], $0x4000  }
0x56: {  	[sflag:s16] =	ssyncset.done $0x0  }
0x57: {  	[sflag:s16] =	ssyncadd.s32 $0xFFFFC000  }
0x58: {  	_ =	swait.ge [sflag:s16], $0x4000  }
0x59: {  	[sflag:s16] =	ssyncset.done $0x0  }
0x5a: {  	[sflag:s16] =	ssyncadd.s32 $0xFFFFC000  }
0x5b: {  	[spmem:s2] =	stream.indirect.scatter.add.f32 [tilespmem:s9], [sflag:$0x2], $0x80, s13, s14, $0xb8;
	[tilespmem:$0x1BE00] =	vst v63  }
0x5c: {  	_ =	swait.ge [sflag:s10], $0x4000  }
.Ltmp1:
0x5d: {  	[sflag:s10] =	ssyncset.done $0x0;
	(pc) =	sbr.rel @p0 .LBB2_4-.Ltmp1, $4  }
0x5e: {  	[sflag:s10] =	ssyncadd.s32 $0xFFFFC000  }
0x5f: {  	[spmem:s2] =	stream.indirect.scatter.add.f32 [tilespmem:s15], [sflag:$0x2], $0x80, s17, s14, $0xb8;
	[tilespmem:$0x1BE00] =	vst v63  }
0x60: {  	_ =	swait.ge [sflag:s10], $0x4000  }
0x61: {  	s23 =	smov.u32 s26;
	[sflag:s10] =	ssyncset.done $0x0  }
0x62: {  	s23 =	sadd.s32 s22, s11;
	[sflag:s10] =	ssyncadd.s32 $0xFFFFC000  }
0x63: {  	[tilespmem:s3], [sflag:$0x2] =	stream.linear.gather [hbm4b:s23+s3], $0x100, $0x38;
	[tilespmem:$0x1BE00] =	vst v63  }
0x64: {  	_ =	swait.ge [sflag:s10], $0x100  }
0x65: {  	[sflag:s10] =	ssyncset.done $0x0  }
0x66: {  	s31 =	sadd.s32 s22, s12;
	[sflag:s10] =	ssyncadd.s32 $0xFFFFFF00  }
0x67: {  	[tilespmem:s13], [sflag:$0x2] =	stream.linear.gather [hbm4b:s31+s3], $0x100, $0x38;
	[tilespmem:$0x1BE00] =	vst v63  }
0x68: {  	_ =	swait.ge [sflag:s10], $0x100  }
0x69: {  	[sflag:s10] =	ssyncset.done $0x0  }
0x6a: {  	[sflag:s10] =	ssyncadd.s32 $0xFFFFFF00  }
0x6b: {  	[tilespmem:s9], [sflag:$0x1] =	stream.indirect.gather [hbm4b:s4+s14], $0x80, s3, s14, $0xb8;
	[tilespmem:$0x1BE00] =	vst v63  }
0x6c: {  	_ = 	snop  }
0x6d: {  	[tilespmem:s15], [sflag:$0x1] =	stream.indirect.gather [hbm4b:s4+s14], $0x80, s14, s14, $0xb8;
	[tilespmem:$0x1BE00] =	vst v63  }
0x6e: {  	_ =	swait.ge [sflag:s16], $0x4000  }
0x6f: {  	[sflag:s16] =	ssyncset.done $0x0  }
0x70: {  	[sflag:s16] =	ssyncadd.s32 $0xFFFFC000  }
0x71: {  	_ =	swait.ge [sflag:s16], $0x4000  }
0x72: {  	[sflag:s16] =	ssyncset.done $0x0  }
0x73: {  	[sflag:s16] =	ssyncadd.s32 $0xFFFFC000  }
0x74: {  	[spmem:s2] =	stream.indirect.scatter.add.f32 [tilespmem:s9], [sflag:$0x2], $0x80, s13, s14, $0xb8;
	[tilespmem:$0x1BE00] =	vst v63  }
0x75: {  	_ =	swait.ge [sflag:s10], $0x4000  }
0x76: {  	[sflag:s10] =	ssyncset.done $0x0  }
0x77: {  	[sflag:s10] =	ssyncadd.s32 $0xFFFFC000  }
0x78: {  	[spmem:s2] =	stream.indirect.scatter.add.f32 [tilespmem:s15], [sflag:$0x2], $0x80, s17, s14, $0xb8;
	[tilespmem:$0x1BE00] =	vst v63  }
0x79: {  	_ =	swait.ge [sflag:s10], $0x4000  }
0x7a: {  	s21 =	sadd.s32 $0x1, s21;
	[sflag:s10] =	ssyncset.done $0x0  }
0x7b: {  	p0 =	sne.s32 s21, s8;
	[sflag:s10] =	ssyncadd.s32 $0xFFFFC000  }
.Ltmp2:
0x7c: {  	[bflag:$0x0] =	sbarrier.arrive $0xFFFF;
	(pc) =	sbr.rel @p0 .LBB2_1-.Ltmp2, $4  }
0x7d: {  	[hbm:s18], [sflag:s19] =	dma.local [spmem:s20], $0x2780  }
0x7e: {  	_ =	swait.ge [sflag:s10], $0x2780  }
0x7f: {  	[sflag:s10] =	ssyncset.done $0x0  }
0x80: {  	[sflag:s10] =	ssyncadd.s32 $0xFFFFD880  }
0x81: {  	_ =	sfence.sel $0x180000  }
0x82: {  	[bflag:$0x0] =	sbarrier.arrive $0xFFFF  }
0x83: {  	p0 =	sne.s32 s1, $0x0;
	_ =	strace $0x9000004A  }
0x84: {  	s0 =	sadd.s32 @!p0 $0x100000, s0;
	[bflag:$0x2] =	sbarrier.arrive $0xFFFF  }
0x85: {  	[sflag:s0] =	ssyncadd.tile.s32 @!p0 $0x1;
	_ =	shalt  }
.Lfunc_end2:
_tile_overlayer_lowered:
.L_overlay_start_2:
0x86: {  	(tag) =	ssettag $0x2  }
0x87: {  	s0 =	rddreg [dreg:$0x0];
	s2 =	stileid.u32  }
0x88: {  	s1 =	rddreg [dreg:$0x1];
	p0 =	sne.s32 s2, $0x0  }
0x89: {  	s3 =	rddreg [dreg:$0x2];
	[bflag:$0x3] =	sbarrier.arrive $0xFFFF;
	s2 =	simm.s32 @!p0 $0x1C02  }
0x8a: {  	[timem:s3], [sflag:s2] =	dma.local @!p0 [hbm:s0], s1  }
0x8b: {  	s0 =	simm.s32 @!p0 $0x2  }
0x8c: {  	_ =	swait.ge @!p0 [sflag:s0], s1  }
0x8d: {  	s1 =	ssub.s32 @!p0 $0x0, s1;
	[sflag:s0] =	ssyncset.done @!p0 $0x0  }
0x8e: {  	[sflag:s0] =	ssyncadd.s32 @!p0 s1  }
0x8f: {  	[bflag:$0x3] =	sbarrier.arrive $0xFFFF  }
0x90: {  	_ =	shalt  }

// kernel: kernel.14.cloned.1.call-start
scs
__scs_entry_jumppad:
0x0: {  	(pc) =	sbr.rel $0x88, $3  }
0x1: {  	(tag) =	ssettag $0x0;
	lr =	simm.s32 $0x1  }
0x2: {  	[smem:$0x3F9B] =	sst lr;
	_ =	strace $0xD0000000  }
0x3: {  	_ = 	snop  }
0x4: {  	_ = 	snop  }
0x5: {  	_ = 	snop  }
0x6: {  	_ = 	snop  }
0x7: {  	_ = 	snop  }
__scs_overlays_trampoline_lowered:
0x8: {  	[smem:$0x3FAA] =	sst s0  }
0x9: {  	[smem:$0x3FAB] =	sst s1  }
0xa: {  	[smem:$0x3FAC] =	sst s2  }
0xb: {  	[smem:$0x3FAD] =	sst s3  }
0xc: {  	[smem:$0x3FAE] =	sst s4  }
0xd: {  	[smem:$0x3FAF] =	sst s5  }
0xe: {  	[smem:$0x3FB0] =	sst s6  }
0xf: {  	[smem:$0x3FB1] =	sst s7  }
0x10: {  	[smem:$0x3FB2] =	sst s8  }
0x11: {  	[smem:$0x3FB3] =	sst s9;
	s0 =	simm.s32 @!p0 $0x0  }
0x12: {  	s1 =	sld [smem:$0x3F99];
	s0 =	simm.s32 @p0 $0x1  }
0x13: {  	[smem:$0x3FB4] =	sst s0;
	s0 =	simm.s32 @!p1 $0x0  }
0x14: {  	s2 =	sld [smem:$0x3F98];
	s0 =	simm.s32 @p1 $0x1  }
0x15: {  	[smem:$0x3FB5] =	sst s0;
	s0 =	simm.s32 @!p2 $0x0  }
0x16: {  	s3 =	sld [smem:$0x3FDB];
	s0 =	simm.s32 @p2 $0x1  }
0x17: {  	s4 =	simm.s32 $0x1BF5;
	[smem:$0x3FB7] =	sst s0  }
0x18: {  	s0 =	sld [smem:$0x3F9A];
	_ =	swait.ge [sflag:s4], $0x0  }
0x19: {  	s7 =	sld [smem:$0x3F9B]  }
0x1a: {  	s8 =	sadd.s32 $0xFFFFE003, lr  }
0x1b: {  	s9 =	sadd.s32 $0xFFFFFEF7, lr;
	s5 =	simm.s32 $0xFFFFFFFF;
	p2 =	slt.u32 s8, $0xFFFFF086  }
0x1c: {  	p1 =	slt.u32 s9, $0xF7A;
	s5 =	simm.s32 @!p2 $0x0  }
0x1d: {  	s5 =	simm.s32 @p1 $0x1;
	p0 =	seq.s32 s7, s2  }
0x1e: {  	s7 =	smul.u32 @!p0 $0xF7A, s2;
	p2 =	seq.s32 @!p0 s5, $0x0  }
0x1f: {  	s9 =	smul.u32 $0xF7A, s1;
	s8 =	simm.s32 @!p0 $0x1BF5;
	p2 =	por !p2, p0  }
0x20: {  	[sflag:s8] =	ssyncset.s32 @!p0 $0xFFFFF086;
	s6 =	sadd.s32 @!p0 s3, s7;
	s7 =	simm.s32 @!p0 $0x108  }
0x21: {  	s3 =	sadd.s32 s3, s9;
	s6 =	sadd.s32 @!p0 $0x88, s6;
	s7 =	simm.s32 @p2 $0x1082  }
0x22: {  	[simem:s7], [sflag:s8] =	dma.local @!p0 [hbm:s6], $0xF7A  }
0x23: {  	s9 =	sor.u32 $0xD0000000, s2;
	s6 =	simm.s32 $0x108;
	_ =	swait.ge @!p0 [sflag:s8], $0x0  }
0x24: {  	s3 =	sadd.s32 $0x88, s3;
	s6 =	simm.s32 @!p1 $0x1082;
	[sflag:s4] =	ssyncset.s32 $0xFFFFF086  }
0x25: {  	[simem:s6], [sflag:s4] =	dma.local [hbm:s3], $0xF7A  }
0x26: {  	[smem:$0x3F9B] =	sst s1;
	(tag) =	ssettag s2;
	_ =	strace s9  }
0x27: {  	s1 =	sld [smem:$0x3FAB]  }
0x28: {  	s2 =	sld [smem:$0x3FAC]  }
0x29: {  	s4 =	sld [smem:$0x3FAE]  }
0x2a: {  	p0 =	seq.s32 s5, $0x0;
	s5 =	sld [smem:$0x3FAF]  }
0x2b: {  	s6 =	sld [smem:$0x3FB0]  }
0x2c: {  	s7 =	sld [smem:$0x3FB1]  }
0x2d: {  	s3 =	simm.s32 $0x108;
	s8 =	sld [smem:$0x3FB2]  }
0x2e: {  	s3 =	simm.s32 @!p0 $0x1082;
	s9 =	sld [smem:$0x3FB3]  }
0x2f: {  	lr =	sadd.s32 s0, s3;
	s0 =	sld [smem:$0x3FAA]  }
0x30: {  	s3 =	sld [smem:$0x3FAD]  }
0x31: {  	[smem:$0x3FB6] =	sst s10  }
0x32: {  	s10 =	sld [smem:$0x3FB4];
	_ =	sdelay $0x3  }
0x33: {  	p0 =	seq.s32 s10, $0x1;
	s10 =	sld [smem:$0x3FB6];
	_ =	sdelay $0x3  }
0x34: {  	[smem:$0x3FB6] =	sst s10  }
0x35: {  	s10 =	sld [smem:$0x3FB5];
	_ =	sdelay $0x3  }
0x36: {  	p1 =	seq.s32 s10, $0x1;
	s10 =	sld [smem:$0x3FB6];
	_ =	sdelay $0x3  }
0x37: {  	[smem:$0x3FB6] =	sst s10  }
0x38: {  	s10 =	sld [smem:$0x3FB7]  }
0x39: {  	_ = 	snop;
	(pc) =	sbr.ind lr, $3  }
0x3a: {  	_ = 	snop  }
0x3b: {  	_ = 	snop  }
0x3c: {  	p2 =	seq.s32 s10, $0x1;
	s10 =	sld [smem:$0x3FB6]  }
0x3d: {  	_ =	shalt  }
0x3e: {  	_ =	shalt  }
0x3f: {  	_ =	shalt  }
0x40: {  	_ =	shalt  }
0x41: {  	_ =	shalt  }
0x42: {  	_ =	shalt  }
0x43: {  	_ =	shalt  }
0x44: {  	_ =	shalt  }
0x45: {  	_ =	shalt  }
0x46: {  	_ =	shalt  }
0x47: {  	_ =	shalt  }
0x48: {  	_ =	shalt  }
0x49: {  	_ =	shalt  }
0x4a: {  	_ =	shalt  }
0x4b: {  	_ =	shalt  }
0x4c: {  	_ =	shalt  }
0x4d: {  	_ =	shalt  }
0x4e: {  	_ =	shalt  }
0x4f: {  	_ =	shalt  }
0x50: {  	_ =	shalt  }
0x51: {  	_ =	shalt  }
0x52: {  	_ =	shalt  }
0x53: {  	_ =	shalt  }
0x54: {  	_ =	shalt  }
0x55: {  	_ =	shalt  }
0x56: {  	_ =	shalt  }
0x57: {  	_ =	shalt  }
0x58: {  	_ =	shalt  }
0x59: {  	_ =	shalt  }
0x5a: {  	_ =	shalt  }
0x5b: {  	_ =	shalt  }
0x5c: {  	_ =	shalt  }
0x5d: {  	_ =	shalt  }
0x5e: {  	_ =	shalt  }
0x5f: {  	_ =	shalt  }
0x60: {  	_ =	shalt  }
0x61: {  	_ =	shalt  }
0x62: {  	_ =	shalt  }
0x63: {  	_ =	shalt  }
0x64: {  	_ =	shalt  }
0x65: {  	_ =	shalt  }
0x66: {  	_ =	shalt  }
0x67: {  	_ =	shalt  }
0x68: {  	_ =	shalt  }
0x69: {  	_ =	shalt  }
0x6a: {  	_ =	shalt  }
0x6b: {  	_ =	shalt  }
0x6c: {  	_ =	shalt  }
0x6d: {  	_ =	shalt  }
0x6e: {  	_ =	shalt  }
0x6f: {  	_ =	shalt  }
0x70: {  	_ =	shalt  }
0x71: {  	_ =	shalt  }
0x72: {  	_ =	shalt  }
0x73: {  	_ =	shalt  }
0x74: {  	_ =	shalt  }
0x75: {  	_ =	shalt  }
0x76: {  	_ =	shalt  }
0x77: {  	_ =	shalt  }
0x78: {  	_ =	shalt  }
0x79: {  	_ =	shalt  }
0x7a: {  	_ =	shalt  }
0x7b: {  	_ =	shalt  }
0x7c: {  	_ =	shalt  }
0x7d: {  	_ =	shalt  }
0x7e: {  	_ =	shalt  }
0x7f: {  	_ =	shalt  }
0x80: {  	_ =	shalt  }
0x81: {  	_ =	shalt  }
0x82: {  	_ =	shalt  }
0x83: {  	_ =	shalt  }
0x84: {  	_ =	shalt  }
0x85: {  	_ =	shalt  }
0x86: {  	_ =	shalt  }
0x87: {  	_ =	shalt  }
.Lfunc_end0:
.L_simem_size_0:
called_computation.2_lowered:
.L_overlay_start_0:
0x88: {  	s2 =	sld [smem:$0x3FD9]  }
0x89: {  	s3 =	sld [smem:$0x3FFE];
	_ =	sdelay $0x1  }
0x8a: {  	s1 =	srdreg.scid  }
0x8b: {  	s0 =	sand.u32 $0x1, s1  }
0x8c: {  	s17 =	sshll.u32 s0, $0xA;
	s2 =	sadd.s32 s3, s2  }
0x8d: {  	s2 =	sadd.s32 s2, s17  }
0x8e: {  	[smem:$0x3FC2] =	sst s2  }
0x8f: {  	_ = 	snop  }
0x90: {  	s2 =	sld [smem:$0x3FD0];
	(tm) =	ssettm $0x1  }
0x91: {  	s18 =	sld [smem:$0x3FFB];
	_ =	sdelay $0x3  }
0x92: {  	_ =	strace s18  }
0x93: {  	s3 =	sld [smem:$0x3FFC];
	_ =	sdelay $0x3  }
0x94: {  	_ =	strace s3  }
0x95: {  	s3 =	sld [smem:$0x3FFD];
	_ =	sdelay $0x3  }
0x96: {  	_ =	strace s3  }
0x97: {  	_ =	strace $0x8FFFFFFF  }
0x98: {  	s19 =	sld [smem:$0x3FDB];
	_ =	sdelay $0x1  }
0x99: {  	s4 =	simm.s32 $_scs_section_size  }
0x9a: {  	s5 =	simm.s32 $_size__tile_overlayer_lowered;
	s6 =	simm.s32 $_tile_overlayer_lowered  }
0x9b: {  	s22 =	simm.s32 $0x1BFF;
	s21 =	sshll.u32 s6, $0x1;
	s3 =	sadd.s32 s4, s19  }
0x9c: {  	s7 =	simm.s32 $0x0;
	s20 =	sshll.u32 s5, $0x1;
	s5 =	sadd.s32 s21, s3  }
0x9d: {  	[timem:s7], [sflag:s22] =	dma.local [hbm:s5], s20  }
0x9e: {  	_ =	swait.ge [sflag:s22], s20  }
0x9f: {  	s4 =	ssub.s32 $0x0, s20;
	[sflag:s22] =	ssyncset.done $0x0  }
0xa0: {  	[sflag:s22] =	ssyncadd.s32 s4;
	_ =	sdelay $0x1  }
0xa1: {  	s23 =	simm.s32 $0x1B8B  }
0xa2: {  	_ =	swait.ge [sflag:s23], $0x1  }
0xa3: {  	[sflag:s23] =	ssyncset.done $0x0  }
0xa4: {  	s25 =	simm.s32 $0x1B8E;
	s24 =	sld [smem:$0x3FFE];
	[sflag:s23] =	ssyncadd.s32 $0xFFFFFFFF  }
0xa5: {  	s26 =	simm.s32 $execute0_lowered;
	[smem:$0x3FD2] =	sst s25  }
0xa6: {  	s5 =	sshll.u32 s26, $0x1;
	_ =	strace $0x8000004C;
	[dreg:$0x1] =	wrdreg $0xFFFFFFFF  }
0xa7: {  	s28 =	simm.s32 $_size_execute0_lowered;
	s3 =	sadd.s32 s3, s5;
	[dreg:$0x0] =	wrdreg $0x0  }
0xa8: {  	s5 =	sshll.u32 s28, $0x1;
	[dreg:$0x2] =	wrdreg s3  }
0xa9: {  	[dreg:$0x3] =	wrdreg s5  }
0xaa: {  	[dreg:$0x4] =	wrdreg $0xC0  }
0xab: {  	_ =	task [dreg:s7], $0x5FFFF  }
0xac: {  	[dreg:$0x1] =	wrdreg $0xFFFFFFFF  }
0xad: {  	[dreg:$0x0] =	wrdreg $0x60  }
0xae: {  	[dreg:$0x2] =	wrdreg s2  }
0xaf: {  	[dreg:$0x3] =	wrdreg s24  }
0xb0: {  	[dreg:$0x4] =	wrdreg $0x82000  }
0xb1: {  	[dreg:$0x5] =	wrdreg $0x9  }
0xb2: {  	_ =	task.clear_ibuf [dreg:s7], $0x6FFFF;
	_ =	strace $0x9000004C  }
0xb3: {  	s29 =	simm.s32 $0x9;
	_ =	strace $0x8000004E  }
0xb4: {  	_ =	swait.ge [sflag:s29], $0x1  }
0xb5: {  	[sflag:s29] =	ssyncadd.s32 $0xFFFFFFFF  }
0xb6: {  	_ =	strace $0x9000004E  }
0xb7: {  	_ =	sfence  }
0xb8: {  	s30 =	sld [smem:$0x0];
	_ =	sdelay $0x2  }
0xb9: {  	s31 =	sshll.u32 s1, $0xD;
	s1 =	sshrl.u32 s1, $0x2  }
0xba: {  	s3 =	sand.u32 $0x4000, s31;
	s1 =	sadd.s32 s1, s30  }
0xbb: {  	s0 =	sor.u32 s3, s0;
	s1 =	sshll.u32 s1, $0x11  }
0xbc: {  	s0 =	sor.u32 s1, s0  }
0xbd: {  	s0 =	sadd.s32 $0x8F2B, s0  }
0xbe: {  	[sflag:s0] =	ssyncadd.remote.s32 $0x1  }
0xbf: {  	_ =	sfence.sel $0xFFFF  }
0xc0: {  	[dreg:$0x0] =	wrdreg $0xFFFFFFFF;
	(pc) =	sbr.abs _section_cstart, $3  }
0xc1: {  	[dreg:$0x1] =	wrdreg $0xFFFFFFFF  }
0xc2: {  	_ =	task.clear_ibuf [dreg:s7], $0x2FFFF;
	_ =	strace $0x9FFFFFFF  }
0xc3: {  	(tm) =	ssettm $0x7FFFFFFF  }
tec
execute0_lowered:
.L_overlay_start_1:
0x0: {  	(tag) =	ssettag $0x1  }
0x1: {  	s1 =	rddreg [dreg:$0x0]  }
0x2: {  	s6 =	rddreg [dreg:$0x1]  }
0x3: {  	s3 =	rddreg [dreg:$0x2]  }
0x4: {  	s0 =	rddreg [dreg:$0x3];
	s4 =	simm.s32 $0x0;
	s2 =	stileid.u32  }
0x5: {  	s5 =	srdreg.scid;
	s14 =	simm.s32 $0x80;
	s7 =	smul.u32 $0x4F000, s2  }
0x6: {  	s15 =	simm.s32 $0x4200;
	s16 =	simm.s32 $0x1;
	s12 =	smul.u32 $0x500, s2  }
0x7: {  	s17 =	simm.s32 $0x180;
	s5 =	sand.u32 $0x1, s5;
	s19 =	smul.u32 $0x2780, s2  }
0x8: {  	s21 =	simm.s32 $0x0;
	[smem:$0x7FF] =	sst s4;
	s8 =	smul.u32 $0x5000, s5  }
0x9: {  	s31 =	sshll.u32 s2, $0x6;
	s9 =	smul.u32 $0x27800, s5;
	s10 =	ssub.s32 $0x2, s5  }
0xa: {  	_ =	strace $0x8000004D;
	s29 =	sshrl.u32 s7, $0x2;
	s30 =	sshrl.u32 s10, $0x1  }
0xb: {  	s8 =	sadd.s32 s8, s6;
	s5 =	sadd.s32 s29, s3;
	s9 =	sadd.s32 s9, s6  }
0xc: {  	s10 =	ssub.s32 s10, s30;
	s6 =	sadd.s32 $0x8000, s5;
	s7 =	sadd.s32 $0x10000, s5  }
0xd: {  	s11 =	sadd.s32 $0x33A00, s8;
	s13 =	sadd.s32 $0x2800, s8;
	s18 =	sadd.s32 $0x3DA00, s9  }
0xe: {  	s8 =	smax.u32 s10, $0x1;
	s9 =	simm.s32 $0x200;
	s10 =	simm.s32 $0x2  }
0xf: {  	s20 =	sshrl.u32 s5, $0x3;
	s11 =	sadd.s32 s12, s11;
	s12 =	sadd.s32 s12, s13  }
0x10: {  	v0 =	vimm.f32 $0.0e+00;
	s13 =	simm.s32 $0x100;
	s18 =	sadd.s32 s19, s18;
	s19 =	sor.u32 $0x1C02, s31  }
.LBB2_1:
0x11: {  	s22 =	simm.s32 $0x0;
	s23 =	simm.s32 $0x200  }
.LBB2_2:
0x12: {  	p0 =	sne.s32 s23, $0x1FE00;
	[tilespmem:s22+$0x270] =	vst v0  }
0x13: {  	[tilespmem:s22+$0x200] =	vst v0  }
0x14: {  	[tilespmem:s22+$0x210] =	vst v0  }
.Ltmp0:
0x15: {  	[tilespmem:s22+$0x220] =	vst v0;
	(pc) =	sbr.rel @p0 .LBB2_2-.Ltmp0, $4  }
0x16: {  	[tilespmem:s22+$0x230] =	vst v0  }
0x17: {  	[tilespmem:s22+$0x240] =	vst v0  }
0x18: {  	[tilespmem:s22+$0x250] =	vst v0  }
0x19: {  	[tilespmem:s22+$0x260] =	vst v0;
	s22 =	sshra.s32 s23, $0x2;
	s23 =	sadd.s32 $0x200, s23  }
0x1a: {  	[tilespmem:s22+$0x270] =	vst v0  }
0x1b: {  	[tilespmem:s22+$0x200] =	vst v0  }
0x1c: {  	[tilespmem:s22+$0x210] =	vst v0  }
0x1d: {  	[tilespmem:s22+$0x220] =	vst v0  }
0x1e: {  	[tilespmem:s22+$0x230] =	vst v0  }
0x1f: {  	[tilespmem:s22+$0x240] =	vst v0  }
0x20: {  	[tilespmem:s22+$0x250] =	vst v0  }
0x21: {  	[tilespmem:s22+$0x260] =	vst v0  }
0x22: {  	[spmem:s5] =	stream.linear.scatter [tilespmem:s9], [sflag:$0x2], $0x8000, $0x38;
	[tilespmem:$0x1BE00] =	vst v63  }
0x23: {  	_ =	swait.ge [sflag:s10], $0x8000  }
0x24: {  	[sflag:s10] =	ssyncset.done $0x0  }
0x25: {  	[sflag:s10] =	ssyncadd.s32 $0xFFFF8000  }
0x26: {  	[spmem:s6] =	stream.linear.scatter [tilespmem:s9], [sflag:$0x2], $0x8000, $0x38;
	[tilespmem:$0x1BE00] =	vst v63  }
0x27: {  	_ =	swait.ge [sflag:s10], $0x8000  }
0x28: {  	[sflag:s10] =	ssyncset.done $0x0  }
0x29: {  	[sflag:s10] =	ssyncadd.s32 $0xFFFF8000  }
0x2a: {  	[spmem:s7] =	stream.linear.scatter [tilespmem:s9], [sflag:$0x2], $0x3C00, $0x38;
	[tilespmem:$0x1BE00] =	vst v63  }
0x2b: {  	_ =	swait.ge [sflag:s10], $0x3C00  }
0x2c: {  	[sflag:s10] =	ssyncset.done $0x0  }
0x2d: {  	[sflag:s10] =	ssyncadd.s32 $0xFFFFC400  }
0x2e: {  	s30 =	sadd.s32 $0x0, s11;
	[bflag:$0x0] =	sbarrier.arrive $0xFFFF  }
0x2f: {  	[tilespmem:s4], [sflag:$0x2] =	stream.linear.gather [hbm4b:s30+s4], $0x100, $0x38;
	[tilespmem:$0x1BE00] =	vst v63  }
0x30: {  	_ =	swait.ge [sflag:s10], $0x100  }
0x31: {  	[sflag:s10] =	ssyncset.done $0x0  }
0x32: {  	s31 =	sadd.s32 $0x0, s12;
	[sflag:s10] =	ssyncadd.s32 $0xFFFFFF00  }
0x33: {  	[tilespmem:s13], [sflag:$0x2] =	stream.linear.gather [hbm4b:s31+s4], $0x100, $0x38;
	[tilespmem:$0x1BE00] =	vst v63  }
0x34: {  	_ =	swait.ge [sflag:s10], $0x100  }
0x35: {  	[sflag:s10] =	ssyncset.done $0x0  }
0x36: {  	[sflag:s10] =	ssyncadd.s32 $0xFFFFFF00  }
0x37: {  	[tilespmem:s9], [sflag:$0x1] =	stream.indirect.gather [hbm4b:s1+s14], $0x80, s4, s14, $0xb8;
	[tilespmem:$0x1BE00] =	vst v63  }
0x38: {  	_ = 	snop  }
0x39: {  	[tilespmem:s15], [sflag:$0x1] =	stream.indirect.gather [hbm4b:s1+s14], $0x80, s14, s14, $0xb8;
	[tilespmem:$0x1BE00] =	vst v63  }
0x3a: {  	_ =	swait.ge [sflag:s16], $0x4000  }
0x3b: {  	[sflag:s16] =	ssyncset.done $0x0  }
0x3c: {  	[sflag:s16] =	ssyncadd.s32 $0xFFFFC000  }
0x3d: {  	_ =	swait.ge [sflag:s16], $0x4000  }
0x3e: {  	[sflag:s16] =	ssyncset.done $0x0  }
0x3f: {  	[sflag:s16] =	ssyncadd.s32 $0xFFFFC000  }
0x40: {  	[spmem:s3] =	stream.indirect.scatter.add.f32 [tilespmem:s9], [sflag:$0x2], $0x80, s13, s14, $0xb8;
	[tilespmem:$0x1BE00] =	vst v63  }
0x41: {  	_ =	swait.ge [sflag:s10], $0x4000  }
0x42: {  	[sflag:s10] =	ssyncset.done $0x0  }
0x43: {  	[sflag:s10] =	ssyncadd.s32 $0xFFFFC000  }
0x44: {  	[spmem:s3] =	stream.indirect.scatter.add.f32 [tilespmem:s15], [sflag:$0x2], $0x80, s17, s14, $0xb8;
	[tilespmem:$0x1BE00] =	vst v63  }
0x45: {  	_ =	swait.ge [sflag:s10], $0x4000  }
0x46: {  	s22 =	simm.s32 $0x20;
	s23 =	simm.s32 $0x40;
	[sflag:s10] =	ssyncset.done $0x0  }
.LBB2_4:
0x47: {  	s24 =	sadd.s32 s22, s11  }
0x48: {  	[sflag:s10] =	ssyncadd.s32 $0xFFFFC000;
	s25 =	smov.u32 s23;
	s26 =	sadd.s32 $0x20, s23  }
0x49: {  	[tilespmem:s4], [sflag:$0x2] =	stream.linear.gather [hbm4b:s24+s4], $0x100, $0x38;
	[tilespmem:$0x1BE00] =	vst v63  }
0x4a: {  	p0 =	sne.s32 s23, $0x4E0;
	_ =	swait.ge [sflag:s10], $0x100  }
0x4b: {  	[sflag:s10] =	ssyncset.done $0x0  }
0x4c: {  	s23 =	sadd.s32 s22, s12;
	s22 =	smov.u32 s25;
	[sflag:s10] =	ssyncadd.s32 $0xFFFFFF00  }
0x4d: {  	[tilespmem:s13], [sflag:$0x2] =	stream.linear.gather [hbm4b:s23+s4], $0x100, $0x38;
	[tilespmem:$0x1BE00] =	vst v63  }
0x4e: {  	_ =	swait.ge [sflag:s10], $0x100  }
0x4f: {  	[sflag:s10] =	ssyncset.done $0x0  }
0x50: {  	[sflag:s10] =	ssyncadd.s32 $0xFFFFFF00  }
0x51: {  	[tilespmem:s9], [sflag:$0x1] =	stream.indirect.gather [hbm4b:s1+s14], $0x80, s4, s14, $0xb8;
	[tilespmem:$0x1BE00] =	vst v63  }
0x52: {  	_ = 	snop  }
0x53: {  	[tilespmem:s15], [sflag:$0x1] =	stream.indirect.gather [hbm4b:s1+s14], $0x80, s14, s14, $0xb8;
	[tilespmem:$0x1BE00] =	vst v63  }
0x54: {  	_ =	swait.ge [sflag:s16], $0x4000  }
0x55: {  	[sflag:s16] =	ssyncset.done $0x0  }
0x56: {  	[sflag:s16] =	ssyncadd.s32 $0xFFFFC000  }
0x57: {  	_ =	swait.ge [sflag:s16], $0x4000  }
0x58: {  	[sflag:s16] =	ssyncset.done $0x0  }
0x59: {  	[sflag:s16] =	ssyncadd.s32 $0xFFFFC000  }
0x5a: {  	[spmem:s3] =	stream.indirect.scatter.add.f32 [tilespmem:s9], [sflag:$0x2], $0x80, s13, s14, $0xb8;
	[tilespmem:$0x1BE00] =	vst v63  }
0x5b: {  	_ =	swait.ge [sflag:s10], $0x4000  }
.Ltmp1:
0x5c: {  	[sflag:s10] =	ssyncset.done $0x0;
	(pc) =	sbr.rel @p0 .LBB2_4-.Ltmp1, $4  }
0x5d: {  	[sflag:s10] =	ssyncadd.s32 $0xFFFFC000  }
0x5e: {  	[spmem:s3] =	stream.indirect.scatter.add.f32 [tilespmem:s15], [sflag:$0x2], $0x80, s17, s14, $0xb8;
	[tilespmem:$0x1BE00] =	vst v63  }
0x5f: {  	_ =	swait.ge [sflag:s10], $0x4000  }
0x60: {  	s23 =	smov.u32 s26;
	[sflag:s10] =	ssyncset.done $0x0  }
0x61: {  	s23 =	sadd.s32 s22, s11;
	[sflag:s10] =	ssyncadd.s32 $0xFFFFC000  }
0x62: {  	[tilespmem:s4], [sflag:$0x2] =	stream.linear.gather [hbm4b:s23+s4], $0x100, $0x38;
	[tilespmem:$0x1BE00] =	vst v63  }
0x63: {  	_ =	swait.ge [sflag:s10], $0x100  }
0x64: {  	[sflag:s10] =	ssyncset.done $0x0  }
0x65: {  	s31 =	sadd.s32 s22, s12;
	[sflag:s10] =	ssyncadd.s32 $0xFFFFFF00  }
0x66: {  	[tilespmem:s13], [sflag:$0x2] =	stream.linear.gather [hbm4b:s31+s4], $0x100, $0x38;
	[tilespmem:$0x1BE00] =	vst v63  }
0x67: {  	_ =	swait.ge [sflag:s10], $0x100  }
0x68: {  	[sflag:s10] =	ssyncset.done $0x0  }
0x69: {  	[sflag:s10] =	ssyncadd.s32 $0xFFFFFF00  }
0x6a: {  	[tilespmem:s9], [sflag:$0x1] =	stream.indirect.gather [hbm4b:s1+s14], $0x80, s4, s14, $0xb8;
	[tilespmem:$0x1BE00] =	vst v63  }
0x6b: {  	_ = 	snop  }
0x6c: {  	[tilespmem:s15], [sflag:$0x1] =	stream.indirect.gather [hbm4b:s1+s14], $0x80, s14, s14, $0xb8;
	[tilespmem:$0x1BE00] =	vst v63  }
0x6d: {  	_ =	swait.ge [sflag:s16], $0x4000  }
0x6e: {  	[sflag:s16] =	ssyncset.done $0x0  }
0x6f: {  	[sflag:s16] =	ssyncadd.s32 $0xFFFFC000  }
0x70: {  	_ =	swait.ge [sflag:s16], $0x4000  }
0x71: {  	[sflag:s16] =	ssyncset.done $0x0  }
0x72: {  	[sflag:s16] =	ssyncadd.s32 $0xFFFFC000  }
0x73: {  	[spmem:s3] =	stream.indirect.scatter.add.f32 [tilespmem:s9], [sflag:$0x2], $0x80, s13, s14, $0xb8;
	[tilespmem:$0x1BE00] =	vst v63  }
0x74: {  	_ =	swait.ge [sflag:s10], $0x4000  }
0x75: {  	[sflag:s10] =	ssyncset.done $0x0  }
0x76: {  	[sflag:s10] =	ssyncadd.s32 $0xFFFFC000  }
0x77: {  	[spmem:s3] =	stream.indirect.scatter.add.f32 [tilespmem:s15], [sflag:$0x2], $0x80, s17, s14, $0xb8;
	[tilespmem:$0x1BE00] =	vst v63  }
0x78: {  	_ =	swait.ge [sflag:s10], $0x4000  }
0x79: {  	s21 =	sadd.s32 $0x1, s21;
	[sflag:s10] =	ssyncset.done $0x0  }
0x7a: {  	p0 =	sne.s32 s21, s8;
	[sflag:s10] =	ssyncadd.s32 $0xFFFFC000  }
.Ltmp2:
0x7b: {  	[bflag:$0x0] =	sbarrier.arrive $0xFFFF;
	(pc) =	sbr.rel @p0 .LBB2_1-.Ltmp2, $4  }
0x7c: {  	[hbm:s18], [sflag:s19] =	dma.local [spmem:s20], $0x2780  }
0x7d: {  	_ =	swait.ge [sflag:s10], $0x2780  }
0x7e: {  	[sflag:s10] =	ssyncset.done $0x0  }
0x7f: {  	[sflag:s10] =	ssyncadd.s32 $0xFFFFD880  }
0x80: {  	_ =	sfence.sel $0x180000  }
0x81: {  	[bflag:$0x0] =	sbarrier.arrive $0xFFFF  }
0x82: {  	p0 =	sne.s32 s2, $0x0;
	_ =	strace $0x9000004D  }
0x83: {  	s0 =	sadd.s32 @!p0 $0x100000, s0;
	[bflag:$0x2] =	sbarrier.arrive $0xFFFF  }
0x84: {  	[sflag:s0] =	ssyncadd.tile.s32 @!p0 $0x1;
	_ =	shalt  }
.Lfunc_end2:
_tile_overlayer_lowered:
.L_overlay_start_2:
0x85: {  	(tag) =	ssettag $0x2  }
0x86: {  	s0 =	rddreg [dreg:$0x0];
	s2 =	stileid.u32  }
0x87: {  	s1 =	rddreg [dreg:$0x1];
	p0 =	sne.s32 s2, $0x0  }
0x88: {  	s3 =	rddreg [dreg:$0x2];
	[bflag:$0x3] =	sbarrier.arrive $0xFFFF;
	s2 =	simm.s32 @!p0 $0x1C02  }
0x89: {  	[timem:s3], [sflag:s2] =	dma.local @!p0 [hbm:s0], s1  }
0x8a: {  	s0 =	simm.s32 @!p0 $0x2  }
0x8b: {  	_ =	swait.ge @!p0 [sflag:s0], s1  }
0x8c: {  	s1 =	ssub.s32 @!p0 $0x0, s1;
	[sflag:s0] =	ssyncset.done @!p0 $0x0  }
0x8d: {  	[sflag:s0] =	ssyncadd.s32 @!p0 s1  }
0x8e: {  	[bflag:$0x3] =	sbarrier.arrive $0xFFFF  }
0x8f: {  	_ =	shalt  }

// kernel: kernel.8.cloned.1.call-start
scs
__scs_entry_jumppad:
0x0: {  	(pc) =	sbr.rel $0x88, $3  }
0x1: {  	(tag) =	ssettag $0x0;
	lr =	simm.s32 $0x1  }
0x2: {  	[smem:$0x3F9B] =	sst lr;
	_ =	strace $0xD0000000  }
0x3: {  	_ = 	snop  }
0x4: {  	_ = 	snop  }
0x5: {  	_ = 	snop  }
0x6: {  	_ = 	snop  }
0x7: {  	_ = 	snop  }
__scs_overlays_trampoline_lowered:
0x8: {  	[smem:$0x3FAA] =	sst s0  }
0x9: {  	[smem:$0x3FAB] =	sst s1  }
0xa: {  	[smem:$0x3FAC] =	sst s2  }
0xb: {  	[smem:$0x3FAD] =	sst s3  }
0xc: {  	[smem:$0x3FAE] =	sst s4  }
0xd: {  	[smem:$0x3FAF] =	sst s5  }
0xe: {  	[smem:$0x3FB0] =	sst s6  }
0xf: {  	[smem:$0x3FB1] =	sst s7  }
0x10: {  	[smem:$0x3FB2] =	sst s8  }
0x11: {  	[smem:$0x3FB3] =	sst s9;
	s0 =	simm.s32 @!p0 $0x0  }
0x12: {  	s1 =	sld [smem:$0x3F99];
	s0 =	simm.s32 @p0 $0x1  }
0x13: {  	[smem:$0x3FB4] =	sst s0;
	s0 =	simm.s32 @!p1 $0x0  }
0x14: {  	s2 =	sld [smem:$0x3F98];
	s0 =	simm.s32 @p1 $0x1  }
0x15: {  	[smem:$0x3FB5] =	sst s0;
	s0 =	simm.s32 @!p2 $0x0  }
0x16: {  	s3 =	sld [smem:$0x3FDB];
	s0 =	simm.s32 @p2 $0x1  }
0x17: {  	s4 =	simm.s32 $0x1BF5;
	[smem:$0x3FB7] =	sst s0  }
0x18: {  	s0 =	sld [smem:$0x3F9A];
	_ =	swait.ge [sflag:s4], $0x0  }
0x19: {  	s7 =	sld [smem:$0x3F9B]  }
0x1a: {  	s8 =	sadd.s32 $0xFFFFE003, lr  }
0x1b: {  	s9 =	sadd.s32 $0xFFFFFEF7, lr;
	s5 =	simm.s32 $0xFFFFFFFF;
	p2 =	slt.u32 s8, $0xFFFFF086  }
0x1c: {  	p1 =	slt.u32 s9, $0xF7A;
	s5 =	simm.s32 @!p2 $0x0  }
0x1d: {  	s5 =	simm.s32 @p1 $0x1;
	p0 =	seq.s32 s7, s2  }
0x1e: {  	s7 =	smul.u32 @!p0 $0xF7A, s2;
	p2 =	seq.s32 @!p0 s5, $0x0  }
0x1f: {  	s9 =	smul.u32 $0xF7A, s1;
	s8 =	simm.s32 @!p0 $0x1BF5;
	p2 =	por !p2, p0  }
0x20: {  	[sflag:s8] =	ssyncset.s32 @!p0 $0xFFFFF086;
	s6 =	sadd.s32 @!p0 s3, s7;
	s7 =	simm.s32 @!p0 $0x108  }
0x21: {  	s3 =	sadd.s32 s3, s9;
	s6 =	sadd.s32 @!p0 $0x88, s6;
	s7 =	simm.s32 @p2 $0x1082  }
0x22: {  	[simem:s7], [sflag:s8] =	dma.local @!p0 [hbm:s6], $0xF7A  }
0x23: {  	s9 =	sor.u32 $0xD0000000, s2;
	s6 =	simm.s32 $0x108;
	_ =	swait.ge @!p0 [sflag:s8], $0x0  }
0x24: {  	s3 =	sadd.s32 $0x88, s3;
	s6 =	simm.s32 @!p1 $0x1082;
	[sflag:s4] =	ssyncset.s32 $0xFFFFF086  }
0x25: {  	[simem:s6], [sflag:s4] =	dma.local [hbm:s3], $0xF7A  }
0x26: {  	[smem:$0x3F9B] =	sst s1;
	(tag) =	ssettag s2;
	_ =	strace s9  }
0x27: {  	s1 =	sld [smem:$0x3FAB]  }
0x28: {  	s2 =	sld [smem:$0x3FAC]  }
0x29: {  	s4 =	sld [smem:$0x3FAE]  }
0x2a: {  	p0 =	seq.s32 s5, $0x0;
	s5 =	sld [smem:$0x3FAF]  }
0x2b: {  	s6 =	sld [smem:$0x3FB0]  }
0x2c: {  	s7 =	sld [smem:$0x3FB1]  }
0x2d: {  	s3 =	simm.s32 $0x108;
	s8 =	sld [smem:$0x3FB2]  }
0x2e: {  	s3 =	simm.s32 @!p0 $0x1082;
	s9 =	sld [smem:$0x3FB3]  }
0x2f: {  	lr =	sadd.s32 s0, s3;
	s0 =	sld [smem:$0x3FAA]  }
0x30: {  	s3 =	sld [smem:$0x3FAD]  }
0x31: {  	[smem:$0x3FB6] =	sst s10  }
0x32: {  	s10 =	sld [smem:$0x3FB4];
	_ =	sdelay $0x3  }
0x33: {  	p0 =	seq.s32 s10, $0x1;
	s10 =	sld [smem:$0x3FB6];
	_ =	sdelay $0x3  }
0x34: {  	[smem:$0x3FB6] =	sst s10  }
0x35: {  	s10 =	sld [smem:$0x3FB5];
	_ =	sdelay $0x3  }
0x36: {  	p1 =	seq.s32 s10, $0x1;
	s10 =	sld [smem:$0x3FB6];
	_ =	sdelay $0x3  }
0x37: {  	[smem:$0x3FB6] =	sst s10  }
0x38: {  	s10 =	sld [smem:$0x3FB7]  }
0x39: {  	_ = 	snop;
	(pc) =	sbr.ind lr, $3  }
0x3a: {  	_ = 	snop  }
0x3b: {  	_ = 	snop  }
0x3c: {  	p2 =	seq.s32 s10, $0x1;
	s10 =	sld [smem:$0x3FB6]  }
0x3d: {  	_ =	shalt  }
0x3e: {  	_ =	shalt  }
0x3f: {  	_ =	shalt  }
0x40: {  	_ =	shalt  }
0x41: {  	_ =	shalt  }
0x42: {  	_ =	shalt  }
0x43: {  	_ =	shalt  }
0x44: {  	_ =	shalt  }
0x45: {  	_ =	shalt  }
0x46: {  	_ =	shalt  }
0x47: {  	_ =	shalt  }
0x48: {  	_ =	shalt  }
0x49: {  	_ =	shalt  }
0x4a: {  	_ =	shalt  }
0x4b: {  	_ =	shalt  }
0x4c: {  	_ =	shalt  }
0x4d: {  	_ =	shalt  }
0x4e: {  	_ =	shalt  }
0x4f: {  	_ =	shalt  }
0x50: {  	_ =	shalt  }
0x51: {  	_ =	shalt  }
0x52: {  	_ =	shalt  }
0x53: {  	_ =	shalt  }
0x54: {  	_ =	shalt  }
0x55: {  	_ =	shalt  }
0x56: {  	_ =	shalt  }
0x57: {  	_ =	shalt  }
0x58: {  	_ =	shalt  }
0x59: {  	_ =	shalt  }
0x5a: {  	_ =	shalt  }
0x5b: {  	_ =	shalt  }
0x5c: {  	_ =	shalt  }
0x5d: {  	_ =	shalt  }
0x5e: {  	_ =	shalt  }
0x5f: {  	_ =	shalt  }
0x60: {  	_ =	shalt  }
0x61: {  	_ =	shalt  }
0x62: {  	_ =	shalt  }
0x63: {  	_ =	shalt  }
0x64: {  	_ =	shalt  }
0x65: {  	_ =	shalt  }
0x66: {  	_ =	shalt  }
0x67: {  	_ =	shalt  }
0x68: {  	_ =	shalt  }
0x69: {  	_ =	shalt  }
0x6a: {  	_ =	shalt  }
0x6b: {  	_ =	shalt  }
0x6c: {  	_ =	shalt  }
0x6d: {  	_ =	shalt  }
0x6e: {  	_ =	shalt  }
0x6f: {  	_ =	shalt  }
0x70: {  	_ =	shalt  }
0x71: {  	_ =	shalt  }
0x72: {  	_ =	shalt  }
0x73: {  	_ =	shalt  }
0x74: {  	_ =	shalt  }
0x75: {  	_ =	shalt  }
0x76: {  	_ =	shalt  }
0x77: {  	_ =	shalt  }
0x78: {  	_ =	shalt  }
0x79: {  	_ =	shalt  }
0x7a: {  	_ =	shalt  }
0x7b: {  	_ =	shalt  }
0x7c: {  	_ =	shalt  }
0x7d: {  	_ =	shalt  }
0x7e: {  	_ =	shalt  }
0x7f: {  	_ =	shalt  }
0x80: {  	_ =	shalt  }
0x81: {  	_ =	shalt  }
0x82: {  	_ =	shalt  }
0x83: {  	_ =	shalt  }
0x84: {  	_ =	shalt  }
0x85: {  	_ =	shalt  }
0x86: {  	_ =	shalt  }
0x87: {  	_ =	shalt  }
.Lfunc_end0:
.L_simem_size_0:
called_computation_lowered:
.L_overlay_start_0:
0x88: {  	s2 =	sld [smem:$0x3FD9]  }
0x89: {  	s3 =	sld [smem:$0x3FFE];
	_ =	sdelay $0x1  }
0x8a: {  	s1 =	srdreg.scid  }
0x8b: {  	s0 =	sand.u32 $0x1, s1  }
0x8c: {  	s16 =	sshll.u32 s0, $0xA;
	s2 =	sadd.s32 s3, s2  }
0x8d: {  	s2 =	sadd.s32 s2, s16  }
0x8e: {  	[smem:$0x3FC2] =	sst s2  }
0x8f: {  	_ = 	snop  }
0x90: {  	(tm) =	ssettm $0x1  }
0x91: {  	s17 =	sld [smem:$0x3FFB];
	_ =	sdelay $0x3  }
0x92: {  	_ =	strace s17  }
0x93: {  	s2 =	sld [smem:$0x3FFC];
	_ =	sdelay $0x3  }
0x94: {  	_ =	strace s2  }
0x95: {  	s2 =	sld [smem:$0x3FFD];
	_ =	sdelay $0x3  }
0x96: {  	_ =	strace s2  }
0x97: {  	_ =	strace $0x8FFFFFFF  }
0x98: {  	s18 =	sld [smem:$0x3FDB];
	_ =	sdelay $0x1  }
0x99: {  	s19 =	simm.s32 $_scs_section_size  }
0x9a: {  	s4 =	simm.s32 $_size__tile_overlayer_lowered;
	s5 =	simm.s32 $_tile_overlayer_lowered  }
0x9b: {  	s22 =	simm.s32 $0x1BFF;
	s21 =	sshll.u32 s5, $0x1;
	s2 =	sadd.s32 s19, s18  }
0x9c: {  	s6 =	simm.s32 $0x0;
	s20 =	sshll.u32 s4, $0x1;
	s4 =	sadd.s32 s21, s2  }
0x9d: {  	[timem:s6], [sflag:s22] =	dma.local [hbm:s4], s20  }
0x9e: {  	_ =	swait.ge [sflag:s22], s20  }
0x9f: {  	s3 =	ssub.s32 $0x0, s20;
	[sflag:s22] =	ssyncset.done $0x0  }
0xa0: {  	[sflag:s22] =	ssyncadd.s32 s3;
	_ =	sdelay $0x1  }
0xa1: {  	s23 =	simm.s32 $0x1B8B  }
0xa2: {  	_ =	swait.ge [sflag:s23], $0x1  }
0xa3: {  	[sflag:s23] =	ssyncset.done $0x0  }
0xa4: {  	s25 =	simm.s32 $0x1B8E;
	s24 =	sld [smem:$0x3FFE];
	[sflag:s23] =	ssyncadd.s32 $0xFFFFFFFF  }
0xa5: {  	s26 =	simm.s32 $execute0_lowered;
	[smem:$0x3FD2] =	sst s25  }
0xa6: {  	s4 =	sshll.u32 s26, $0x1;
	_ =	strace $0x80000046;
	[dreg:$0x1] =	wrdreg $0xFFFFFFFF  }
0xa7: {  	s28 =	simm.s32 $_size_execute0_lowered;
	s2 =	sadd.s32 s2, s4;
	[dreg:$0x0] =	wrdreg $0x0  }
0xa8: {  	s4 =	sshll.u32 s28, $0x1;
	[dreg:$0x2] =	wrdreg s2  }
0xa9: {  	[dreg:$0x3] =	wrdreg s4  }
0xaa: {  	[dreg:$0x4] =	wrdreg $0xC0  }
0xab: {  	_ =	task [dreg:s6], $0x5FFFF  }
0xac: {  	[dreg:$0x1] =	wrdreg $0xFFFFFFFF  }
0xad: {  	[dreg:$0x0] =	wrdreg $0x60  }
0xae: {  	[dreg:$0x2] =	wrdreg s24  }
0xaf: {  	[dreg:$0x3] =	wrdreg $0x41000  }
0xb0: {  	[dreg:$0x4] =	wrdreg $0x9  }
0xb1: {  	_ =	task.clear_ibuf [dreg:s6], $0x5FFFF;
	_ =	strace $0x90000046  }
0xb2: {  	s29 =	simm.s32 $0x9;
	_ =	strace $0x80000048  }
0xb3: {  	_ =	swait.ge [sflag:s29], $0x1  }
0xb4: {  	[sflag:s29] =	ssyncadd.s32 $0xFFFFFFFF  }
0xb5: {  	_ =	strace $0x90000048  }
0xb6: {  	_ =	sfence  }
0xb7: {  	s30 =	sld [smem:$0x0];
	_ =	sdelay $0x2  }
0xb8: {  	s31 =	sshll.u32 s1, $0xD;
	s1 =	sshrl.u32 s1, $0x2  }
0xb9: {  	s3 =	sand.u32 $0x4000, s31;
	s1 =	sadd.s32 s1, s30  }
0xba: {  	s0 =	sor.u32 s3, s0;
	s1 =	sshll.u32 s1, $0x11  }
0xbb: {  	s0 =	sor.u32 s1, s0  }
0xbc: {  	s0 =	sadd.s32 $0x8F2B, s0  }
0xbd: {  	[sflag:s0] =	ssyncadd.remote.s32 $0x1  }
0xbe: {  	_ =	sfence.sel $0xFFFF  }
0xbf: {  	[dreg:$0x0] =	wrdreg $0xFFFFFFFF;
	(pc) =	sbr.abs _section_cstart, $3  }
0xc0: {  	[dreg:$0x1] =	wrdreg $0xFFFFFFFF  }
0xc1: {  	_ =	task.clear_ibuf [dreg:s6], $0x2FFFF;
	_ =	strace $0x9FFFFFFF  }
0xc2: {  	(tm) =	ssettm $0x7FFFFFFF  }
0xc3: {  	_ =	shalt  }
tec
execute0_lowered:
.L_overlay_start_1:
0x0: {  	(tag) =	ssettag $0x1  }
0x1: {  	s2 =	srdreg.scid  }
0x2: {  	s4 =	rddreg [dreg:$0x0];
	s5 =	sand.u32 $0x1, s2  }
0x3: {  	s2 =	stileid.u32;
	s6 =	smul.u32 $0x5000, s5  }
0x4: {  	s1 =	rddreg [dreg:$0x1];
	s7 =	smul.u32 $0x4F000, s2  }
0x5: {  	s0 =	rddreg [dreg:$0x2];
	s3 =	simm.s32 $0x0;
	s8 =	smul.u32 $0x27800, s5  }
0x6: {  	s17 =	simm.s32 $0x0;
	[smem:$0x7FF] =	sst s3;
	s13 =	smul.u32 $0x500, s2  }
0x7: {  	_ =	strace $0x80000047;
	s5 =	ssub.s32 $0x2, s5;
	s15 =	smul.u32 $0x2780, s2  }
0x8: {  	s31 =	sshll.u32 s2, $0x6;
	s30 =	sshrl.u32 s5, $0x1;
	s9 =	sadd.s32 s6, s4  }
0x9: {  	s7 =	sshrl.u32 s7, $0x2;
	s10 =	sadd.s32 s8, s4;
	s11 =	ssub.s32 s5, s30  }
0xa: {  	s4 =	sadd.s32 s7, s1;
	s12 =	sadd.s32 $0x2800, s9;
	s14 =	sadd.s32 $0xC800, s10  }
0xb: {  	s9 =	smax.u32 s11, $0x1;
	s10 =	simm.s32 $0x100;
	s11 =	simm.s32 $0x1  }
0xc: {  	s5 =	sadd.s32 $0x4000, s4;
	s6 =	sadd.s32 $0x8000, s4;
	s7 =	sadd.s32 $0xC000, s4  }
0xd: {  	s8 =	sadd.s32 $0x10000, s4;
	s12 =	sadd.s32 s13, s12;
	s13 =	simm.s32 $0x80  }
0xe: {  	v0 =	vimm.f32 $0.0e+00;
	v1 =	vimm.f32 $1.000000000e+00;
	s14 =	sadd.s32 s15, s14;
	s15 =	sor.u32 $0x1C01, s31;
	s16 =	sshrl.u32 s4, $0x3  }
.LBB2_1:
0xf: {  	s18 =	simm.s32 $0x0;
	s19 =	simm.s32 $0x200  }
.LBB2_2:
0x10: {  	p0 =	sne.s32 s19, $0xFE00;
	[tilespmem:s18+$0x170] =	vst v0  }
0x11: {  	[tilespmem:s18+$0x100] =	vst v0  }
0x12: {  	[tilespmem:s18+$0x110] =	vst v0  }
.Ltmp0:
0x13: {  	[tilespmem:s18+$0x120] =	vst v0;
	(pc) =	sbr.rel @p0 .LBB2_2-.Ltmp0, $4  }
0x14: {  	[tilespmem:s18+$0x130] =	vst v0  }
0x15: {  	[tilespmem:s18+$0x140] =	vst v0  }
0x16: {  	[tilespmem:s18+$0x150] =	vst v0  }
0x17: {  	[tilespmem:s18+$0x160] =	vst v0;
	s18 =	sshra.s32 s19, $0x2;
	s19 =	sadd.s32 $0x200, s19  }
0x18: {  	[tilespmem:s18+$0x170] =	vst v0  }
0x19: {  	[tilespmem:s18+$0x100] =	vst v0  }
0x1a: {  	[tilespmem:s18+$0x110] =	vst v0  }
0x1b: {  	[tilespmem:s18+$0x120] =	vst v0  }
0x1c: {  	[tilespmem:s18+$0x130] =	vst v0  }
0x1d: {  	[tilespmem:s18+$0x140] =	vst v0  }
0x1e: {  	[tilespmem:s18+$0x150] =	vst v0  }
0x1f: {  	[tilespmem:s18+$0x160] =	vst v0  }
0x20: {  	[spmem:s4] =	stream.linear.scatter [tilespmem:s10], [sflag:$0x1], $0x4000, $0x38;
	[tilespmem:$0x17D00] =	vst v63  }
0x21: {  	_ =	swait.ge [sflag:s11], $0x4000  }
0x22: {  	[sflag:s11] =	ssyncset.done $0x0  }
0x23: {  	[sflag:s11] =	ssyncadd.s32 $0xFFFFC000  }
0x24: {  	[spmem:s5] =	stream.linear.scatter [tilespmem:s10], [sflag:$0x1], $0x4000, $0x38;
	[tilespmem:$0x17D00] =	vst v63  }
0x25: {  	_ =	swait.ge [sflag:s11], $0x4000  }
0x26: {  	[sflag:s11] =	ssyncset.done $0x0  }
0x27: {  	[sflag:s11] =	ssyncadd.s32 $0xFFFFC000  }
0x28: {  	[spmem:s6] =	stream.linear.scatter [tilespmem:s10], [sflag:$0x1], $0x4000, $0x38;
	[tilespmem:$0x17D00] =	vst v63  }
0x29: {  	_ =	swait.ge [sflag:s11], $0x4000  }
0x2a: {  	[sflag:s11] =	ssyncset.done $0x0  }
0x2b: {  	[sflag:s11] =	ssyncadd.s32 $0xFFFFC000  }
0x2c: {  	[spmem:s7] =	stream.linear.scatter [tilespmem:s10], [sflag:$0x1], $0x4000, $0x38;
	[tilespmem:$0x17D00] =	vst v63  }
0x2d: {  	_ =	swait.ge [sflag:s11], $0x4000  }
0x2e: {  	[sflag:s11] =	ssyncset.done $0x0  }
0x2f: {  	[sflag:s11] =	ssyncadd.s32 $0xFFFFC000  }
0x30: {  	[spmem:s8] =	stream.linear.scatter [tilespmem:s10], [sflag:$0x1], $0x3C00, $0x38;
	[tilespmem:$0x17D00] =	vst v63  }
0x31: {  	_ =	swait.ge [sflag:s11], $0x3C00  }
0x32: {  	[sflag:s11] =	ssyncset.done $0x0  }
0x33: {  	s18 =	simm.s32 $0x0;
	s19 =	simm.s32 $0x200;
	[sflag:s11] =	ssyncadd.s32 $0xFFFFC400  }
.LBB2_4:
0x34: {  	p0 =	sne.s32 s19, $0xFE00;
	[tilespmem:s18+$0x170] =	vst v1  }
0x35: {  	[tilespmem:s18+$0x100] =	vst v1  }
0x36: {  	[tilespmem:s18+$0x110] =	vst v1  }
.Ltmp1:
0x37: {  	[tilespmem:s18+$0x120] =	vst v1;
	(pc) =	sbr.rel @p0 .LBB2_4-.Ltmp1, $4  }
0x38: {  	[tilespmem:s18+$0x130] =	vst v1  }
0x39: {  	[tilespmem:s18+$0x140] =	vst v1  }
0x3a: {  	[tilespmem:s18+$0x150] =	vst v1  }
0x3b: {  	[tilespmem:s18+$0x160] =	vst v1;
	s18 =	sshra.s32 s19, $0x2;
	s19 =	sadd.s32 $0x200, s19  }
0x3c: {  	[tilespmem:s18+$0x170] =	vst v1  }
0x3d: {  	[tilespmem:s18+$0x100] =	vst v1  }
0x3e: {  	[tilespmem:s18+$0x110] =	vst v1  }
0x3f: {  	[tilespmem:s18+$0x120] =	vst v1  }
0x40: {  	[tilespmem:s18+$0x130] =	vst v1  }
0x41: {  	[tilespmem:s18+$0x140] =	vst v1  }
0x42: {  	[tilespmem:s18+$0x150] =	vst v1  }
0x43: {  	[tilespmem:s18+$0x160] =	vst v1  }
0x44: {  	s31 =	sadd.s32 $0x0, s12;
	[bflag:$0x0] =	sbarrier.arrive $0xFFFF  }
0x45: {  	[tilespmem:s3], [sflag:$0x1] =	stream.linear.gather [hbm4b:s31+s3], $0x100, $0x38;
	[tilespmem:$0x17D00] =	vst v63  }
0x46: {  	_ =	swait.ge [sflag:s11], $0x100  }
0x47: {  	[sflag:s11] =	ssyncset.done $0x0  }
0x48: {  	[sflag:s11] =	ssyncadd.s32 $0xFFFFFF00  }
0x49: {  	[spmem:s1] =	stream.indirect.scatter.add.f32 [tilespmem:s10], [sflag:$0x1], $0x80, s3, s13, $0xb8;
	[tilespmem:$0x17D00] =	vst v63  }
0x4a: {  	_ =	swait.ge [sflag:s11], $0x4000  }
0x4b: {  	[sflag:s11] =	ssyncset.done $0x0  }
0x4c: {  	[sflag:s11] =	ssyncadd.s32 $0xFFFFC000  }
0x4d: {  	[spmem:s1] =	stream.indirect.scatter.add.f32 [tilespmem:s10], [sflag:$0x1], $0x80, s13, s13, $0xb8;
	[tilespmem:$0x17D00] =	vst v63  }
0x4e: {  	_ =	swait.ge [sflag:s11], $0x4000  }
0x4f: {  	s18 =	simm.s32 $0x20;
	s19 =	simm.s32 $0x40;
	[sflag:s11] =	ssyncset.done $0x0  }
.LBB2_6:
0x50: {  	s20 =	sadd.s32 s18, s12  }
0x51: {  	[sflag:s11] =	ssyncadd.s32 $0xFFFFC000;
	s18 =	smov.u32 s19;
	s21 =	sadd.s32 $0x20, s19  }
0x52: {  	[tilespmem:s3], [sflag:$0x1] =	stream.linear.gather [hbm4b:s20+s3], $0x100, $0x38;
	[tilespmem:$0x17D00] =	vst v63  }
0x53: {  	p0 =	sne.s32 s19, $0x4E0;
	_ =	swait.ge [sflag:s11], $0x100  }
0x54: {  	[sflag:s11] =	ssyncset.done $0x0  }
0x55: {  	[sflag:s11] =	ssyncadd.s32 $0xFFFFFF00  }
0x56: {  	[spmem:s1] =	stream.indirect.scatter.add.f32 [tilespmem:s10], [sflag:$0x1], $0x80, s3, s13, $0xb8;
	[tilespmem:$0x17D00] =	vst v63  }
0x57: {  	_ =	swait.ge [sflag:s11], $0x4000  }
.Ltmp2:
0x58: {  	[sflag:s11] =	ssyncset.done $0x0;
	(pc) =	sbr.rel @p0 .LBB2_6-.Ltmp2, $4  }
0x59: {  	[sflag:s11] =	ssyncadd.s32 $0xFFFFC000  }
0x5a: {  	[spmem:s1] =	stream.indirect.scatter.add.f32 [tilespmem:s10], [sflag:$0x1], $0x80, s13, s13, $0xb8;
	[tilespmem:$0x17D00] =	vst v63  }
0x5b: {  	_ =	swait.ge [sflag:s11], $0x4000  }
0x5c: {  	s19 =	smov.u32 s21;
	[sflag:s11] =	ssyncset.done $0x0  }
0x5d: {  	s18 =	sadd.s32 s18, s12;
	[sflag:s11] =	ssyncadd.s32 $0xFFFFC000  }
0x5e: {  	[tilespmem:s3], [sflag:$0x1] =	stream.linear.gather [hbm4b:s18+s3], $0x100, $0x38;
	[tilespmem:$0x17D00] =	vst v63  }
0x5f: {  	_ =	swait.ge [sflag:s11], $0x100  }
0x60: {  	[sflag:s11] =	ssyncset.done $0x0  }
0x61: {  	[sflag:s11] =	ssyncadd.s32 $0xFFFFFF00  }
0x62: {  	[spmem:s1] =	stream.indirect.scatter.add.f32 [tilespmem:s10], [sflag:$0x1], $0x80, s3, s13, $0xb8;
	[tilespmem:$0x17D00] =	vst v63  }
0x63: {  	_ =	swait.ge [sflag:s11], $0x4000  }
0x64: {  	[sflag:s11] =	ssyncset.done $0x0  }
0x65: {  	[sflag:s11] =	ssyncadd.s32 $0xFFFFC000  }
0x66: {  	[spmem:s1] =	stream.indirect.scatter.add.f32 [tilespmem:s10], [sflag:$0x1], $0x80, s13, s13, $0xb8;
	[tilespmem:$0x17D00] =	vst v63  }
0x67: {  	_ =	swait.ge [sflag:s11], $0x4000  }
0x68: {  	s17 =	sadd.s32 $0x1, s17;
	[sflag:s11] =	ssyncset.done $0x0  }
0x69: {  	p0 =	sne.s32 s17, s9;
	[sflag:s11] =	ssyncadd.s32 $0xFFFFC000  }
.Ltmp3:
0x6a: {  	[bflag:$0x0] =	sbarrier.arrive $0xFFFF;
	(pc) =	sbr.rel @p0 .LBB2_1-.Ltmp3, $4  }
0x6b: {  	[hbm:s14], [sflag:s15] =	dma.local [spmem:s16], $0x2780  }
0x6c: {  	_ =	swait.ge [sflag:s11], $0x2780  }
0x6d: {  	[sflag:s11] =	ssyncset.done $0x0  }
0x6e: {  	[sflag:s11] =	ssyncadd.s32 $0xFFFFD880  }
0x6f: {  	_ =	sfence.sel $0x180000  }
0x70: {  	[bflag:$0x0] =	sbarrier.arrive $0xFFFF  }
0x71: {  	p0 =	sne.s32 s2, $0x0;
	_ =	strace $0x90000047  }
0x72: {  	s0 =	sadd.s32 @!p0 $0x100000, s0;
	[bflag:$0x2] =	sbarrier.arrive $0xFFFF  }
0x73: {  	[sflag:s0] =	ssyncadd.tile.s32 @!p0 $0x1;
	_ =	shalt  }
.Lfunc_end2:
_tile_overlayer_lowered:
.L_overlay_start_2:
0x74: {  	(tag) =	ssettag $0x2  }
0x75: {  	s0 =	rddreg [dreg:$0x0];
	s2 =	stileid.u32  }
0x76: {  	s1 =	rddreg [dreg:$0x1];
	p0 =	sne.s32 s2, $0x0  }
0x77: {  	s3 =	rddreg [dreg:$0x2];
	[bflag:$0x3] =	sbarrier.arrive $0xFFFF;
	s2 =	simm.s32 @!p0 $0x1C01  }
0x78: {  	[timem:s3], [sflag:s2] =	dma.local @!p0 [hbm:s0], s1  }
0x79: {  	s0 =	simm.s32 @!p0 $0x1  }
0x7a: {  	_ =	swait.ge @!p0 [sflag:s0], s1  }
0x7b: {  	s1 =	ssub.s32 @!p0 $0x0, s1;
	[sflag:s0] =	ssyncset.done @!p0 $0x0  }
0x7c: {  	[sflag:s0] =	ssyncadd.s32 @!p0 s1  }
0x7d: {  	[bflag:$0x3] =	sbarrier.arrive $0xFFFF  }
0x7e: {  	_ =	shalt  }

</sc_bundles>
